<compile_context>
chip_gen: v7x
topology: tpu7x:2x2x1
jax: 0.10.2.dev20260603
libtpu: 0.0.44.dev20260713+nightly
codegen_flags: <defaults>
</compile_context>

<pallas_src>
import jax
import jax.numpy as jnp
from jax import lax
from jax.experimental import pallas as pl
from jax.experimental.pallas import tpu as pltpu
from jax.experimental.pallas import tpu_sc as plsc

NC, NS, L = 2, 16, 16
NW = NC * NS
BATCH, SEQ, HID = 16384, 200, 64
SEQ_PER_W = BATCH // NW
NSEQ_CHUNK = 2
N_ITERS = SEQ_PER_W // NSEQ_CHUNK
IDX_ROW = 104
IDX_OFF = (0, 96)
NBUF = 4
K = 2


def _body(idx_hbm, wtok_hbm, wpos_hbm, out_hbm, idx_v, rows_v, pos_v,
          gsem, osem):
    c = lax.axis_index("c")
    s = lax.axis_index("s")
    wid = s * NC + c
    pltpu.sync_copy(wpos_hbm.at[pl.ds(0, SEQ)], pos_v)
    seq0 = wid * SEQ_PER_W

    def gather_pairs(b):
        for n in range(NSEQ_CHUNK):
            for off in IDX_OFF:
                yield (idx_v.at[b, n, pl.ds(off, IDX_ROW)],
                       rows_v.at[b, pl.ds(n * SEQ + off, IDX_ROW)])

    def fire_gathers(it, b):
        seq = seq0 + it * NSEQ_CHUNK
        pltpu.sync_copy(idx_hbm.at[pl.ds(seq, NSEQ_CHUNK)], idx_v.at[b])
        for isrc, rdst in gather_pairs(b):
            pltpu.async_copy(wtok_hbm.at[isrc], rdst, gsem.at[b])

    def wait_gathers(b):
        for isrc, rdst in gather_pairs(b):
            pltpu.make_async_copy(wtok_hbm.at[isrc], rdst, gsem.at[b]).wait()

    def write_pairs(b, it):
        for n in range(NSEQ_CHUNK):
            yield (rows_v.at[b, pl.ds(n * SEQ, SEQ)],
                   out_hbm.at[seq0 + it * NSEQ_CHUNK + n, pl.ds(0, SEQ),
                              pl.ds(0, HID)])

    def wait_write(b, it):
        for src, dst in write_pairs(b, it):
            pltpu.make_async_copy(src, dst, osem.at[b]).wait()

    def add_pos(b):
        @plsc.parallel_loop(0, SEQ, unroll=2)
        def _add_row(j):
            for q in range(HID // L):
                sl = pl.ds(q * L, L)
                p = pos_v[j, sl]
                for n in range(NSEQ_CHUNK):
                    plsc.addupdate(rows_v.at[b, n * SEQ + j, sl], p)

    for b in range(K):
        fire_gathers(b, b)

    def superstep(ss, carry):
        for b in range(NBUF):
            it = ss * NBUF + b
            nxt = it + K
            pb = (b + K) % NBUF
            @pl.when(jnp.logical_and(nxt >= NBUF, nxt < N_ITERS))
            def _():
                wait_write(pb, nxt - NBUF)
            @pl.when(nxt < N_ITERS)
            def _():
                fire_gathers(nxt, pb)
            wait_gathers(b)
            add_pos(b)
            for src_, dst_ in write_pairs(b, it):
                pltpu.async_copy(src_, dst_, osem.at[b])
        return carry

    lax.fori_loop(0, N_ITERS // NBUF, superstep, 0)

    for it in range(N_ITERS - K, N_ITERS):
        wait_write(it % NBUF, it)


_mesh = plsc.VectorSubcoreMesh(core_axis_name="c", subcore_axis_name="s")

_gather_add = pl.kernel(
    _body,
    mesh=_mesh,
    compiler_params=pltpu.CompilerParams(use_tc_tiling_on_sc=False),
    out_type=jax.ShapeDtypeStruct((BATCH, SEQ, 128), jnp.float32),
    scratch_types=[
        pltpu.VMEM((NBUF, NSEQ_CHUNK, SEQ), jnp.int32),
        pltpu.VMEM((NBUF, NSEQ_CHUNK * SEQ, HID), jnp.float32),
        pltpu.VMEM((SEQ, HID), jnp.float32),
        pltpu.SemaphoreType.DMA((NBUF,)),
        pltpu.SemaphoreType.DMA((NBUF,)),
    ],
)


def kernel(input_X, W_tok, W_pos):
    o = _gather_add(input_X.astype(jnp.int32), W_tok, W_pos)
    return o[:, :, 0:HID]

# --- scband reference (transcript-rebuilt; emitter-appended) ---
"""Pipeline reference for scband-token-5299989644104 (READ-ONLY COPY).

The authoritative reference and input builder live on the scoring server;
editing this copy changes nothing except your own understanding.
"""

import jax, jax.numpy as jnp
import numpy as np

NUMBER_VOCAB = 1000
MAX_LEN = 100000
NUMBER_HIDDEN = 64
BATCH = 16384
SEQ_LEN = 200


def setup_inputs(seed: int = 0) -> dict:
    key = jax.random.key(seed)
    k1, k2, k3 = jax.random.split(key, 3)
    # Note: in the original module, `embedding_layers` (the table applied to input_X)
    # has MAX_LEN rows, and `postional_embedding_layers` has NUMBER_VOCAB rows and
    # is indexed by arange(seq_len). We reproduce that faithfully.
    input_X = jax.random.randint(k1, (BATCH, SEQ_LEN), 0, MAX_LEN, dtype=jnp.int64 if jax.config.jax_enable_x64 else jnp.int32)
    W_tok = jax.random.normal(k2, (MAX_LEN, NUMBER_HIDDEN), dtype=jnp.float32)
    W_pos = jax.random.normal(k3, (NUMBER_VOCAB, NUMBER_HIDDEN), dtype=jnp.float32)
    return {"input_X": input_X, "W_tok": W_tok, "W_pos": W_pos}


def reference(input_X, W_tok, W_pos):
    seq_len = input_X.shape[-1]
    # token embedding lookup: embedding_layers(input_X)
    emb = jnp.take(W_tok, input_X, axis=0)  # [B, S, H]
    # positional embedding: postional_embedding_layers(arange(seq_len))
    positions = jnp.arange(0, seq_len)
    pos = jnp.take(W_pos, positions, axis=0)  # [S, H]
    return emb + pos[None, :, :]

if __name__ == "__main__":
    import jax
    _d = setup_inputs()
    print(jax.jit(kernel)(*tuple(_d.values())))

</pallas_src>

<mosaic_0001>
#map = affine_map<(d0, d1) -> (0, 0)>
#map1 = affine_map<(d0, d1) -> (0, 0, 0)>
module attributes {stable_mosaic.version = 14 : i64} {
  func.func @_body(%arg0: i32, %arg1: i32, %arg2: memref<16384x200xi32, #tpu.memory_space<hbm>>, %arg3: memref<100000x64xf32, #tpu.memory_space<hbm>>, %arg4: memref<1000x64xf32, #tpu.memory_space<hbm>>, %arg5: memref<16384x200x128xf32, #tpu.memory_space<hbm>>, %arg6: memref<4x2x200xi32, #tpu.memory_space<vmem>>, %arg7: memref<4x400x64xf32, #tpu.memory_space<vmem>>, %arg8: memref<200x64xf32, #tpu.memory_space<vmem>>, %arg9: memref<4x!tpu.dma_semaphore, #tpu.memory_space<semaphore_mem>>, %arg10: memref<4x!tpu.dma_semaphore, #tpu.memory_space<semaphore_mem>>) attributes {dimension_semantics = [#tpu.dimension_semantics<core_parallel>, #tpu.dimension_semantics<subcore_parallel>], iteration_bounds = array<i64: 2, 16>, scalar_prefetch = 0 : i64, scratch_operands = 5 : i64, tpu.core_type = #tpu.core_type<sc_vector_subcore>, window_params = [{transform_indices = #map}, {transform_indices = #map}, {transform_indices = #map}, {transform_indices = #map1}]} {
    %mul3A = arith.constant 2 : i32
    %mul3A_0 = arith.muli %arg1, %mul3A : i32
    %add3A = arith.addi %mul3A_0, %arg0 : i32
    "tpu.region"() ({
      %run_scoped3A_235 = tpu.sem_alloc : memref<!tpu.dma_semaphore, #tpu.memory_space<semaphore_mem>>
      %dma_start3A_236 = arith.constant 0 : i32
      %dma_start3A_237 = arith.constant 0 : i32
      %dma_start3A_238 = tpu.memref_slice %arg4[%dma_start3A_236, %dma_start3A_237] : memref<1000x64xf32, #tpu.memory_space<hbm>> -> memref<200x64xf32, #tpu.memory_space<hbm>>
      %dma_start3A_239 = arith.constant 0 : i32
      %dma_start3A_240 = arith.constant 0 : i32
      %dma_start3A_241 = tpu.memref_slice %arg4[%dma_start3A_239, %dma_start3A_240] : memref<1000x64xf32, #tpu.memory_space<hbm>> -> memref<200x64xf32, #tpu.memory_space<hbm>>
      tpu.enqueue_dma source(%dma_start3A_241 : memref<200x64xf32, #tpu.memory_space<hbm>>) target(%arg8 : memref<200x64xf32, #tpu.memory_space<vmem>>) target_semaphore(%run_scoped3A_235 : memref<!tpu.dma_semaphore, #tpu.memory_space<semaphore_mem>>)
      %dma_wait3A_242 = arith.constant 0 : i32
      %dma_wait3A_243 = arith.constant 0 : i32
      %dma_wait3A_244 = tpu.memref_slice %arg4[%dma_wait3A_242, %dma_wait3A_243] : memref<1000x64xf32, #tpu.memory_space<hbm>> -> memref<200x64xf32, #tpu.memory_space<hbm>>
      %dma_wait3A_245 = arith.constant 0 : i32
      %dma_wait3A_246 = arith.constant 0 : i32
      %dma_wait3A_247 = tpu.memref_slice %arg4[%dma_wait3A_245, %dma_wait3A_246] : memref<1000x64xf32, #tpu.memory_space<hbm>> -> memref<200x64xf32, #tpu.memory_space<hbm>>
      tpu.wait_dma2 semaphore(%run_scoped3A_235 : memref<!tpu.dma_semaphore, #tpu.memory_space<semaphore_mem>>) src(%dma_wait3A_247 : memref<200x64xf32, #tpu.memory_space<hbm>>) dst(%arg8 : memref<200x64xf32, #tpu.memory_space<vmem>>)
      tpu.yield
    }) : () -> ()
    %mul3A_1 = arith.constant 512 : i32
    %mul3A_2 = arith.muli %add3A, %mul3A_1 : i32
    %add3A_3 = arith.constant 0 : i32
    %add3A_4 = arith.addi %mul3A_2, %add3A_3 : i32
    %run_scoped3A = arith.constant 0 : i32
    "tpu.region"() ({
      %run_scoped3A_235 = tpu.sem_alloc : memref<!tpu.dma_semaphore, #tpu.memory_space<semaphore_mem>>
      %dma_start3A_236 = arith.constant 0 : i32
      %dma_start3A_237 = arith.constant 0 : i32
      %dma_start3A_238 = tpu.memref_slice %arg6[%run_scoped3A, %dma_start3A_236, %dma_start3A_237] : memref<4x2x200xi32, #tpu.memory_space<vmem>> -> memref<1x2x200xi32, #tpu.memory_space<vmem>>
      %dma_start3A_239 = tpu.memref_squeeze %dma_start3A_238 : memref<1x2x200xi32, #tpu.memory_space<vmem>> -> memref<2x200xi32, #tpu.memory_space<vmem>>
      %dma_start3A_240 = arith.constant 0 : i32
      %dma_start3A_241 = tpu.memref_slice %arg2[%add3A_4, %dma_start3A_240] : memref<16384x200xi32, #tpu.memory_space<hbm>> -> memref<2x200xi32, #tpu.memory_space<hbm>>
      %dma_start3A_242 = arith.constant 0 : i32
      %dma_start3A_243 = arith.constant 0 : i32
      %dma_start3A_244 = tpu.memref_slice %arg6[%run_scoped3A, %dma_start3A_242, %dma_start3A_243] : memref<4x2x200xi32, #tpu.memory_space<vmem>> -> memref<1x2x200xi32, #tpu.memory_space<vmem>>
      %dma_start3A_245 = tpu.memref_squeeze %dma_start3A_244 : memref<1x2x200xi32, #tpu.memory_space<vmem>> -> memref<2x200xi32, #tpu.memory_space<vmem>>
      %dma_start3A_246 = arith.constant 0 : i32
      %dma_start3A_247 = tpu.memref_slice %arg2[%add3A_4, %dma_start3A_246] : memref<16384x200xi32, #tpu.memory_space<hbm>> -> memref<2x200xi32, #tpu.memory_space<hbm>>
      tpu.enqueue_dma source(%dma_start3A_247 : memref<2x200xi32, #tpu.memory_space<hbm>>) target(%dma_start3A_245 : memref<2x200xi32, #tpu.memory_space<vmem>>) target_semaphore(%run_scoped3A_235 : memref<!tpu.dma_semaphore, #tpu.memory_space<semaphore_mem>>)
      %dma_wait3A_248 = arith.constant 0 : i32
      %dma_wait3A_249 = arith.constant 0 : i32
      %dma_wait3A_250 = tpu.memref_slice %arg6[%run_scoped3A, %dma_wait3A_248, %dma_wait3A_249] : memref<4x2x200xi32, #tpu.memory_space<vmem>> -> memref<1x2x200xi32, #tpu.memory_space<vmem>>
      %dma_wait3A_251 = tpu.memref_squeeze %dma_wait3A_250 : memref<1x2x200xi32, #tpu.memory_space<vmem>> -> memref<2x200xi32, #tpu.memory_space<vmem>>
      %dma_wait3A_252 = arith.constant 0 : i32
      %dma_wait3A_253 = tpu.memref_slice %arg2[%add3A_4, %dma_wait3A_252] : memref<16384x200xi32, #tpu.memory_space<hbm>> -> memref<2x200xi32, #tpu.memory_space<hbm>>
      %dma_wait3A_254 = arith.constant 0 : i32
      %dma_wait3A_255 = arith.constant 0 : i32
      %dma_wait3A_256 = tpu.memref_slice %arg6[%run_scoped3A, %dma_wait3A_254, %dma_wait3A_255] : memref<4x2x200xi32, #tpu.memory_space<vmem>> -> memref<1x2x200xi32, #tpu.memory_space<vmem>>
      %dma_wait3A_257 = tpu.memref_squeeze %dma_wait3A_256 : memref<1x2x200xi32, #tpu.memory_space<vmem>> -> memref<2x200xi32, #tpu.memory_space<vmem>>
      %dma_wait3A_258 = arith.constant 0 : i32
      %dma_wait3A_259 = tpu.memref_slice %arg2[%add3A_4, %dma_wait3A_258] : memref<16384x200xi32, #tpu.memory_space<hbm>> -> memref<2x200xi32, #tpu.memory_space<hbm>>
      tpu.wait_dma2 semaphore(%run_scoped3A_235 : memref<!tpu.dma_semaphore, #tpu.memory_space<semaphore_mem>>) src(%dma_wait3A_259 : memref<2x200xi32, #tpu.memory_space<hbm>>) dst(%dma_wait3A_257 : memref<2x200xi32, #tpu.memory_space<vmem>>)
      tpu.yield
    }) : () -> ()
    %dma_start3A = arith.constant 0 : i32
    %dma_start3A_5 = arith.constant 0 : i32
    %dma_start3A_6 = arith.constant 0 : i32
    %dma_start3A_7 = arith.constant 0 : i32
    %dma_start3A_8 = arith.constant 0 : i32
    %dma_start3A_9 = arith.constant 0 : i32
    %dma_start3A_10 = tpu.memref_slice %arg7[%dma_start3A_6, %dma_start3A_8, %dma_start3A_9] : memref<4x400x64xf32, #tpu.memory_space<vmem>> -> memref<1x104x64xf32, #tpu.memory_space<vmem>>
    %dma_start3A_11 = tpu.memref_squeeze %dma_start3A_10 : memref<1x104x64xf32, #tpu.memory_space<vmem>> -> memref<104x64xf32, #tpu.memory_space<vmem>>
    %dma_start3A_12 = arith.constant 0 : i32
    %dma_start3A_13 = tpu.memref_slice %arg6[%dma_start3A, %dma_start3A_5, %dma_start3A_12] : memref<4x2x200xi32, #tpu.memory_space<vmem>> -> memref<1x1x104xi32, #tpu.memory_space<vmem>>
    %dma_start3A_14 = tpu.memref_squeeze %dma_start3A_13 : memref<1x1x104xi32, #tpu.memory_space<vmem>> -> memref<104xi32, #tpu.memory_space<vmem>>
    %dma_start3A_15 = arith.constant 0 : i32
    %dma_start3A_16 = arith.constant 0 : i32
    %dma_start3A_17 = tpu.memref_slice %arg3[%dma_start3A_15, %dma_start3A_16] : memref<100000x64xf32, #tpu.memory_space<hbm>> -> memref<100000x64xf32, #tpu.memory_space<hbm>>
    %dma_start3A_18 = tpu.memref_slice %arg9[%dma_start3A_7] : memref<4x!tpu.dma_semaphore, #tpu.memory_space<semaphore_mem>> -> memref<1x!tpu.dma_semaphore, #tpu.memory_space<semaphore_mem>>
    %dma_start3A_19 = tpu.memref_squeeze %dma_start3A_18 : memref<1x!tpu.dma_semaphore, #tpu.memory_space<semaphore_mem>> -> memref<!tpu.dma_semaphore, #tpu.memory_space<semaphore_mem>>
    tpu.enqueue_indirect_dma source(%dma_start3A_17 : memref<100000x64xf32, #tpu.memory_space<hbm>>) target(%dma_start3A_11 : memref<104x64xf32, #tpu.memory_space<vmem>>) offsets(%dma_start3A_14 : memref<104xi32, #tpu.memory_space<vmem>>) semaphore(%dma_start3A_19 : memref<!tpu.dma_semaphore, #tpu.memory_space<semaphore_mem>>)
    %dma_start3A_20 = arith.constant 0 : i32
    %dma_start3A_21 = arith.constant 0 : i32
    %dma_start3A_22 = arith.constant 0 : i32
    %dma_start3A_23 = arith.constant 0 : i32
    %dma_start3A_24 = arith.constant 96 : i32
    %dma_start3A_25 = arith.constant 0 : i32
    %dma_start3A_26 = tpu.memref_slice %arg7[%dma_start3A_22, %dma_start3A_24, %dma_start3A_25] : memref<4x400x64xf32, #tpu.memory_space<vmem>> -> memref<1x104x64xf32, #tpu.memory_space<vmem>>
    %dma_start3A_27 = tpu.memref_squeeze %dma_start3A_26 : memref<1x104x64xf32, #tpu.memory_space<vmem>> -> memref<104x64xf32, #tpu.memory_space<vmem>>
    %dma_start3A_28 = arith.constant 96 : i32
    %dma_start3A_29 = tpu.memref_slice %arg6[%dma_start3A_20, %dma_start3A_21, %dma_start3A_28] : memref<4x2x200xi32, #tpu.memory_space<vmem>> -> memref<1x1x104xi32, #tpu.memory_space<vmem>>
    %dma_start3A_30 = tpu.memref_squeeze %dma_start3A_29 : memref<1x1x104xi32, #tpu.memory_space<vmem>> -> memref<104xi32, #tpu.memory_space<vmem>>
    %dma_start3A_31 = arith.constant 0 : i32
    %dma_start3A_32 = arith.constant 0 : i32
    %dma_start3A_33 = tpu.memref_slice %arg3[%dma_start3A_31, %dma_start3A_32] : memref<100000x64xf32, #tpu.memory_space<hbm>> -> memref<100000x64xf32, #tpu.memory_space<hbm>>
    %dma_start3A_34 = tpu.memref_slice %arg9[%dma_start3A_23] : memref<4x!tpu.dma_semaphore, #tpu.memory_space<semaphore_mem>> -> memref<1x!tpu.dma_semaphore, #tpu.memory_space<semaphore_mem>>
    %dma_start3A_35 = tpu.memref_squeeze %dma_start3A_34 : memref<1x!tpu.dma_semaphore, #tpu.memory_space<semaphore_mem>> -> memref<!tpu.dma_semaphore, #tpu.memory_space<semaphore_mem>>
    tpu.enqueue_indirect_dma source(%dma_start3A_33 : memref<100000x64xf32, #tpu.memory_space<hbm>>) target(%dma_start3A_27 : memref<104x64xf32, #tpu.memory_space<vmem>>) offsets(%dma_start3A_30 : memref<104xi32, #tpu.memory_space<vmem>>) semaphore(%dma_start3A_35 : memref<!tpu.dma_semaphore, #tpu.memory_space<semaphore_mem>>)
    %dma_start3A_36 = arith.constant 0 : i32
    %dma_start3A_37 = arith.constant 1 : i32
    %dma_start3A_38 = arith.constant 0 : i32
    %dma_start3A_39 = arith.constant 0 : i32
    %dma_start3A_40 = arith.constant 200 : i32
    %dma_start3A_41 = arith.constant 0 : i32
    %dma_start3A_42 = tpu.memref_slice %arg7[%dma_start3A_38, %dma_start3A_40, %dma_start3A_41] : memref<4x400x64xf32, #tpu.memory_space<vmem>> -> memref<1x104x64xf32, #tpu.memory_space<vmem>>
    %dma_start3A_43 = tpu.memref_squeeze %dma_start3A_42 : memref<1x104x64xf32, #tpu.memory_space<vmem>> -> memref<104x64xf32, #tpu.memory_space<vmem>>
    %dma_start3A_44 = arith.constant 0 : i32
    %dma_start3A_45 = tpu.memref_slice %arg6[%dma_start3A_36, %dma_start3A_37, %dma_start3A_44] : memref<4x2x200xi32, #tpu.memory_space<vmem>> -> memref<1x1x104xi32, #tpu.memory_space<vmem>>
    %dma_start3A_46 = tpu.memref_squeeze %dma_start3A_45 : memref<1x1x104xi32, #tpu.memory_space<vmem>> -> memref<104xi32, #tpu.memory_space<vmem>>
    %dma_start3A_47 = arith.constant 0 : i32
    %dma_start3A_48 = arith.constant 0 : i32
    %dma_start3A_49 = tpu.memref_slice %arg3[%dma_start3A_47, %dma_start3A_48] : memref<100000x64xf32, #tpu.memory_space<hbm>> -> memref<100000x64xf32, #tpu.memory_space<hbm>>
    %dma_start3A_50 = tpu.memref_slice %arg9[%dma_start3A_39] : memref<4x!tpu.dma_semaphore, #tpu.memory_space<semaphore_mem>> -> memref<1x!tpu.dma_semaphore, #tpu.memory_space<semaphore_mem>>
    %dma_start3A_51 = tpu.memref_squeeze %dma_start3A_50 : memref<1x!tpu.dma_semaphore, #tpu.memory_space<semaphore_mem>> -> memref<!tpu.dma_semaphore, #tpu.memory_space<semaphore_mem>>
    tpu.enqueue_indirect_dma source(%dma_start3A_49 : memref<100000x64xf32, #tpu.memory_space<hbm>>) target(%dma_start3A_43 : memref<104x64xf32, #tpu.memory_space<vmem>>) offsets(%dma_start3A_46 : memref<104xi32, #tpu.memory_space<vmem>>) semaphore(%dma_start3A_51 : memref<!tpu.dma_semaphore, #tpu.memory_space<semaphore_mem>>)
    %dma_start3A_52 = arith.constant 0 : i32
    %dma_start3A_53 = arith.constant 1 : i32
    %dma_start3A_54 = arith.constant 0 : i32
    %dma_start3A_55 = arith.constant 0 : i32
    %dma_start3A_56 = arith.constant 296 : i32
    %dma_start3A_57 = arith.constant 0 : i32
    %dma_start3A_58 = tpu.memref_slice %arg7[%dma_start3A_54, %dma_start3A_56, %dma_start3A_57] : memref<4x400x64xf32, #tpu.memory_space<vmem>> -> memref<1x104x64xf32, #tpu.memory_space<vmem>>
    %dma_start3A_59 = tpu.memref_squeeze %dma_start3A_58 : memref<1x104x64xf32, #tpu.memory_space<vmem>> -> memref<104x64xf32, #tpu.memory_space<vmem>>
    %dma_start3A_60 = arith.constant 96 : i32
    %dma_start3A_61 = tpu.memref_slice %arg6[%dma_start3A_52, %dma_start3A_53, %dma_start3A_60] : memref<4x2x200xi32, #tpu.memory_space<vmem>> -> memref<1x1x104xi32, #tpu.memory_space<vmem>>
    %dma_start3A_62 = tpu.memref_squeeze %dma_start3A_61 : memref<1x1x104xi32, #tpu.memory_space<vmem>> -> memref<104xi32, #tpu.memory_space<vmem>>
    %dma_start3A_63 = arith.constant 0 : i32
    %dma_start3A_64 = arith.constant 0 : i32
    %dma_start3A_65 = tpu.memref_slice %arg3[%dma_start3A_63, %dma_start3A_64] : memref<100000x64xf32, #tpu.memory_space<hbm>> -> memref<100000x64xf32, #tpu.memory_space<hbm>>
    %dma_start3A_66 = tpu.memref_slice %arg9[%dma_start3A_55] : memref<4x!tpu.dma_semaphore, #tpu.memory_space<semaphore_mem>> -> memref<1x!tpu.dma_semaphore, #tpu.memory_space<semaphore_mem>>
    %dma_start3A_67 = tpu.memref_squeeze %dma_start3A_66 : memref<1x!tpu.dma_semaphore, #tpu.memory_space<semaphore_mem>> -> memref<!tpu.dma_semaphore, #tpu.memory_space<semaphore_mem>>
    tpu.enqueue_indirect_dma source(%dma_start3A_65 : memref<100000x64xf32, #tpu.memory_space<hbm>>) target(%dma_start3A_59 : memref<104x64xf32, #tpu.memory_space<vmem>>) offsets(%dma_start3A_62 : memref<104xi32, #tpu.memory_space<vmem>>) semaphore(%dma_start3A_67 : memref<!tpu.dma_semaphore, #tpu.memory_space<semaphore_mem>>)
    %add3A_68 = arith.constant 2 : i32
    %add3A_69 = arith.addi %mul3A_2, %add3A_68 : i32
    %run_scoped3A_70 = arith.constant 1 : i32
    "tpu.region"() ({
      %run_scoped3A_235 = tpu.sem_alloc : memref<!tpu.dma_semaphore, #tpu.memory_space<semaphore_mem>>
      %dma_start3A_236 = arith.constant 0 : i32
      %dma_start3A_237 = arith.constant 0 : i32
      %dma_start3A_238 = tpu.memref_slice %arg6[%run_scoped3A_70, %dma_start3A_236, %dma_start3A_237] : memref<4x2x200xi32, #tpu.memory_space<vmem>> -> memref<1x2x200xi32, #tpu.memory_space<vmem>>
      %dma_start3A_239 = tpu.memref_squeeze %dma_start3A_238 : memref<1x2x200xi32, #tpu.memory_space<vmem>> -> memref<2x200xi32, #tpu.memory_space<vmem>>
      %dma_start3A_240 = arith.constant 0 : i32
      %dma_start3A_241 = tpu.memref_slice %arg2[%add3A_69, %dma_start3A_240] : memref<16384x200xi32, #tpu.memory_space<hbm>> -> memref<2x200xi32, #tpu.memory_space<hbm>>
      %dma_start3A_242 = arith.constant 0 : i32
      %dma_start3A_243 = arith.constant 0 : i32
      %dma_start3A_244 = tpu.memref_slice %arg6[%run_scoped3A_70, %dma_start3A_242, %dma_start3A_243] : memref<4x2x200xi32, #tpu.memory_space<vmem>> -> memref<1x2x200xi32, #tpu.memory_space<vmem>>
      %dma_start3A_245 = tpu.memref_squeeze %dma_start3A_244 : memref<1x2x200xi32, #tpu.memory_space<vmem>> -> memref<2x200xi32, #tpu.memory_space<vmem>>
      %dma_start3A_246 = arith.constant 0 : i32
      %dma_start3A_247 = tpu.memref_slice %arg2[%add3A_69, %dma_start3A_246] : memref<16384x200xi32, #tpu.memory_space<hbm>> -> memref<2x200xi32, #tpu.memory_space<hbm>>
      tpu.enqueue_dma source(%dma_start3A_247 : memref<2x200xi32, #tpu.memory_space<hbm>>) target(%dma_start3A_245 : memref<2x200xi32, #tpu.memory_space<vmem>>) target_semaphore(%run_scoped3A_235 : memref<!tpu.dma_semaphore, #tpu.memory_space<semaphore_mem>>)
      %dma_wait3A_248 = arith.constant 0 : i32
      %dma_wait3A_249 = arith.constant 0 : i32
      %dma_wait3A_250 = tpu.memref_slice %arg6[%run_scoped3A_70, %dma_wait3A_248, %dma_wait3A_249] : memref<4x2x200xi32, #tpu.memory_space<vmem>> -> memref<1x2x200xi32, #tpu.memory_space<vmem>>
      %dma_wait3A_251 = tpu.memref_squeeze %dma_wait3A_250 : memref<1x2x200xi32, #tpu.memory_space<vmem>> -> memref<2x200xi32, #tpu.memory_space<vmem>>
      %dma_wait3A_252 = arith.constant 0 : i32
      %dma_wait3A_253 = tpu.memref_slice %arg2[%add3A_69, %dma_wait3A_252] : memref<16384x200xi32, #tpu.memory_space<hbm>> -> memref<2x200xi32, #tpu.memory_space<hbm>>
      %dma_wait3A_254 = arith.constant 0 : i32
      %dma_wait3A_255 = arith.constant 0 : i32
      %dma_wait3A_256 = tpu.memref_slice %arg6[%run_scoped3A_70, %dma_wait3A_254, %dma_wait3A_255] : memref<4x2x200xi32, #tpu.memory_space<vmem>> -> memref<1x2x200xi32, #tpu.memory_space<vmem>>
      %dma_wait3A_257 = tpu.memref_squeeze %dma_wait3A_256 : memref<1x2x200xi32, #tpu.memory_space<vmem>> -> memref<2x200xi32, #tpu.memory_space<vmem>>
      %dma_wait3A_258 = arith.constant 0 : i32
      %dma_wait3A_259 = tpu.memref_slice %arg2[%add3A_69, %dma_wait3A_258] : memref<16384x200xi32, #tpu.memory_space<hbm>> -> memref<2x200xi32, #tpu.memory_space<hbm>>
      tpu.wait_dma2 semaphore(%run_scoped3A_235 : memref<!tpu.dma_semaphore, #tpu.memory_space<semaphore_mem>>) src(%dma_wait3A_259 : memref<2x200xi32, #tpu.memory_space<hbm>>) dst(%dma_wait3A_257 : memref<2x200xi32, #tpu.memory_space<vmem>>)
      tpu.yield
    }) : () -> ()
    %dma_start3A_71 = arith.constant 1 : i32
    %dma_start3A_72 = arith.constant 0 : i32
    %dma_start3A_73 = arith.constant 1 : i32
    %dma_start3A_74 = arith.constant 1 : i32
    %dma_start3A_75 = arith.constant 0 : i32
    %dma_start3A_76 = arith.constant 0 : i32
    %dma_start3A_77 = tpu.memref_slice %arg7[%dma_start3A_73, %dma_start3A_75, %dma_start3A_76] : memref<4x400x64xf32, #tpu.memory_space<vmem>> -> memref<1x104x64xf32, #tpu.memory_space<vmem>>
    %dma_start3A_78 = tpu.memref_squeeze %dma_start3A_77 : memref<1x104x64xf32, #tpu.memory_space<vmem>> -> memref<104x64xf32, #tpu.memory_space<vmem>>
    %dma_start3A_79 = arith.constant 0 : i32
    %dma_start3A_80 = tpu.memref_slice %arg6[%dma_start3A_71, %dma_start3A_72, %dma_start3A_79] : memref<4x2x200xi32, #tpu.memory_space<vmem>> -> memref<1x1x104xi32, #tpu.memory_space<vmem>>
    %dma_start3A_81 = tpu.memref_squeeze %dma_start3A_80 : memref<1x1x104xi32, #tpu.memory_space<vmem>> -> memref<104xi32, #tpu.memory_space<vmem>>
    %dma_start3A_82 = arith.constant 0 : i32
    %dma_start3A_83 = arith.constant 0 : i32
    %dma_start3A_84 = tpu.memref_slice %arg3[%dma_start3A_82, %dma_start3A_83] : memref<100000x64xf32, #tpu.memory_space<hbm>> -> memref<100000x64xf32, #tpu.memory_space<hbm>>
    %dma_start3A_85 = tpu.memref_slice %arg9[%dma_start3A_74] : memref<4x!tpu.dma_semaphore, #tpu.memory_space<semaphore_mem>> -> memref<1x!tpu.dma_semaphore, #tpu.memory_space<semaphore_mem>>
    %dma_start3A_86 = tpu.memref_squeeze %dma_start3A_85 : memref<1x!tpu.dma_semaphore, #tpu.memory_space<semaphore_mem>> -> memref<!tpu.dma_semaphore, #tpu.memory_space<semaphore_mem>>
    tpu.enqueue_indirect_dma source(%dma_start3A_84 : memref<100000x64xf32, #tpu.memory_space<hbm>>) target(%dma_start3A_78 : memref<104x64xf32, #tpu.memory_space<vmem>>) offsets(%dma_start3A_81 : memref<104xi32, #tpu.memory_space<vmem>>) semaphore(%dma_start3A_86 : memref<!tpu.dma_semaphore, #tpu.memory_space<semaphore_mem>>)
    %dma_start3A_87 = arith.constant 1 : i32
    %dma_start3A_88 = arith.constant 0 : i32
    %dma_start3A_89 = arith.constant 1 : i32
    %dma_start3A_90 = arith.constant 1 : i32
    %dma_start3A_91 = arith.constant 96 : i32
    %dma_start3A_92 = arith.constant 0 : i32
    %dma_start3A_93 = tpu.memref_slice %arg7[%dma_start3A_89, %dma_start3A_91, %dma_start3A_92] : memref<4x400x64xf32, #tpu.memory_space<vmem>> -> memref<1x104x64xf32, #tpu.memory_space<vmem>>
    %dma_start3A_94 = tpu.memref_squeeze %dma_start3A_93 : memref<1x104x64xf32, #tpu.memory_space<vmem>> -> memref<104x64xf32, #tpu.memory_space<vmem>>
    %dma_start3A_95 = arith.constant 96 : i32
    %dma_start3A_96 = tpu.memref_slice %arg6[%dma_start3A_87, %dma_start3A_88, %dma_start3A_95] : memref<4x2x200xi32, #tpu.memory_space<vmem>> -> memref<1x1x104xi32, #tpu.memory_space<vmem>>
    %dma_start3A_97 = tpu.memref_squeeze %dma_start3A_96 : memref<1x1x104xi32, #tpu.memory_space<vmem>> -> memref<104xi32, #tpu.memory_space<vmem>>
    %dma_start3A_98 = arith.constant 0 : i32
    %dma_start3A_99 = arith.constant 0 : i32
    %dma_start3A_100 = tpu.memref_slice %arg3[%dma_start3A_98, %dma_start3A_99] : memref<100000x64xf32, #tpu.memory_space<hbm>> -> memref<100000x64xf32, #tpu.memory_space<hbm>>
    %dma_start3A_101 = tpu.memref_slice %arg9[%dma_start3A_90] : memref<4x!tpu.dma_semaphore, #tpu.memory_space<semaphore_mem>> -> memref<1x!tpu.dma_semaphore, #tpu.memory_space<semaphore_mem>>
    %dma_start3A_102 = tpu.memref_squeeze %dma_start3A_101 : memref<1x!tpu.dma_semaphore, #tpu.memory_space<semaphore_mem>> -> memref<!tpu.dma_semaphore, #tpu.memory_space<semaphore_mem>>
    tpu.enqueue_indirect_dma source(%dma_start3A_100 : memref<100000x64xf32, #tpu.memory_space<hbm>>) target(%dma_start3A_94 : memref<104x64xf32, #tpu.memory_space<vmem>>) offsets(%dma_start3A_97 : memref<104xi32, #tpu.memory_space<vmem>>) semaphore(%dma_start3A_102 : memref<!tpu.dma_semaphore, #tpu.memory_space<semaphore_mem>>)
    %dma_start3A_103 = arith.constant 1 : i32
    %dma_start3A_104 = arith.constant 1 : i32
    %dma_start3A_105 = arith.constant 1 : i32
    %dma_start3A_106 = arith.constant 1 : i32
    %dma_start3A_107 = arith.constant 200 : i32
    %dma_start3A_108 = arith.constant 0 : i32
    %dma_start3A_109 = tpu.memref_slice %arg7[%dma_start3A_105, %dma_start3A_107, %dma_start3A_108] : memref<4x400x64xf32, #tpu.memory_space<vmem>> -> memref<1x104x64xf32, #tpu.memory_space<vmem>>
    %dma_start3A_110 = tpu.memref_squeeze %dma_start3A_109 : memref<1x104x64xf32, #tpu.memory_space<vmem>> -> memref<104x64xf32, #tpu.memory_space<vmem>>
    %dma_start3A_111 = arith.constant 0 : i32
    %dma_start3A_112 = tpu.memref_slice %arg6[%dma_start3A_103, %dma_start3A_104, %dma_start3A_111] : memref<4x2x200xi32, #tpu.memory_space<vmem>> -> memref<1x1x104xi32, #tpu.memory_space<vmem>>
    %dma_start3A_113 = tpu.memref_squeeze %dma_start3A_112 : memref<1x1x104xi32, #tpu.memory_space<vmem>> -> memref<104xi32, #tpu.memory_space<vmem>>
    %dma_start3A_114 = arith.constant 0 : i32
    %dma_start3A_115 = arith.constant 0 : i32
    %dma_start3A_116 = tpu.memref_slice %arg3[%dma_start3A_114, %dma_start3A_115] : memref<100000x64xf32, #tpu.memory_space<hbm>> -> memref<100000x64xf32, #tpu.memory_space<hbm>>
    %dma_start3A_117 = tpu.memref_slice %arg9[%dma_start3A_106] : memref<4x!tpu.dma_semaphore, #tpu.memory_space<semaphore_mem>> -> memref<1x!tpu.dma_semaphore, #tpu.memory_space<semaphore_mem>>
    %dma_start3A_118 = tpu.memref_squeeze %dma_start3A_117 : memref<1x!tpu.dma_semaphore, #tpu.memory_space<semaphore_mem>> -> memref<!tpu.dma_semaphore, #tpu.memory_space<semaphore_mem>>
    tpu.enqueue_indirect_dma source(%dma_start3A_116 : memref<100000x64xf32, #tpu.memory_space<hbm>>) target(%dma_start3A_110 : memref<104x64xf32, #tpu.memory_space<vmem>>) offsets(%dma_start3A_113 : memref<104xi32, #tpu.memory_space<vmem>>) semaphore(%dma_start3A_118 : memref<!tpu.dma_semaphore, #tpu.memory_space<semaphore_mem>>)
    %dma_start3A_119 = arith.constant 1 : i32
    %dma_start3A_120 = arith.constant 1 : i32
    %dma_start3A_121 = arith.constant 1 : i32
    %dma_start3A_122 = arith.constant 1 : i32
    %dma_start3A_123 = arith.constant 296 : i32
    %dma_start3A_124 = arith.constant 0 : i32
    %dma_start3A_125 = tpu.memref_slice %arg7[%dma_start3A_121, %dma_start3A_123, %dma_start3A_124] : memref<4x400x64xf32, #tpu.memory_space<vmem>> -> memref<1x104x64xf32, #tpu.memory_space<vmem>>
    %dma_start3A_126 = tpu.memref_squeeze %dma_start3A_125 : memref<1x104x64xf32, #tpu.memory_space<vmem>> -> memref<104x64xf32, #tpu.memory_space<vmem>>
    %dma_start3A_127 = arith.constant 96 : i32
    %dma_start3A_128 = tpu.memref_slice %arg6[%dma_start3A_119, %dma_start3A_120, %dma_start3A_127] : memref<4x2x200xi32, #tpu.memory_space<vmem>> -> memref<1x1x104xi32, #tpu.memory_space<vmem>>
    %dma_start3A_129 = tpu.memref_squeeze %dma_start3A_128 : memref<1x1x104xi32, #tpu.memory_space<vmem>> -> memref<104xi32, #tpu.memory_space<vmem>>
    %dma_start3A_130 = arith.constant 0 : i32
    %dma_start3A_131 = arith.constant 0 : i32
    %dma_start3A_132 = tpu.memref_slice %arg3[%dma_start3A_130, %dma_start3A_131] : memref<100000x64xf32, #tpu.memory_space<hbm>> -> memref<100000x64xf32, #tpu.memory_space<hbm>>
    %dma_start3A_133 = tpu.memref_slice %arg9[%dma_start3A_122] : memref<4x!tpu.dma_semaphore, #tpu.memory_space<semaphore_mem>> -> memref<1x!tpu.dma_semaphore, #tpu.memory_space<semaphore_mem>>
    %dma_start3A_134 = tpu.memref_squeeze %dma_start3A_133 : memref<1x!tpu.dma_semaphore, #tpu.memory_space<semaphore_mem>> -> memref<!tpu.dma_semaphore, #tpu.memory_space<semaphore_mem>>
    tpu.enqueue_indirect_dma source(%dma_start3A_132 : memref<100000x64xf32, #tpu.memory_space<hbm>>) target(%dma_start3A_126 : memref<104x64xf32, #tpu.memory_space<vmem>>) offsets(%dma_start3A_129 : memref<104xi32, #tpu.memory_space<vmem>>) semaphore(%dma_start3A_134 : memref<!tpu.dma_semaphore, #tpu.memory_space<semaphore_mem>>)
    %scan3A = arith.constant 0 : i32
    %scan3A_135 = arith.constant 0 : i32
    %scan3A_136 = arith.constant 64 : i32
    %scan3A_137 = arith.addi %scan3A_135, %scan3A_136 : i32
    %scan3A_138 = arith.constant 1 : i32
    scf.for %scan3A_235 = %scan3A_135 to %scan3A_137 step %scan3A_138  : i32 {
      %mul3A_236 = arith.constant 4 : i32
      %mul3A_237 = arith.muli %scan3A_235, %mul3A_236 : i32
      %add3A_238 = arith.constant 0 : i32
      %add3A_239 = arith.addi %mul3A_237, %add3A_238 : i32
      %add3A_240 = arith.constant 2 : i32
      %add3A_241 = arith.addi %add3A_239, %add3A_240 : i32
      %ge3A = arith.constant 4 : i32
      %ge3A_242 = arith.cmpi sge, %add3A_241, %ge3A : i32
      %lt3A = arith.constant 256 : i32
      %lt3A_243 = arith.cmpi slt, %add3A_241, %lt3A : i32
      %and3A = arith.andi %ge3A_242, %lt3A_243 : i1
      %convert_element_type3A = arith.extui %and3A : i1 to i32
      %cond3A = arith.constant 0 : i32
      %cond3A_244 = arith.cmpi ne, %convert_element_type3A, %cond3A : i32
      scf.if %cond3A_244 {
        %sub3A = arith.constant 4 : i32
        %sub3A_774 = arith.subi %add3A_241, %sub3A : i32
        %mul3A_775 = arith.constant 2 : i32
        %mul3A_776 = arith.muli %sub3A_774, %mul3A_775 : i32
        %add3A_777 = arith.addi %mul3A_2, %mul3A_776 : i32
        %add3A_778 = arith.constant 0 : i32
        %add3A_779 = arith.addi %add3A_777, %add3A_778 : i32
        %dma_wait3A_780 = arith.constant 2 : i32
        %dma_wait3A_781 = arith.constant 2 : i32
        %dma_wait3A_782 = arith.constant 0 : i32
        %dma_wait3A_783 = arith.constant 0 : i32
        %dma_wait3A_784 = tpu.memref_slice %arg7[%dma_wait3A_780, %dma_wait3A_782, %dma_wait3A_783] : memref<4x400x64xf32, #tpu.memory_space<vmem>> -> memref<1x200x64xf32, #tpu.memory_space<vmem>>
        %dma_wait3A_785 = tpu.memref_squeeze %dma_wait3A_784 : memref<1x200x64xf32, #tpu.memory_space<vmem>> -> memref<200x64xf32, #tpu.memory_space<vmem>>
        %dma_wait3A_786 = arith.constant 0 : i32
        %dma_wait3A_787 = arith.constant 0 : i32
        %dma_wait3A_788 = tpu.memref_slice %arg5[%add3A_779, %dma_wait3A_786, %dma_wait3A_787] : memref<16384x200x128xf32, #tpu.memory_space<hbm>> -> memref<1x200x64xf32, #tpu.memory_space<hbm>>
        %dma_wait3A_789 = tpu.memref_squeeze %dma_wait3A_788 : memref<1x200x64xf32, #tpu.memory_space<hbm>> -> memref<200x64xf32, #tpu.memory_space<hbm>>
        %dma_wait3A_790 = tpu.memref_slice %arg10[%dma_wait3A_781] : memref<4x!tpu.dma_semaphore, #tpu.memory_space<semaphore_mem>> -> memref<1x!tpu.dma_semaphore, #tpu.memory_space<semaphore_mem>>
        %dma_wait3A_791 = tpu.memref_squeeze %dma_wait3A_790 : memref<1x!tpu.dma_semaphore, #tpu.memory_space<semaphore_mem>> -> memref<!tpu.dma_semaphore, #tpu.memory_space<semaphore_mem>>
        %dma_wait3A_792 = arith.constant 0 : i32
        %dma_wait3A_793 = arith.constant 0 : i32
        %dma_wait3A_794 = tpu.memref_slice %arg5[%add3A_779, %dma_wait3A_792, %dma_wait3A_793] : memref<16384x200x128xf32, #tpu.memory_space<hbm>> -> memref<1x200x64xf32, #tpu.memory_space<hbm>>
        %dma_wait3A_795 = tpu.memref_squeeze %dma_wait3A_794 : memref<1x200x64xf32, #tpu.memory_space<hbm>> -> memref<200x64xf32, #tpu.memory_space<hbm>>
        %dma_wait3A_796 = arith.constant 0 : i32
        %dma_wait3A_797 = arith.constant 0 : i32
        %dma_wait3A_798 = tpu.memref_slice %arg7[%dma_wait3A_780, %dma_wait3A_796, %dma_wait3A_797] : memref<4x400x64xf32, #tpu.memory_space<vmem>> -> memref<1x200x64xf32, #tpu.memory_space<vmem>>
        %dma_wait3A_799 = tpu.memref_squeeze %dma_wait3A_798 : memref<1x200x64xf32, #tpu.memory_space<vmem>> -> memref<200x64xf32, #tpu.memory_space<vmem>>
        tpu.wait_dma2 semaphore(%dma_wait3A_791 : memref<!tpu.dma_semaphore, #tpu.memory_space<semaphore_mem>>) src(%dma_wait3A_799 : memref<200x64xf32, #tpu.memory_space<vmem>>) dst(%dma_wait3A_795 : memref<200x64xf32, #tpu.memory_space<hbm>>)
        %mul3A_800 = arith.constant 2 : i32
        %mul3A_801 = arith.muli %sub3A_774, %mul3A_800 : i32
        %add3A_802 = arith.addi %mul3A_2, %mul3A_801 : i32
        %add3A_803 = arith.constant 1 : i32
        %add3A_804 = arith.addi %add3A_802, %add3A_803 : i32
        %dma_wait3A_805 = arith.constant 2 : i32
        %dma_wait3A_806 = arith.constant 2 : i32
        %dma_wait3A_807 = arith.constant 200 : i32
        %dma_wait3A_808 = arith.constant 0 : i32
        %dma_wait3A_809 = tpu.memref_slice %arg7[%dma_wait3A_805, %dma_wait3A_807, %dma_wait3A_808] : memref<4x400x64xf32, #tpu.memory_space<vmem>> -> memref<1x200x64xf32, #tpu.memory_space<vmem>>
        %dma_wait3A_810 = tpu.memref_squeeze %dma_wait3A_809 : memref<1x200x64xf32, #tpu.memory_space<vmem>> -> memref<200x64xf32, #tpu.memory_space<vmem>>
        %dma_wait3A_811 = arith.constant 0 : i32
        %dma_wait3A_812 = arith.constant 0 : i32
        %dma_wait3A_813 = tpu.memref_slice %arg5[%add3A_804, %dma_wait3A_811, %dma_wait3A_812] : memref<16384x200x128xf32, #tpu.memory_space<hbm>> -> memref<1x200x64xf32, #tpu.memory_space<hbm>>
        %dma_wait3A_814 = tpu.memref_squeeze %dma_wait3A_813 : memref<1x200x64xf32, #tpu.memory_space<hbm>> -> memref<200x64xf32, #tpu.memory_space<hbm>>
        %dma_wait3A_815 = tpu.memref_slice %arg10[%dma_wait3A_806] : memref<4x!tpu.dma_semaphore, #tpu.memory_space<semaphore_mem>> -> memref<1x!tpu.dma_semaphore, #tpu.memory_space<semaphore_mem>>
        %dma_wait3A_816 = tpu.memref_squeeze %dma_wait3A_815 : memref<1x!tpu.dma_semaphore, #tpu.memory_space<semaphore_mem>> -> memref<!tpu.dma_semaphore, #tpu.memory_space<semaphore_mem>>
        %dma_wait3A_817 = arith.constant 0 : i32
        %dma_wait3A_818 = arith.constant 0 : i32
        %dma_wait3A_819 = tpu.memref_slice %arg5[%add3A_804, %dma_wait3A_817, %dma_wait3A_818] : memref<16384x200x128xf32, #tpu.memory_space<hbm>> -> memref<1x200x64xf32, #tpu.memory_space<hbm>>
        %dma_wait3A_820 = tpu.memref_squeeze %dma_wait3A_819 : memref<1x200x64xf32, #tpu.memory_space<hbm>> -> memref<200x64xf32, #tpu.memory_space<hbm>>
        %dma_wait3A_821 = arith.constant 200 : i32
        %dma_wait3A_822 = arith.constant 0 : i32
        %dma_wait3A_823 = tpu.memref_slice %arg7[%dma_wait3A_805, %dma_wait3A_821, %dma_wait3A_822] : memref<4x400x64xf32, #tpu.memory_space<vmem>> -> memref<1x200x64xf32, #tpu.memory_space<vmem>>
        %dma_wait3A_824 = tpu.memref_squeeze %dma_wait3A_823 : memref<1x200x64xf32, #tpu.memory_space<vmem>> -> memref<200x64xf32, #tpu.memory_space<vmem>>
        tpu.wait_dma2 semaphore(%dma_wait3A_816 : memref<!tpu.dma_semaphore, #tpu.memory_space<semaphore_mem>>) src(%dma_wait3A_824 : memref<200x64xf32, #tpu.memory_space<vmem>>) dst(%dma_wait3A_820 : memref<200x64xf32, #tpu.memory_space<hbm>>)
      } else {
      }
      %lt3A_245 = arith.constant 256 : i32
      %lt3A_246 = arith.cmpi slt, %add3A_241, %lt3A_245 : i32
      %convert_element_type3A_247 = arith.extui %lt3A_246 : i1 to i32
      %cond3A_248 = arith.constant 0 : i32
      %cond3A_249 = arith.cmpi ne, %convert_element_type3A_247, %cond3A_248 : i32
      scf.if %cond3A_249 {
        %mul3A_774 = arith.constant 2 : i32
        %mul3A_775 = arith.muli %add3A_241, %mul3A_774 : i32
        %add3A_776 = arith.addi %mul3A_2, %mul3A_775 : i32
        %run_scoped3A_777 = arith.constant 2 : i32
        "tpu.region"() ({
          %run_scoped3A_842 = tpu.sem_alloc : memref<!tpu.dma_semaphore, #tpu.memory_space<semaphore_mem>>
          %dma_start3A_843 = arith.constant 0 : i32
          %dma_start3A_844 = arith.constant 0 : i32
          %dma_start3A_845 = tpu.memref_slice %arg6[%run_scoped3A_777, %dma_start3A_843, %dma_start3A_844] : memref<4x2x200xi32, #tpu.memory_space<vmem>> -> memref<1x2x200xi32, #tpu.memory_space<vmem>>
          %dma_start3A_846 = tpu.memref_squeeze %dma_start3A_845 : memref<1x2x200xi32, #tpu.memory_space<vmem>> -> memref<2x200xi32, #tpu.memory_space<vmem>>
          %dma_start3A_847 = arith.constant 0 : i32
          %dma_start3A_848 = tpu.memref_slice %arg2[%add3A_776, %dma_start3A_847] : memref<16384x200xi32, #tpu.memory_space<hbm>> -> memref<2x200xi32, #tpu.memory_space<hbm>>
          %dma_start3A_849 = arith.constant 0 : i32
          %dma_start3A_850 = arith.constant 0 : i32
          %dma_start3A_851 = tpu.memref_slice %arg6[%run_scoped3A_777, %dma_start3A_849, %dma_start3A_850] : memref<4x2x200xi32, #tpu.memory_space<vmem>> -> memref<1x2x200xi32, #tpu.memory_space<vmem>>
          %dma_start3A_852 = tpu.memref_squeeze %dma_start3A_851 : memref<1x2x200xi32, #tpu.memory_space<vmem>> -> memref<2x200xi32, #tpu.memory_space<vmem>>
          %dma_start3A_853 = arith.constant 0 : i32
          %dma_start3A_854 = tpu.memref_slice %arg2[%add3A_776, %dma_start3A_853] : memref<16384x200xi32, #tpu.memory_space<hbm>> -> memref<2x200xi32, #tpu.memory_space<hbm>>
          tpu.enqueue_dma source(%dma_start3A_854 : memref<2x200xi32, #tpu.memory_space<hbm>>) target(%dma_start3A_852 : memref<2x200xi32, #tpu.memory_space<vmem>>) target_semaphore(%run_scoped3A_842 : memref<!tpu.dma_semaphore, #tpu.memory_space<semaphore_mem>>)
          %dma_wait3A_855 = arith.constant 0 : i32
          %dma_wait3A_856 = arith.constant 0 : i32
          %dma_wait3A_857 = tpu.memref_slice %arg6[%run_scoped3A_777, %dma_wait3A_855, %dma_wait3A_856] : memref<4x2x200xi32, #tpu.memory_space<vmem>> -> memref<1x2x200xi32, #tpu.memory_space<vmem>>
          %dma_wait3A_858 = tpu.memref_squeeze %dma_wait3A_857 : memref<1x2x200xi32, #tpu.memory_space<vmem>> -> memref<2x200xi32, #tpu.memory_space<vmem>>
          %dma_wait3A_859 = arith.constant 0 : i32
          %dma_wait3A_860 = tpu.memref_slice %arg2[%add3A_776, %dma_wait3A_859] : memref<16384x200xi32, #tpu.memory_space<hbm>> -> memref<2x200xi32, #tpu.memory_space<hbm>>
          %dma_wait3A_861 = arith.constant 0 : i32
          %dma_wait3A_862 = arith.constant 0 : i32
          %dma_wait3A_863 = tpu.memref_slice %arg6[%run_scoped3A_777, %dma_wait3A_861, %dma_wait3A_862] : memref<4x2x200xi32, #tpu.memory_space<vmem>> -> memref<1x2x200xi32, #tpu.memory_space<vmem>>
          %dma_wait3A_864 = tpu.memref_squeeze %dma_wait3A_863 : memref<1x2x200xi32, #tpu.memory_space<vmem>> -> memref<2x200xi32, #tpu.memory_space<vmem>>
          %dma_wait3A_865 = arith.constant 0 : i32
          %dma_wait3A_866 = tpu.memref_slice %arg2[%add3A_776, %dma_wait3A_865] : memref<16384x200xi32, #tpu.memory_space<hbm>> -> memref<2x200xi32, #tpu.memory_space<hbm>>
          tpu.wait_dma2 semaphore(%run_scoped3A_842 : memref<!tpu.dma_semaphore, #tpu.memory_space<semaphore_mem>>) src(%dma_wait3A_866 : memref<2x200xi32, #tpu.memory_space<hbm>>) dst(%dma_wait3A_864 : memref<2x200xi32, #tpu.memory_space<vmem>>)
          tpu.yield
        }) : () -> ()
        %dma_start3A_778 = arith.constant 2 : i32
        %dma_start3A_779 = arith.constant 0 : i32
        %dma_start3A_780 = arith.constant 2 : i32
        %dma_start3A_781 = arith.constant 2 : i32
        %dma_start3A_782 = arith.constant 0 : i32
        %dma_start3A_783 = arith.constant 0 : i32
        %dma_start3A_784 = tpu.memref_slice %arg7[%dma_start3A_780, %dma_start3A_782, %dma_start3A_783] : memref<4x400x64xf32, #tpu.memory_space<vmem>> -> memref<1x104x64xf32, #tpu.memory_space<vmem>>
        %dma_start3A_785 = tpu.memref_squeeze %dma_start3A_784 : memref<1x104x64xf32, #tpu.memory_space<vmem>> -> memref<104x64xf32, #tpu.memory_space<vmem>>
        %dma_start3A_786 = arith.constant 0 : i32
        %dma_start3A_787 = tpu.memref_slice %arg6[%dma_start3A_778, %dma_start3A_779, %dma_start3A_786] : memref<4x2x200xi32, #tpu.memory_space<vmem>> -> memref<1x1x104xi32, #tpu.memory_space<vmem>>
        %dma_start3A_788 = tpu.memref_squeeze %dma_start3A_787 : memref<1x1x104xi32, #tpu.memory_space<vmem>> -> memref<104xi32, #tpu.memory_space<vmem>>
        %dma_start3A_789 = arith.constant 0 : i32
        %dma_start3A_790 = arith.constant 0 : i32
        %dma_start3A_791 = tpu.memref_slice %arg3[%dma_start3A_789, %dma_start3A_790] : memref<100000x64xf32, #tpu.memory_space<hbm>> -> memref<100000x64xf32, #tpu.memory_space<hbm>>
        %dma_start3A_792 = tpu.memref_slice %arg9[%dma_start3A_781] : memref<4x!tpu.dma_semaphore, #tpu.memory_space<semaphore_mem>> -> memref<1x!tpu.dma_semaphore, #tpu.memory_space<semaphore_mem>>
        %dma_start3A_793 = tpu.memref_squeeze %dma_start3A_792 : memref<1x!tpu.dma_semaphore, #tpu.memory_space<semaphore_mem>> -> memref<!tpu.dma_semaphore, #tpu.memory_space<semaphore_mem>>
        tpu.enqueue_indirect_dma source(%dma_start3A_791 : memref<100000x64xf32, #tpu.memory_space<hbm>>) target(%dma_start3A_785 : memref<104x64xf32, #tpu.memory_space<vmem>>) offsets(%dma_start3A_788 : memref<104xi32, #tpu.memory_space<vmem>>) semaphore(%dma_start3A_793 : memref<!tpu.dma_semaphore, #tpu.memory_space<semaphore_mem>>)
        %dma_start3A_794 = arith.constant 2 : i32
        %dma_start3A_795 = arith.constant 0 : i32
        %dma_start3A_796 = arith.constant 2 : i32
        %dma_start3A_797 = arith.constant 2 : i32
        %dma_start3A_798 = arith.constant 96 : i32
        %dma_start3A_799 = arith.constant 0 : i32
        %dma_start3A_800 = tpu.memref_slice %arg7[%dma_start3A_796, %dma_start3A_798, %dma_start3A_799] : memref<4x400x64xf32, #tpu.memory_space<vmem>> -> memref<1x104x64xf32, #tpu.memory_space<vmem>>
        %dma_start3A_801 = tpu.memref_squeeze %dma_start3A_800 : memref<1x104x64xf32, #tpu.memory_space<vmem>> -> memref<104x64xf32, #tpu.memory_space<vmem>>
        %dma_start3A_802 = arith.constant 96 : i32
        %dma_start3A_803 = tpu.memref_slice %arg6[%dma_start3A_794, %dma_start3A_795, %dma_start3A_802] : memref<4x2x200xi32, #tpu.memory_space<vmem>> -> memref<1x1x104xi32, #tpu.memory_space<vmem>>
        %dma_start3A_804 = tpu.memref_squeeze %dma_start3A_803 : memref<1x1x104xi32, #tpu.memory_space<vmem>> -> memref<104xi32, #tpu.memory_space<vmem>>
        %dma_start3A_805 = arith.constant 0 : i32
        %dma_start3A_806 = arith.constant 0 : i32
        %dma_start3A_807 = tpu.memref_slice %arg3[%dma_start3A_805, %dma_start3A_806] : memref<100000x64xf32, #tpu.memory_space<hbm>> -> memref<100000x64xf32, #tpu.memory_space<hbm>>
        %dma_start3A_808 = tpu.memref_slice %arg9[%dma_start3A_797] : memref<4x!tpu.dma_semaphore, #tpu.memory_space<semaphore_mem>> -> memref<1x!tpu.dma_semaphore, #tpu.memory_space<semaphore_mem>>
        %dma_start3A_809 = tpu.memref_squeeze %dma_start3A_808 : memref<1x!tpu.dma_semaphore, #tpu.memory_space<semaphore_mem>> -> memref<!tpu.dma_semaphore, #tpu.memory_space<semaphore_mem>>
        tpu.enqueue_indirect_dma source(%dma_start3A_807 : memref<100000x64xf32, #tpu.memory_space<hbm>>) target(%dma_start3A_801 : memref<104x64xf32, #tpu.memory_space<vmem>>) offsets(%dma_start3A_804 : memref<104xi32, #tpu.memory_space<vmem>>) semaphore(%dma_start3A_809 : memref<!tpu.dma_semaphore, #tpu.memory_space<semaphore_mem>>)
        %dma_start3A_810 = arith.constant 2 : i32
        %dma_start3A_811 = arith.constant 1 : i32
        %dma_start3A_812 = arith.constant 2 : i32
        %dma_start3A_813 = arith.constant 2 : i32
        %dma_start3A_814 = arith.constant 200 : i32
        %dma_start3A_815 = arith.constant 0 : i32
        %dma_start3A_816 = tpu.memref_slice %arg7[%dma_start3A_812, %dma_start3A_814, %dma_start3A_815] : memref<4x400x64xf32, #tpu.memory_space<vmem>> -> memref<1x104x64xf32, #tpu.memory_space<vmem>>
        %dma_start3A_817 = tpu.memref_squeeze %dma_start3A_816 : memref<1x104x64xf32, #tpu.memory_space<vmem>> -> memref<104x64xf32, #tpu.memory_space<vmem>>
        %dma_start3A_818 = arith.constant 0 : i32
        %dma_start3A_819 = tpu.memref_slice %arg6[%dma_start3A_810, %dma_start3A_811, %dma_start3A_818] : memref<4x2x200xi32, #tpu.memory_space<vmem>> -> memref<1x1x104xi32, #tpu.memory_space<vmem>>
        %dma_start3A_820 = tpu.memref_squeeze %dma_start3A_819 : memref<1x1x104xi32, #tpu.memory_space<vmem>> -> memref<104xi32, #tpu.memory_space<vmem>>
        %dma_start3A_821 = arith.constant 0 : i32
        %dma_start3A_822 = arith.constant 0 : i32
        %dma_start3A_823 = tpu.memref_slice %arg3[%dma_start3A_821, %dma_start3A_822] : memref<100000x64xf32, #tpu.memory_space<hbm>> -> memref<100000x64xf32, #tpu.memory_space<hbm>>
        %dma_start3A_824 = tpu.memref_slice %arg9[%dma_start3A_813] : memref<4x!tpu.dma_semaphore, #tpu.memory_space<semaphore_mem>> -> memref<1x!tpu.dma_semaphore, #tpu.memory_space<semaphore_mem>>
        %dma_start3A_825 = tpu.memref_squeeze %dma_start3A_824 : memref<1x!tpu.dma_semaphore, #tpu.memory_space<semaphore_mem>> -> memref<!tpu.dma_semaphore, #tpu.memory_space<semaphore_mem>>
        tpu.enqueue_indirect_dma source(%dma_start3A_823 : memref<100000x64xf32, #tpu.memory_space<hbm>>) target(%dma_start3A_817 : memref<104x64xf32, #tpu.memory_space<vmem>>) offsets(%dma_start3A_820 : memref<104xi32, #tpu.memory_space<vmem>>) semaphore(%dma_start3A_825 : memref<!tpu.dma_semaphore, #tpu.memory_space<semaphore_mem>>)
        %dma_start3A_826 = arith.constant 2 : i32
        %dma_start3A_827 = arith.constant 1 : i32
        %dma_start3A_828 = arith.constant 2 : i32
        %dma_start3A_829 = arith.constant 2 : i32
        %dma_start3A_830 = arith.constant 296 : i32
        %dma_start3A_831 = arith.constant 0 : i32
        %dma_start3A_832 = tpu.memref_slice %arg7[%dma_start3A_828, %dma_start3A_830, %dma_start3A_831] : memref<4x400x64xf32, #tpu.memory_space<vmem>> -> memref<1x104x64xf32, #tpu.memory_space<vmem>>
        %dma_start3A_833 = tpu.memref_squeeze %dma_start3A_832 : memref<1x104x64xf32, #tpu.memory_space<vmem>> -> memref<104x64xf32, #tpu.memory_space<vmem>>
        %dma_start3A_834 = arith.constant 96 : i32
        %dma_start3A_835 = tpu.memref_slice %arg6[%dma_start3A_826, %dma_start3A_827, %dma_start3A_834] : memref<4x2x200xi32, #tpu.memory_space<vmem>> -> memref<1x1x104xi32, #tpu.memory_space<vmem>>
        %dma_start3A_836 = tpu.memref_squeeze %dma_start3A_835 : memref<1x1x104xi32, #tpu.memory_space<vmem>> -> memref<104xi32, #tpu.memory_space<vmem>>
        %dma_start3A_837 = arith.constant 0 : i32
        %dma_start3A_838 = arith.constant 0 : i32
        %dma_start3A_839 = tpu.memref_slice %arg3[%dma_start3A_837, %dma_start3A_838] : memref<100000x64xf32, #tpu.memory_space<hbm>> -> memref<100000x64xf32, #tpu.memory_space<hbm>>
        %dma_start3A_840 = tpu.memref_slice %arg9[%dma_start3A_829] : memref<4x!tpu.dma_semaphore, #tpu.memory_space<semaphore_mem>> -> memref<1x!tpu.dma_semaphore, #tpu.memory_space<semaphore_mem>>
        %dma_start3A_841 = tpu.memref_squeeze %dma_start3A_840 : memref<1x!tpu.dma_semaphore, #tpu.memory_space<semaphore_mem>> -> memref<!tpu.dma_semaphore, #tpu.memory_space<semaphore_mem>>
        tpu.enqueue_indirect_dma source(%dma_start3A_839 : memref<100000x64xf32, #tpu.memory_space<hbm>>) target(%dma_start3A_833 : memref<104x64xf32, #tpu.memory_space<vmem>>) offsets(%dma_start3A_836 : memref<104xi32, #tpu.memory_space<vmem>>) semaphore(%dma_start3A_841 : memref<!tpu.dma_semaphore, #tpu.memory_space<semaphore_mem>>)
      } else {
      }
      %dma_wait3A_250 = arith.constant 0 : i32
      %dma_wait3A_251 = arith.constant 0 : i32
      %dma_wait3A_252 = arith.constant 0 : i32
      %dma_wait3A_253 = arith.constant 0 : i32
      %dma_wait3A_254 = arith.constant 0 : i32
      %dma_wait3A_255 = arith.constant 0 : i32
      %dma_wait3A_256 = tpu.memref_slice %arg7[%dma_wait3A_252, %dma_wait3A_254, %dma_wait3A_255] : memref<4x400x64xf32, #tpu.memory_space<vmem>> -> memref<1x104x64xf32, #tpu.memory_space<vmem>>
      %dma_wait3A_257 = tpu.memref_squeeze %dma_wait3A_256 : memref<1x104x64xf32, #tpu.memory_space<vmem>> -> memref<104x64xf32, #tpu.memory_space<vmem>>
      %dma_wait3A_258 = arith.constant 0 : i32
      %dma_wait3A_259 = tpu.memref_slice %arg6[%dma_wait3A_250, %dma_wait3A_251, %dma_wait3A_258] : memref<4x2x200xi32, #tpu.memory_space<vmem>> -> memref<1x1x104xi32, #tpu.memory_space<vmem>>
      %dma_wait3A_260 = tpu.memref_squeeze %dma_wait3A_259 : memref<1x1x104xi32, #tpu.memory_space<vmem>> -> memref<104xi32, #tpu.memory_space<vmem>>
      %dma_wait3A_261 = arith.constant 0 : i32
      %dma_wait3A_262 = arith.constant 0 : i32
      %dma_wait3A_263 = tpu.memref_slice %arg3[%dma_wait3A_261, %dma_wait3A_262] : memref<100000x64xf32, #tpu.memory_space<hbm>> -> memref<100000x64xf32, #tpu.memory_space<hbm>>
      %dma_wait3A_264 = tpu.memref_slice %arg9[%dma_wait3A_253] : memref<4x!tpu.dma_semaphore, #tpu.memory_space<semaphore_mem>> -> memref<1x!tpu.dma_semaphore, #tpu.memory_space<semaphore_mem>>
      %dma_wait3A_265 = tpu.memref_squeeze %dma_wait3A_264 : memref<1x!tpu.dma_semaphore, #tpu.memory_space<semaphore_mem>> -> memref<!tpu.dma_semaphore, #tpu.memory_space<semaphore_mem>>
      tpu.wait_indirect_dma semaphore(%dma_wait3A_265 : memref<!tpu.dma_semaphore, #tpu.memory_space<semaphore_mem>>) src(%dma_wait3A_263 : memref<100000x64xf32, #tpu.memory_space<hbm>>) dst(%dma_wait3A_257 : memref<104x64xf32, #tpu.memory_space<vmem>>)
      %dma_wait3A_266 = arith.constant 0 : i32
      %dma_wait3A_267 = arith.constant 0 : i32
      %dma_wait3A_268 = arith.constant 0 : i32
      %dma_wait3A_269 = arith.constant 0 : i32
      %dma_wait3A_270 = arith.constant 96 : i32
      %dma_wait3A_271 = arith.constant 0 : i32
      %dma_wait3A_272 = tpu.memref_slice %arg7[%dma_wait3A_268, %dma_wait3A_270, %dma_wait3A_271] : memref<4x400x64xf32, #tpu.memory_space<vmem>> -> memref<1x104x64xf32, #tpu.memory_space<vmem>>
      %dma_wait3A_273 = tpu.memref_squeeze %dma_wait3A_272 : memref<1x104x64xf32, #tpu.memory_space<vmem>> -> memref<104x64xf32, #tpu.memory_space<vmem>>
      %dma_wait3A_274 = arith.constant 96 : i32
      %dma_wait3A_275 = tpu.memref_slice %arg6[%dma_wait3A_266, %dma_wait3A_267, %dma_wait3A_274] : memref<4x2x200xi32, #tpu.memory_space<vmem>> -> memref<1x1x104xi32, #tpu.memory_space<vmem>>
      %dma_wait3A_276 = tpu.memref_squeeze %dma_wait3A_275 : memref<1x1x104xi32, #tpu.memory_space<vmem>> -> memref<104xi32, #tpu.memory_space<vmem>>
      %dma_wait3A_277 = arith.constant 0 : i32
      %dma_wait3A_278 = arith.constant 0 : i32
      %dma_wait3A_279 = tpu.memref_slice %arg3[%dma_wait3A_277, %dma_wait3A_278] : memref<100000x64xf32, #tpu.memory_space<hbm>> -> memref<100000x64xf32, #tpu.memory_space<hbm>>
      %dma_wait3A_280 = tpu.memref_slice %arg9[%dma_wait3A_269] : memref<4x!tpu.dma_semaphore, #tpu.memory_space<semaphore_mem>> -> memref<1x!tpu.dma_semaphore, #tpu.memory_space<semaphore_mem>>
      %dma_wait3A_281 = tpu.memref_squeeze %dma_wait3A_280 : memref<1x!tpu.dma_semaphore, #tpu.memory_space<semaphore_mem>> -> memref<!tpu.dma_semaphore, #tpu.memory_space<semaphore_mem>>
      tpu.wait_indirect_dma semaphore(%dma_wait3A_281 : memref<!tpu.dma_semaphore, #tpu.memory_space<semaphore_mem>>) src(%dma_wait3A_279 : memref<100000x64xf32, #tpu.memory_space<hbm>>) dst(%dma_wait3A_273 : memref<104x64xf32, #tpu.memory_space<vmem>>)
      %dma_wait3A_282 = arith.constant 0 : i32
      %dma_wait3A_283 = arith.constant 1 : i32
      %dma_wait3A_284 = arith.constant 0 : i32
      %dma_wait3A_285 = arith.constant 0 : i32
      %dma_wait3A_286 = arith.constant 200 : i32
      %dma_wait3A_287 = arith.constant 0 : i32
      %dma_wait3A_288 = tpu.memref_slice %arg7[%dma_wait3A_284, %dma_wait3A_286, %dma_wait3A_287] : memref<4x400x64xf32, #tpu.memory_space<vmem>> -> memref<1x104x64xf32, #tpu.memory_space<vmem>>
      %dma_wait3A_289 = tpu.memref_squeeze %dma_wait3A_288 : memref<1x104x64xf32, #tpu.memory_space<vmem>> -> memref<104x64xf32, #tpu.memory_space<vmem>>
      %dma_wait3A_290 = arith.constant 0 : i32
      %dma_wait3A_291 = tpu.memref_slice %arg6[%dma_wait3A_282, %dma_wait3A_283, %dma_wait3A_290] : memref<4x2x200xi32, #tpu.memory_space<vmem>> -> memref<1x1x104xi32, #tpu.memory_space<vmem>>
      %dma_wait3A_292 = tpu.memref_squeeze %dma_wait3A_291 : memref<1x1x104xi32, #tpu.memory_space<vmem>> -> memref<104xi32, #tpu.memory_space<vmem>>
      %dma_wait3A_293 = arith.constant 0 : i32
      %dma_wait3A_294 = arith.constant 0 : i32
      %dma_wait3A_295 = tpu.memref_slice %arg3[%dma_wait3A_293, %dma_wait3A_294] : memref<100000x64xf32, #tpu.memory_space<hbm>> -> memref<100000x64xf32, #tpu.memory_space<hbm>>
      %dma_wait3A_296 = tpu.memref_slice %arg9[%dma_wait3A_285] : memref<4x!tpu.dma_semaphore, #tpu.memory_space<semaphore_mem>> -> memref<1x!tpu.dma_semaphore, #tpu.memory_space<semaphore_mem>>
      %dma_wait3A_297 = tpu.memref_squeeze %dma_wait3A_296 : memref<1x!tpu.dma_semaphore, #tpu.memory_space<semaphore_mem>> -> memref<!tpu.dma_semaphore, #tpu.memory_space<semaphore_mem>>
      tpu.wait_indirect_dma semaphore(%dma_wait3A_297 : memref<!tpu.dma_semaphore, #tpu.memory_space<semaphore_mem>>) src(%dma_wait3A_295 : memref<100000x64xf32, #tpu.memory_space<hbm>>) dst(%dma_wait3A_289 : memref<104x64xf32, #tpu.memory_space<vmem>>)
      %dma_wait3A_298 = arith.constant 0 : i32
      %dma_wait3A_299 = arith.constant 1 : i32
      %dma_wait3A_300 = arith.constant 0 : i32
      %dma_wait3A_301 = arith.constant 0 : i32
      %dma_wait3A_302 = arith.constant 296 : i32
      %dma_wait3A_303 = arith.constant 0 : i32
      %dma_wait3A_304 = tpu.memref_slice %arg7[%dma_wait3A_300, %dma_wait3A_302, %dma_wait3A_303] : memref<4x400x64xf32, #tpu.memory_space<vmem>> -> memref<1x104x64xf32, #tpu.memory_space<vmem>>
      %dma_wait3A_305 = tpu.memref_squeeze %dma_wait3A_304 : memref<1x104x64xf32, #tpu.memory_space<vmem>> -> memref<104x64xf32, #tpu.memory_space<vmem>>
      %dma_wait3A_306 = arith.constant 96 : i32
      %dma_wait3A_307 = tpu.memref_slice %arg6[%dma_wait3A_298, %dma_wait3A_299, %dma_wait3A_306] : memref<4x2x200xi32, #tpu.memory_space<vmem>> -> memref<1x1x104xi32, #tpu.memory_space<vmem>>
      %dma_wait3A_308 = tpu.memref_squeeze %dma_wait3A_307 : memref<1x1x104xi32, #tpu.memory_space<vmem>> -> memref<104xi32, #tpu.memory_space<vmem>>
      %dma_wait3A_309 = arith.constant 0 : i32
      %dma_wait3A_310 = arith.constant 0 : i32
      %dma_wait3A_311 = tpu.memref_slice %arg3[%dma_wait3A_309, %dma_wait3A_310] : memref<100000x64xf32, #tpu.memory_space<hbm>> -> memref<100000x64xf32, #tpu.memory_space<hbm>>
      %dma_wait3A_312 = tpu.memref_slice %arg9[%dma_wait3A_301] : memref<4x!tpu.dma_semaphore, #tpu.memory_space<semaphore_mem>> -> memref<1x!tpu.dma_semaphore, #tpu.memory_space<semaphore_mem>>
      %dma_wait3A_313 = tpu.memref_squeeze %dma_wait3A_312 : memref<1x!tpu.dma_semaphore, #tpu.memory_space<semaphore_mem>> -> memref<!tpu.dma_semaphore, #tpu.memory_space<semaphore_mem>>
      tpu.wait_indirect_dma semaphore(%dma_wait3A_313 : memref<!tpu.dma_semaphore, #tpu.memory_space<semaphore_mem>>) src(%dma_wait3A_311 : memref<100000x64xf32, #tpu.memory_space<hbm>>) dst(%dma_wait3A_305 : memref<104x64xf32, #tpu.memory_space<vmem>>)
      %parallel_loop3A = arith.constant 0 : i32
      %parallel_loop3A_314 = arith.constant 200 : i32
      %parallel_loop3A_315 = arith.constant 1 : i32
      scf.for %parallel_loop3A_774 = %parallel_loop3A to %parallel_loop3A_314 step %parallel_loop3A_315  : i32 {
        %parallel_loop3A_775 = arith.index_cast %parallel_loop3A_774 : i32 to index
        %parallel_loop3A_776 = arith.constant 0 : index
        %parallel_loop3A_777 = tpu.vector_load %arg8[%parallel_loop3A_775, %parallel_loop3A_776] {strides = array<i32>} : memref<200x64xf32, #tpu.memory_space<vmem>>, vector<1x16xf32>,
        %parallel_loop3A_778 = vector.shape_cast %parallel_loop3A_777 : vector<1x16xf32> to vector<16xf32>
        %parallel_loop3A_779 = arith.constant 0 : i32
        %parallel_loop3A_780 = arith.addi %parallel_loop3A_779, %parallel_loop3A_774 : i32
        %parallel_loop3A_781 = arith.constant 0 : i32
        %parallel_loop3A_782 = arith.index_cast %parallel_loop3A_781 : i32 to index
        %parallel_loop3A_783 = arith.index_cast %parallel_loop3A_780 : i32 to index
        %parallel_loop3A_784 = arith.constant 0 : index
        %parallel_loop3A_785 = tpu.vector_load %arg7[%parallel_loop3A_782, %parallel_loop3A_783, %parallel_loop3A_784] {strides = array<i32>} : memref<4x400x64xf32, #tpu.memory_space<vmem>>, vector<1x1x16xf32>,
        %parallel_loop3A_786 = vector.shape_cast %parallel_loop3A_785 : vector<1x1x16xf32> to vector<16xf32>
        %parallel_loop3A_787 = vector.shape_cast %parallel_loop3A_778 : vector<16xf32> to vector<1x1x16xf32>
        tpu.vector_store %arg7[%parallel_loop3A_782, %parallel_loop3A_783, %parallel_loop3A_784], %parallel_loop3A_787 {add = true, strides = array<i32>} : memref<4x400x64xf32, #tpu.memory_space<vmem>>, vector<1x1x16xf32>,
        %parallel_loop3A_788 = arith.constant 200 : i32
        %parallel_loop3A_789 = arith.addi %parallel_loop3A_788, %parallel_loop3A_774 : i32
        %parallel_loop3A_790 = arith.constant 0 : i32
        %parallel_loop3A_791 = arith.index_cast %parallel_loop3A_790 : i32 to index
        %parallel_loop3A_792 = arith.index_cast %parallel_loop3A_789 : i32 to index
        %parallel_loop3A_793 = arith.constant 0 : index
        %parallel_loop3A_794 = tpu.vector_load %arg7[%parallel_loop3A_791, %parallel_loop3A_792, %parallel_loop3A_793] {strides = array<i32>} : memref<4x400x64xf32, #tpu.memory_space<vmem>>, vector<1x1x16xf32>,
        %parallel_loop3A_795 = vector.shape_cast %parallel_loop3A_794 : vector<1x1x16xf32> to vector<16xf32>
        %parallel_loop3A_796 = vector.shape_cast %parallel_loop3A_778 : vector<16xf32> to vector<1x1x16xf32>
        tpu.vector_store %arg7[%parallel_loop3A_791, %parallel_loop3A_792, %parallel_loop3A_793], %parallel_loop3A_796 {add = true, strides = array<i32>} : memref<4x400x64xf32, #tpu.memory_space<vmem>>, vector<1x1x16xf32>,
        %parallel_loop3A_797 = arith.index_cast %parallel_loop3A_774 : i32 to index
        %parallel_loop3A_798 = arith.constant 16 : index
        %parallel_loop3A_799 = tpu.vector_load %arg8[%parallel_loop3A_797, %parallel_loop3A_798] {strides = array<i32>} : memref<200x64xf32, #tpu.memory_space<vmem>>, vector<1x16xf32>,
        %parallel_loop3A_800 = vector.shape_cast %parallel_loop3A_799 : vector<1x16xf32> to vector<16xf32>
        %parallel_loop3A_801 = arith.constant 0 : i32
        %parallel_loop3A_802 = arith.addi %parallel_loop3A_801, %parallel_loop3A_774 : i32
        %parallel_loop3A_803 = arith.constant 0 : i32
        %parallel_loop3A_804 = arith.index_cast %parallel_loop3A_803 : i32 to index
        %parallel_loop3A_805 = arith.index_cast %parallel_loop3A_802 : i32 to index
        %parallel_loop3A_806 = arith.constant 16 : index
        %parallel_loop3A_807 = tpu.vector_load %arg7[%parallel_loop3A_804, %parallel_loop3A_805, %parallel_loop3A_806] {strides = array<i32>} : memref<4x400x64xf32, #tpu.memory_space<vmem>>, vector<1x1x16xf32>,
        %parallel_loop3A_808 = vector.shape_cast %parallel_loop3A_807 : vector<1x1x16xf32> to vector<16xf32>
        %parallel_loop3A_809 = vector.shape_cast %parallel_loop3A_800 : vector<16xf32> to vector<1x1x16xf32>
        tpu.vector_store %arg7[%parallel_loop3A_804, %parallel_loop3A_805, %parallel_loop3A_806], %parallel_loop3A_809 {add = true, strides = array<i32>} : memref<4x400x64xf32, #tpu.memory_space<vmem>>, vector<1x1x16xf32>,
        %parallel_loop3A_810 = arith.constant 200 : i32
        %parallel_loop3A_811 = arith.addi %parallel_loop3A_810, %parallel_loop3A_774 : i32
        %parallel_loop3A_812 = arith.constant 0 : i32
        %parallel_loop3A_813 = arith.index_cast %parallel_loop3A_812 : i32 to index
        %parallel_loop3A_814 = arith.index_cast %parallel_loop3A_811 : i32 to index
        %parallel_loop3A_815 = arith.constant 16 : index
        %parallel_loop3A_816 = tpu.vector_load %arg7[%parallel_loop3A_813, %parallel_loop3A_814, %parallel_loop3A_815] {strides = array<i32>} : memref<4x400x64xf32, #tpu.memory_space<vmem>>, vector<1x1x16xf32>,
        %parallel_loop3A_817 = vector.shape_cast %parallel_loop3A_816 : vector<1x1x16xf32> to vector<16xf32>
        %parallel_loop3A_818 = vector.shape_cast %parallel_loop3A_800 : vector<16xf32> to vector<1x1x16xf32>
        tpu.vector_store %arg7[%parallel_loop3A_813, %parallel_loop3A_814, %parallel_loop3A_815], %parallel_loop3A_818 {add = true, strides = array<i32>} : memref<4x400x64xf32, #tpu.memory_space<vmem>>, vector<1x1x16xf32>,
        %parallel_loop3A_819 = arith.index_cast %parallel_loop3A_774 : i32 to index
        %parallel_loop3A_820 = arith.constant 32 : index
        %parallel_loop3A_821 = tpu.vector_load %arg8[%parallel_loop3A_819, %parallel_loop3A_820] {strides = array<i32>} : memref<200x64xf32, #tpu.memory_space<vmem>>, vector<1x16xf32>,
        %parallel_loop3A_822 = vector.shape_cast %parallel_loop3A_821 : vector<1x16xf32> to vector<16xf32>
        %parallel_loop3A_823 = arith.constant 0 : i32
        %parallel_loop3A_824 = arith.addi %parallel_loop3A_823, %parallel_loop3A_774 : i32
        %parallel_loop3A_825 = arith.constant 0 : i32
        %parallel_loop3A_826 = arith.index_cast %parallel_loop3A_825 : i32 to index
        %parallel_loop3A_827 = arith.index_cast %parallel_loop3A_824 : i32 to index
        %parallel_loop3A_828 = arith.constant 32 : index
        %parallel_loop3A_829 = tpu.vector_load %arg7[%parallel_loop3A_826, %parallel_loop3A_827, %parallel_loop3A_828] {strides = array<i32>} : memref<4x400x64xf32, #tpu.memory_space<vmem>>, vector<1x1x16xf32>,
        %parallel_loop3A_830 = vector.shape_cast %parallel_loop3A_829 : vector<1x1x16xf32> to vector<16xf32>
        %parallel_loop3A_831 = vector.shape_cast %parallel_loop3A_822 : vector<16xf32> to vector<1x1x16xf32>
        tpu.vector_store %arg7[%parallel_loop3A_826, %parallel_loop3A_827, %parallel_loop3A_828], %parallel_loop3A_831 {add = true, strides = array<i32>} : memref<4x400x64xf32, #tpu.memory_space<vmem>>, vector<1x1x16xf32>,
        %parallel_loop3A_832 = arith.constant 200 : i32
        %parallel_loop3A_833 = arith.addi %parallel_loop3A_832, %parallel_loop3A_774 : i32
        %parallel_loop3A_834 = arith.constant 0 : i32
        %parallel_loop3A_835 = arith.index_cast %parallel_loop3A_834 : i32 to index
        %parallel_loop3A_836 = arith.index_cast %parallel_loop3A_833 : i32 to index
        %parallel_loop3A_837 = arith.constant 32 : index
        %parallel_loop3A_838 = tpu.vector_load %arg7[%parallel_loop3A_835, %parallel_loop3A_836, %parallel_loop3A_837] {strides = array<i32>} : memref<4x400x64xf32, #tpu.memory_space<vmem>>, vector<1x1x16xf32>,
        %parallel_loop3A_839 = vector.shape_cast %parallel_loop3A_838 : vector<1x1x16xf32> to vector<16xf32>
        %parallel_loop3A_840 = vector.shape_cast %parallel_loop3A_822 : vector<16xf32> to vector<1x1x16xf32>
        tpu.vector_store %arg7[%parallel_loop3A_835, %parallel_loop3A_836, %parallel_loop3A_837], %parallel_loop3A_840 {add = true, strides = array<i32>} : memref<4x400x64xf32, #tpu.memory_space<vmem>>, vector<1x1x16xf32>,
        %parallel_loop3A_841 = arith.index_cast %parallel_loop3A_774 : i32 to index
        %parallel_loop3A_842 = arith.constant 48 : index
        %parallel_loop3A_843 = tpu.vector_load %arg8[%parallel_loop3A_841, %parallel_loop3A_842] {strides = array<i32>} : memref<200x64xf32, #tpu.memory_space<vmem>>, vector<1x16xf32>,
        %parallel_loop3A_844 = vector.shape_cast %parallel_loop3A_843 : vector<1x16xf32> to vector<16xf32>
        %parallel_loop3A_845 = arith.constant 0 : i32
        %parallel_loop3A_846 = arith.addi %parallel_loop3A_845, %parallel_loop3A_774 : i32
        %parallel_loop3A_847 = arith.constant 0 : i32
        %parallel_loop3A_848 = arith.index_cast %parallel_loop3A_847 : i32 to index
        %parallel_loop3A_849 = arith.index_cast %parallel_loop3A_846 : i32 to index
        %parallel_loop3A_850 = arith.constant 48 : index
        %parallel_loop3A_851 = tpu.vector_load %arg7[%parallel_loop3A_848, %parallel_loop3A_849, %parallel_loop3A_850] {strides = array<i32>} : memref<4x400x64xf32, #tpu.memory_space<vmem>>, vector<1x1x16xf32>,
        %parallel_loop3A_852 = vector.shape_cast %parallel_loop3A_851 : vector<1x1x16xf32> to vector<16xf32>
        %parallel_loop3A_853 = vector.shape_cast %parallel_loop3A_844 : vector<16xf32> to vector<1x1x16xf32>
        tpu.vector_store %arg7[%parallel_loop3A_848, %parallel_loop3A_849, %parallel_loop3A_850], %parallel_loop3A_853 {add = true, strides = array<i32>} : memref<4x400x64xf32, #tpu.memory_space<vmem>>, vector<1x1x16xf32>,
        %parallel_loop3A_854 = arith.constant 200 : i32
        %parallel_loop3A_855 = arith.addi %parallel_loop3A_854, %parallel_loop3A_774 : i32
        %parallel_loop3A_856 = arith.constant 0 : i32
        %parallel_loop3A_857 = arith.index_cast %parallel_loop3A_856 : i32 to index
        %parallel_loop3A_858 = arith.index_cast %parallel_loop3A_855 : i32 to index
        %parallel_loop3A_859 = arith.constant 48 : index
        %parallel_loop3A_860 = tpu.vector_load %arg7[%parallel_loop3A_857, %parallel_loop3A_858, %parallel_loop3A_859] {strides = array<i32>} : memref<4x400x64xf32, #tpu.memory_space<vmem>>, vector<1x1x16xf32>,
        %parallel_loop3A_861 = vector.shape_cast %parallel_loop3A_860 : vector<1x1x16xf32> to vector<16xf32>
        %parallel_loop3A_862 = vector.shape_cast %parallel_loop3A_844 : vector<16xf32> to vector<1x1x16xf32>
        tpu.vector_store %arg7[%parallel_loop3A_857, %parallel_loop3A_858, %parallel_loop3A_859], %parallel_loop3A_862 {add = true, strides = array<i32>} : memref<4x400x64xf32, #tpu.memory_space<vmem>>, vector<1x1x16xf32>,
      } {sc.loop_unroll_factor = 2 : i64, sc.parallel_access}
      %mul3A_316 = arith.constant 2 : i32
      %mul3A_317 = arith.muli %add3A_239, %mul3A_316 : i32
      %add3A_318 = arith.addi %mul3A_2, %mul3A_317 : i32
      %add3A_319 = arith.constant 0 : i32
      %add3A_320 = arith.addi %add3A_318, %add3A_319 : i32
      %dma_start3A_321 = arith.constant 0 : i32
      %dma_start3A_322 = arith.constant 0 : i32
      %dma_start3A_323 = arith.constant 0 : i32
      %dma_start3A_324 = arith.constant 0 : i32
      %dma_start3A_325 = tpu.memref_slice %arg7[%dma_start3A_321, %dma_start3A_323, %dma_start3A_324] : memref<4x400x64xf32, #tpu.memory_space<vmem>> -> memref<1x200x64xf32, #tpu.memory_space<vmem>>
      %dma_start3A_326 = tpu.memref_squeeze %dma_start3A_325 : memref<1x200x64xf32, #tpu.memory_space<vmem>> -> memref<200x64xf32, #tpu.memory_space<vmem>>
      %dma_start3A_327 = arith.constant 0 : i32
      %dma_start3A_328 = arith.constant 0 : i32
      %dma_start3A_329 = tpu.memref_slice %arg5[%add3A_320, %dma_start3A_327, %dma_start3A_328] : memref<16384x200x128xf32, #tpu.memory_space<hbm>> -> memref<1x200x64xf32, #tpu.memory_space<hbm>>
      %dma_start3A_330 = tpu.memref_squeeze %dma_start3A_329 : memref<1x200x64xf32, #tpu.memory_space<hbm>> -> memref<200x64xf32, #tpu.memory_space<hbm>>
      %dma_start3A_331 = tpu.memref_slice %arg10[%dma_start3A_322] : memref<4x!tpu.dma_semaphore, #tpu.memory_space<semaphore_mem>> -> memref<1x!tpu.dma_semaphore, #tpu.memory_space<semaphore_mem>>
      %dma_start3A_332 = tpu.memref_squeeze %dma_start3A_331 : memref<1x!tpu.dma_semaphore, #tpu.memory_space<semaphore_mem>> -> memref<!tpu.dma_semaphore, #tpu.memory_space<semaphore_mem>>
      %dma_start3A_333 = arith.constant 0 : i32
      %dma_start3A_334 = arith.constant 0 : i32
      %dma_start3A_335 = tpu.memref_slice %arg5[%add3A_320, %dma_start3A_333, %dma_start3A_334] : memref<16384x200x128xf32, #tpu.memory_space<hbm>> -> memref<1x200x64xf32, #tpu.memory_space<hbm>>
      %dma_start3A_336 = tpu.memref_squeeze %dma_start3A_335 : memref<1x200x64xf32, #tpu.memory_space<hbm>> -> memref<200x64xf32, #tpu.memory_space<hbm>>
      %dma_start3A_337 = arith.constant 0 : i32
      %dma_start3A_338 = arith.constant 0 : i32
      %dma_start3A_339 = tpu.memref_slice %arg7[%dma_start3A_321, %dma_start3A_337, %dma_start3A_338] : memref<4x400x64xf32, #tpu.memory_space<vmem>> -> memref<1x200x64xf32, #tpu.memory_space<vmem>>
      %dma_start3A_340 = tpu.memref_squeeze %dma_start3A_339 : memref<1x200x64xf32, #tpu.memory_space<vmem>> -> memref<200x64xf32, #tpu.memory_space<vmem>>
      tpu.enqueue_dma source(%dma_start3A_340 : memref<200x64xf32, #tpu.memory_space<vmem>>) target(%dma_start3A_336 : memref<200x64xf32, #tpu.memory_space<hbm>>) target_semaphore(%dma_start3A_332 : memref<!tpu.dma_semaphore, #tpu.memory_space<semaphore_mem>>)
      %mul3A_341 = arith.constant 2 : i32
      %mul3A_342 = arith.muli %add3A_239, %mul3A_341 : i32
      %add3A_343 = arith.addi %mul3A_2, %mul3A_342 : i32
      %add3A_344 = arith.constant 1 : i32
      %add3A_345 = arith.addi %add3A_343, %add3A_344 : i32
      %dma_start3A_346 = arith.constant 0 : i32
      %dma_start3A_347 = arith.constant 0 : i32
      %dma_start3A_348 = arith.constant 200 : i32
      %dma_start3A_349 = arith.constant 0 : i32
      %dma_start3A_350 = tpu.memref_slice %arg7[%dma_start3A_346, %dma_start3A_348, %dma_start3A_349] : memref<4x400x64xf32, #tpu.memory_space<vmem>> -> memref<1x200x64xf32, #tpu.memory_space<vmem>>
      %dma_start3A_351 = tpu.memref_squeeze %dma_start3A_350 : memref<1x200x64xf32, #tpu.memory_space<vmem>> -> memref<200x64xf32, #tpu.memory_space<vmem>>
      %dma_start3A_352 = arith.constant 0 : i32
      %dma_start3A_353 = arith.constant 0 : i32
      %dma_start3A_354 = tpu.memref_slice %arg5[%add3A_345, %dma_start3A_352, %dma_start3A_353] : memref<16384x200x128xf32, #tpu.memory_space<hbm>> -> memref<1x200x64xf32, #tpu.memory_space<hbm>>
      %dma_start3A_355 = tpu.memref_squeeze %dma_start3A_354 : memref<1x200x64xf32, #tpu.memory_space<hbm>> -> memref<200x64xf32, #tpu.memory_space<hbm>>
      %dma_start3A_356 = tpu.memref_slice %arg10[%dma_start3A_347] : memref<4x!tpu.dma_semaphore, #tpu.memory_space<semaphore_mem>> -> memref<1x!tpu.dma_semaphore, #tpu.memory_space<semaphore_mem>>
      %dma_start3A_357 = tpu.memref_squeeze %dma_start3A_356 : memref<1x!tpu.dma_semaphore, #tpu.memory_space<semaphore_mem>> -> memref<!tpu.dma_semaphore, #tpu.memory_space<semaphore_mem>>
      %dma_start3A_358 = arith.constant 0 : i32
      %dma_start3A_359 = arith.constant 0 : i32
      %dma_start3A_360 = tpu.memref_slice %arg5[%add3A_345, %dma_start3A_358, %dma_start3A_359] : memref<16384x200x128xf32, #tpu.memory_space<hbm>> -> memref<1x200x64xf32, #tpu.memory_space<hbm>>
      %dma_start3A_361 = tpu.memref_squeeze %dma_start3A_360 : memref<1x200x64xf32, #tpu.memory_space<hbm>> -> memref<200x64xf32, #tpu.memory_space<hbm>>
      %dma_start3A_362 = arith.constant 200 : i32
      %dma_start3A_363 = arith.constant 0 : i32
      %dma_start3A_364 = tpu.memref_slice %arg7[%dma_start3A_346, %dma_start3A_362, %dma_start3A_363] : memref<4x400x64xf32, #tpu.memory_space<vmem>> -> memref<1x200x64xf32, #tpu.memory_space<vmem>>
      %dma_start3A_365 = tpu.memref_squeeze %dma_start3A_364 : memref<1x200x64xf32, #tpu.memory_space<vmem>> -> memref<200x64xf32, #tpu.memory_space<vmem>>
      tpu.enqueue_dma source(%dma_start3A_365 : memref<200x64xf32, #tpu.memory_space<vmem>>) target(%dma_start3A_361 : memref<200x64xf32, #tpu.memory_space<hbm>>) target_semaphore(%dma_start3A_357 : memref<!tpu.dma_semaphore, #tpu.memory_space<semaphore_mem>>)
      %mul3A_366 = arith.constant 4 : i32
      %mul3A_367 = arith.muli %scan3A_235, %mul3A_366 : i32
      %add3A_368 = arith.constant 1 : i32
      %add3A_369 = arith.addi %mul3A_367, %add3A_368 : i32
      %add3A_370 = arith.constant 2 : i32
      %add3A_371 = arith.addi %add3A_369, %add3A_370 : i32
      %ge3A_372 = arith.constant 4 : i32
      %ge3A_373 = arith.cmpi sge, %add3A_371, %ge3A_372 : i32
      %lt3A_374 = arith.constant 256 : i32
      %lt3A_375 = arith.cmpi slt, %add3A_371, %lt3A_374 : i32
      %and3A_376 = arith.andi %ge3A_373, %lt3A_375 : i1
      %convert_element_type3A_377 = arith.extui %and3A_376 : i1 to i32
      %cond3A_378 = arith.constant 0 : i32
      %cond3A_379 = arith.cmpi ne, %convert_element_type3A_377, %cond3A_378 : i32
      scf.if %cond3A_379 {
        %sub3A = arith.constant 4 : i32
        %sub3A_774 = arith.subi %add3A_371, %sub3A : i32
        %mul3A_775 = arith.constant 2 : i32
        %mul3A_776 = arith.muli %sub3A_774, %mul3A_775 : i32
        %add3A_777 = arith.addi %mul3A_2, %mul3A_776 : i32
        %add3A_778 = arith.constant 0 : i32
        %add3A_779 = arith.addi %add3A_777, %add3A_778 : i32
        %dma_wait3A_780 = arith.constant 3 : i32
        %dma_wait3A_781 = arith.constant 3 : i32
        %dma_wait3A_782 = arith.constant 0 : i32
        %dma_wait3A_783 = arith.constant 0 : i32
        %dma_wait3A_784 = tpu.memref_slice %arg7[%dma_wait3A_780, %dma_wait3A_782, %dma_wait3A_783] : memref<4x400x64xf32, #tpu.memory_space<vmem>> -> memref<1x200x64xf32, #tpu.memory_space<vmem>>
        %dma_wait3A_785 = tpu.memref_squeeze %dma_wait3A_784 : memref<1x200x64xf32, #tpu.memory_space<vmem>> -> memref<200x64xf32, #tpu.memory_space<vmem>>
        %dma_wait3A_786 = arith.constant 0 : i32
        %dma_wait3A_787 = arith.constant 0 : i32
        %dma_wait3A_788 = tpu.memref_slice %arg5[%add3A_779, %dma_wait3A_786, %dma_wait3A_787] : memref<16384x200x128xf32, #tpu.memory_space<hbm>> -> memref<1x200x64xf32, #tpu.memory_space<hbm>>
        %dma_wait3A_789 = tpu.memref_squeeze %dma_wait3A_788 : memref<1x200x64xf32, #tpu.memory_space<hbm>> -> memref<200x64xf32, #tpu.memory_space<hbm>>
        %dma_wait3A_790 = tpu.memref_slice %arg10[%dma_wait3A_781] : memref<4x!tpu.dma_semaphore, #tpu.memory_space<semaphore_mem>> -> memref<1x!tpu.dma_semaphore, #tpu.memory_space<semaphore_mem>>
        %dma_wait3A_791 = tpu.memref_squeeze %dma_wait3A_790 : memref<1x!tpu.dma_semaphore, #tpu.memory_space<semaphore_mem>> -> memref<!tpu.dma_semaphore, #tpu.memory_space<semaphore_mem>>
        %dma_wait3A_792 = arith.constant 0 : i32
        %dma_wait3A_793 = arith.constant 0 : i32
        %dma_wait3A_794 = tpu.memref_slice %arg5[%add3A_779, %dma_wait3A_792, %dma_wait3A_793] : memref<16384x200x128xf32, #tpu.memory_space<hbm>> -> memref<1x200x64xf32, #tpu.memory_space<hbm>>
        %dma_wait3A_795 = tpu.memref_squeeze %dma_wait3A_794 : memref<1x200x64xf32, #tpu.memory_space<hbm>> -> memref<200x64xf32, #tpu.memory_space<hbm>>
        %dma_wait3A_796 = arith.constant 0 : i32
        %dma_wait3A_797 = arith.constant 0 : i32
        %dma_wait3A_798 = tpu.memref_slice %arg7[%dma_wait3A_780, %dma_wait3A_796, %dma_wait3A_797] : memref<4x400x64xf32, #tpu.memory_space<vmem>> -> memref<1x200x64xf32, #tpu.memory_space<vmem>>
        %dma_wait3A_799 = tpu.memref_squeeze %dma_wait3A_798 : memref<1x200x64xf32, #tpu.memory_space<vmem>> -> memref<200x64xf32, #tpu.memory_space<vmem>>
        tpu.wait_dma2 semaphore(%dma_wait3A_791 : memref<!tpu.dma_semaphore, #tpu.memory_space<semaphore_mem>>) src(%dma_wait3A_799 : memref<200x64xf32, #tpu.memory_space<vmem>>) dst(%dma_wait3A_795 : memref<200x64xf32, #tpu.memory_space<hbm>>)
        %mul3A_800 = arith.constant 2 : i32
        %mul3A_801 = arith.muli %sub3A_774, %mul3A_800 : i32
        %add3A_802 = arith.addi %mul3A_2, %mul3A_801 : i32
        %add3A_803 = arith.constant 1 : i32
        %add3A_804 = arith.addi %add3A_802, %add3A_803 : i32
        %dma_wait3A_805 = arith.constant 3 : i32
        %dma_wait3A_806 = arith.constant 3 : i32
        %dma_wait3A_807 = arith.constant 200 : i32
        %dma_wait3A_808 = arith.constant 0 : i32
        %dma_wait3A_809 = tpu.memref_slice %arg7[%dma_wait3A_805, %dma_wait3A_807, %dma_wait3A_808] : memref<4x400x64xf32, #tpu.memory_space<vmem>> -> memref<1x200x64xf32, #tpu.memory_space<vmem>>
        %dma_wait3A_810 = tpu.memref_squeeze %dma_wait3A_809 : memref<1x200x64xf32, #tpu.memory_space<vmem>> -> memref<200x64xf32, #tpu.memory_space<vmem>>
        %dma_wait3A_811 = arith.constant 0 : i32
        %dma_wait3A_812 = arith.constant 0 : i32
        %dma_wait3A_813 = tpu.memref_slice %arg5[%add3A_804, %dma_wait3A_811, %dma_wait3A_812] : memref<16384x200x128xf32, #tpu.memory_space<hbm>> -> memref<1x200x64xf32, #tpu.memory_space<hbm>>
        %dma_wait3A_814 = tpu.memref_squeeze %dma_wait3A_813 : memref<1x200x64xf32, #tpu.memory_space<hbm>> -> memref<200x64xf32, #tpu.memory_space<hbm>>
        %dma_wait3A_815 = tpu.memref_slice %arg10[%dma_wait3A_806] : memref<4x!tpu.dma_semaphore, #tpu.memory_space<semaphore_mem>> -> memref<1x!tpu.dma_semaphore, #tpu.memory_space<semaphore_mem>>
        %dma_wait3A_816 = tpu.memref_squeeze %dma_wait3A_815 : memref<1x!tpu.dma_semaphore, #tpu.memory_space<semaphore_mem>> -> memref<!tpu.dma_semaphore, #tpu.memory_space<semaphore_mem>>
        %dma_wait3A_817 = arith.constant 0 : i32
        %dma_wait3A_818 = arith.constant 0 : i32
        %dma_wait3A_819 = tpu.memref_slice %arg5[%add3A_804, %dma_wait3A_817, %dma_wait3A_818] : memref<16384x200x128xf32, #tpu.memory_space<hbm>> -> memref<1x200x64xf32, #tpu.memory_space<hbm>>
        %dma_wait3A_820 = tpu.memref_squeeze %dma_wait3A_819 : memref<1x200x64xf32, #tpu.memory_space<hbm>> -> memref<200x64xf32, #tpu.memory_space<hbm>>
        %dma_wait3A_821 = arith.constant 200 : i32
        %dma_wait3A_822 = arith.constant 0 : i32
        %dma_wait3A_823 = tpu.memref_slice %arg7[%dma_wait3A_805, %dma_wait3A_821, %dma_wait3A_822] : memref<4x400x64xf32, #tpu.memory_space<vmem>> -> memref<1x200x64xf32, #tpu.memory_space<vmem>>
        %dma_wait3A_824 = tpu.memref_squeeze %dma_wait3A_823 : memref<1x200x64xf32, #tpu.memory_space<vmem>> -> memref<200x64xf32, #tpu.memory_space<vmem>>
        tpu.wait_dma2 semaphore(%dma_wait3A_816 : memref<!tpu.dma_semaphore, #tpu.memory_space<semaphore_mem>>) src(%dma_wait3A_824 : memref<200x64xf32, #tpu.memory_space<vmem>>) dst(%dma_wait3A_820 : memref<200x64xf32, #tpu.memory_space<hbm>>)
      } else {
      }
      %lt3A_380 = arith.constant 256 : i32
      %lt3A_381 = arith.cmpi slt, %add3A_371, %lt3A_380 : i32
      %convert_element_type3A_382 = arith.extui %lt3A_381 : i1 to i32
      %cond3A_383 = arith.constant 0 : i32
      %cond3A_384 = arith.cmpi ne, %convert_element_type3A_382, %cond3A_383 : i32
      scf.if %cond3A_384 {
        %mul3A_774 = arith.constant 2 : i32
        %mul3A_775 = arith.muli %add3A_371, %mul3A_774 : i32
        %add3A_776 = arith.addi %mul3A_2, %mul3A_775 : i32
        %run_scoped3A_777 = arith.constant 3 : i32
        "tpu.region"() ({
          %run_scoped3A_842 = tpu.sem_alloc : memref<!tpu.dma_semaphore, #tpu.memory_space<semaphore_mem>>
          %dma_start3A_843 = arith.constant 0 : i32
          %dma_start3A_844 = arith.constant 0 : i32
          %dma_start3A_845 = tpu.memref_slice %arg6[%run_scoped3A_777, %dma_start3A_843, %dma_start3A_844] : memref<4x2x200xi32, #tpu.memory_space<vmem>> -> memref<1x2x200xi32, #tpu.memory_space<vmem>>
          %dma_start3A_846 = tpu.memref_squeeze %dma_start3A_845 : memref<1x2x200xi32, #tpu.memory_space<vmem>> -> memref<2x200xi32, #tpu.memory_space<vmem>>
          %dma_start3A_847 = arith.constant 0 : i32
          %dma_start3A_848 = tpu.memref_slice %arg2[%add3A_776, %dma_start3A_847] : memref<16384x200xi32, #tpu.memory_space<hbm>> -> memref<2x200xi32, #tpu.memory_space<hbm>>
          %dma_start3A_849 = arith.constant 0 : i32
          %dma_start3A_850 = arith.constant 0 : i32
          %dma_start3A_851 = tpu.memref_slice %arg6[%run_scoped3A_777, %dma_start3A_849, %dma_start3A_850] : memref<4x2x200xi32, #tpu.memory_space<vmem>> -> memref<1x2x200xi32, #tpu.memory_space<vmem>>
          %dma_start3A_852 = tpu.memref_squeeze %dma_start3A_851 : memref<1x2x200xi32, #tpu.memory_space<vmem>> -> memref<2x200xi32, #tpu.memory_space<vmem>>
          %dma_start3A_853 = arith.constant 0 : i32
          %dma_start3A_854 = tpu.memref_slice %arg2[%add3A_776, %dma_start3A_853] : memref<16384x200xi32, #tpu.memory_space<hbm>> -> memref<2x200xi32, #tpu.memory_space<hbm>>
          tpu.enqueue_dma source(%dma_start3A_854 : memref<2x200xi32, #tpu.memory_space<hbm>>) target(%dma_start3A_852 : memref<2x200xi32, #tpu.memory_space<vmem>>) target_semaphore(%run_scoped3A_842 : memref<!tpu.dma_semaphore, #tpu.memory_space<semaphore_mem>>)
          %dma_wait3A_855 = arith.constant 0 : i32
          %dma_wait3A_856 = arith.constant 0 : i32
          %dma_wait3A_857 = tpu.memref_slice %arg6[%run_scoped3A_777, %dma_wait3A_855, %dma_wait3A_856] : memref<4x2x200xi32, #tpu.memory_space<vmem>> -> memref<1x2x200xi32, #tpu.memory_space<vmem>>
          %dma_wait3A_858 = tpu.memref_squeeze %dma_wait3A_857 : memref<1x2x200xi32, #tpu.memory_space<vmem>> -> memref<2x200xi32, #tpu.memory_space<vmem>>
          %dma_wait3A_859 = arith.constant 0 : i32
          %dma_wait3A_860 = tpu.memref_slice %arg2[%add3A_776, %dma_wait3A_859] : memref<16384x200xi32, #tpu.memory_space<hbm>> -> memref<2x200xi32, #tpu.memory_space<hbm>>
          %dma_wait3A_861 = arith.constant 0 : i32
          %dma_wait3A_862 = arith.constant 0 : i32
          %dma_wait3A_863 = tpu.memref_slice %arg6[%run_scoped3A_777, %dma_wait3A_861, %dma_wait3A_862] : memref<4x2x200xi32, #tpu.memory_space<vmem>> -> memref<1x2x200xi32, #tpu.memory_space<vmem>>
          %dma_wait3A_864 = tpu.memref_squeeze %dma_wait3A_863 : memref<1x2x200xi32, #tpu.memory_space<vmem>> -> memref<2x200xi32, #tpu.memory_space<vmem>>
          %dma_wait3A_865 = arith.constant 0 : i32
          %dma_wait3A_866 = tpu.memref_slice %arg2[%add3A_776, %dma_wait3A_865] : memref<16384x200xi32, #tpu.memory_space<hbm>> -> memref<2x200xi32, #tpu.memory_space<hbm>>
          tpu.wait_dma2 semaphore(%run_scoped3A_842 : memref<!tpu.dma_semaphore, #tpu.memory_space<semaphore_mem>>) src(%dma_wait3A_866 : memref<2x200xi32, #tpu.memory_space<hbm>>) dst(%dma_wait3A_864 : memref<2x200xi32, #tpu.memory_space<vmem>>)
          tpu.yield
        }) : () -> ()
        %dma_start3A_778 = arith.constant 3 : i32
        %dma_start3A_779 = arith.constant 0 : i32
        %dma_start3A_780 = arith.constant 3 : i32
        %dma_start3A_781 = arith.constant 3 : i32
        %dma_start3A_782 = arith.constant 0 : i32
        %dma_start3A_783 = arith.constant 0 : i32
        %dma_start3A_784 = tpu.memref_slice %arg7[%dma_start3A_780, %dma_start3A_782, %dma_start3A_783] : memref<4x400x64xf32, #tpu.memory_space<vmem>> -> memref<1x104x64xf32, #tpu.memory_space<vmem>>
        %dma_start3A_785 = tpu.memref_squeeze %dma_start3A_784 : memref<1x104x64xf32, #tpu.memory_space<vmem>> -> memref<104x64xf32, #tpu.memory_space<vmem>>
        %dma_start3A_786 = arith.constant 0 : i32
        %dma_start3A_787 = tpu.memref_slice %arg6[%dma_start3A_778, %dma_start3A_779, %dma_start3A_786] : memref<4x2x200xi32, #tpu.memory_space<vmem>> -> memref<1x1x104xi32, #tpu.memory_space<vmem>>
        %dma_start3A_788 = tpu.memref_squeeze %dma_start3A_787 : memref<1x1x104xi32, #tpu.memory_space<vmem>> -> memref<104xi32, #tpu.memory_space<vmem>>
        %dma_start3A_789 = arith.constant 0 : i32
        %dma_start3A_790 = arith.constant 0 : i32
        %dma_start3A_791 = tpu.memref_slice %arg3[%dma_start3A_789, %dma_start3A_790] : memref<100000x64xf32, #tpu.memory_space<hbm>> -> memref<100000x64xf32, #tpu.memory_space<hbm>>
        %dma_start3A_792 = tpu.memref_slice %arg9[%dma_start3A_781] : memref<4x!tpu.dma_semaphore, #tpu.memory_space<semaphore_mem>> -> memref<1x!tpu.dma_semaphore, #tpu.memory_space<semaphore_mem>>
        %dma_start3A_793 = tpu.memref_squeeze %dma_start3A_792 : memref<1x!tpu.dma_semaphore, #tpu.memory_space<semaphore_mem>> -> memref<!tpu.dma_semaphore, #tpu.memory_space<semaphore_mem>>
        tpu.enqueue_indirect_dma source(%dma_start3A_791 : memref<100000x64xf32, #tpu.memory_space<hbm>>) target(%dma_start3A_785 : memref<104x64xf32, #tpu.memory_space<vmem>>) offsets(%dma_start3A_788 : memref<104xi32, #tpu.memory_space<vmem>>) semaphore(%dma_start3A_793 : memref<!tpu.dma_semaphore, #tpu.memory_space<semaphore_mem>>)
        %dma_start3A_794 = arith.constant 3 : i32
        %dma_start3A_795 = arith.constant 0 : i32
        %dma_start3A_796 = arith.constant 3 : i32
        %dma_start3A_797 = arith.constant 3 : i32
        %dma_start3A_798 = arith.constant 96 : i32
        %dma_start3A_799 = arith.constant 0 : i32
        %dma_start3A_800 = tpu.memref_slice %arg7[%dma_start3A_796, %dma_start3A_798, %dma_start3A_799] : memref<4x400x64xf32, #tpu.memory_space<vmem>> -> memref<1x104x64xf32, #tpu.memory_space<vmem>>
        %dma_start3A_801 = tpu.memref_squeeze %dma_start3A_800 : memref<1x104x64xf32, #tpu.memory_space<vmem>> -> memref<104x64xf32, #tpu.memory_space<vmem>>
        %dma_start3A_802 = arith.constant 96 : i32
        %dma_start3A_803 = tpu.memref_slice %arg6[%dma_start3A_794, %dma_start3A_795, %dma_start3A_802] : memref<4x2x200xi32, #tpu.memory_space<vmem>> -> memref<1x1x104xi32, #tpu.memory_space<vmem>>
        %dma_start3A_804 = tpu.memref_squeeze %dma_start3A_803 : memref<1x1x104xi32, #tpu.memory_space<vmem>> -> memref<104xi32, #tpu.memory_space<vmem>>
        %dma_start3A_805 = arith.constant 0 : i32
        %dma_start3A_806 = arith.constant 0 : i32
        %dma_start3A_807 = tpu.memref_slice %arg3[%dma_start3A_805, %dma_start3A_806] : memref<100000x64xf32, #tpu.memory_space<hbm>> -> memref<100000x64xf32, #tpu.memory_space<hbm>>
        %dma_start3A_808 = tpu.memref_slice %arg9[%dma_start3A_797] : memref<4x!tpu.dma_semaphore, #tpu.memory_space<semaphore_mem>> -> memref<1x!tpu.dma_semaphore, #tpu.memory_space<semaphore_mem>>
        %dma_start3A_809 = tpu.memref_squeeze %dma_start3A_808 : memref<1x!tpu.dma_semaphore, #tpu.memory_space<semaphore_mem>> -> memref<!tpu.dma_semaphore, #tpu.memory_space<semaphore_mem>>
        tpu.enqueue_indirect_dma source(%dma_start3A_807 : memref<100000x64xf32, #tpu.memory_space<hbm>>) target(%dma_start3A_801 : memref<104x64xf32, #tpu.memory_space<vmem>>) offsets(%dma_start3A_804 : memref<104xi32, #tpu.memory_space<vmem>>) semaphore(%dma_start3A_809 : memref<!tpu.dma_semaphore, #tpu.memory_space<semaphore_mem>>)
        %dma_start3A_810 = arith.constant 3 : i32
        %dma_start3A_811 = arith.constant 1 : i32
        %dma_start3A_812 = arith.constant 3 : i32
        %dma_start3A_813 = arith.constant 3 : i32
        %dma_start3A_814 = arith.constant 200 : i32
        %dma_start3A_815 = arith.constant 0 : i32
        %dma_start3A_816 = tpu.memref_slice %arg7[%dma_start3A_812, %dma_start3A_814, %dma_start3A_815] : memref<4x400x64xf32, #tpu.memory_space<vmem>> -> memref<1x104x64xf32, #tpu.memory_space<vmem>>
        %dma_start3A_817 = tpu.memref_squeeze %dma_start3A_816 : memref<1x104x64xf32, #tpu.memory_space<vmem>> -> memref<104x64xf32, #tpu.memory_space<vmem>>
        %dma_start3A_818 = arith.constant 0 : i32
        %dma_start3A_819 = tpu.memref_slice %arg6[%dma_start3A_810, %dma_start3A_811, %dma_start3A_818] : memref<4x2x200xi32, #tpu.memory_space<vmem>> -> memref<1x1x104xi32, #tpu.memory_space<vmem>>
        %dma_start3A_820 = tpu.memref_squeeze %dma_start3A_819 : memref<1x1x104xi32, #tpu.memory_space<vmem>> -> memref<104xi32, #tpu.memory_space<vmem>>
        %dma_start3A_821 = arith.constant 0 : i32
        %dma_start3A_822 = arith.constant 0 : i32
        %dma_start3A_823 = tpu.memref_slice %arg3[%dma_start3A_821, %dma_start3A_822] : memref<100000x64xf32, #tpu.memory_space<hbm>> -> memref<100000x64xf32, #tpu.memory_space<hbm>>
        %dma_start3A_824 = tpu.memref_slice %arg9[%dma_start3A_813] : memref<4x!tpu.dma_semaphore, #tpu.memory_space<semaphore_mem>> -> memref<1x!tpu.dma_semaphore, #tpu.memory_space<semaphore_mem>>
        %dma_start3A_825 = tpu.memref_squeeze %dma_start3A_824 : memref<1x!tpu.dma_semaphore, #tpu.memory_space<semaphore_mem>> -> memref<!tpu.dma_semaphore, #tpu.memory_space<semaphore_mem>>
        tpu.enqueue_indirect_dma source(%dma_start3A_823 : memref<100000x64xf32, #tpu.memory_space<hbm>>) target(%dma_start3A_817 : memref<104x64xf32, #tpu.memory_space<vmem>>) offsets(%dma_start3A_820 : memref<104xi32, #tpu.memory_space<vmem>>) semaphore(%dma_start3A_825 : memref<!tpu.dma_semaphore, #tpu.memory_space<semaphore_mem>>)
        %dma_start3A_826 = arith.constant 3 : i32
        %dma_start3A_827 = arith.constant 1 : i32
        %dma_start3A_828 = arith.constant 3 : i32
        %dma_start3A_829 = arith.constant 3 : i32
        %dma_start3A_830 = arith.constant 296 : i32
        %dma_start3A_831 = arith.constant 0 : i32
        %dma_start3A_832 = tpu.memref_slice %arg7[%dma_start3A_828, %dma_start3A_830, %dma_start3A_831] : memref<4x400x64xf32, #tpu.memory_space<vmem>> -> memref<1x104x64xf32, #tpu.memory_space<vmem>>
        %dma_start3A_833 = tpu.memref_squeeze %dma_start3A_832 : memref<1x104x64xf32, #tpu.memory_space<vmem>> -> memref<104x64xf32, #tpu.memory_space<vmem>>
        %dma_start3A_834 = arith.constant 96 : i32
        %dma_start3A_835 = tpu.memref_slice %arg6[%dma_start3A_826, %dma_start3A_827, %dma_start3A_834] : memref<4x2x200xi32, #tpu.memory_space<vmem>> -> memref<1x1x104xi32, #tpu.memory_space<vmem>>
        %dma_start3A_836 = tpu.memref_squeeze %dma_start3A_835 : memref<1x1x104xi32, #tpu.memory_space<vmem>> -> memref<104xi32, #tpu.memory_space<vmem>>
        %dma_start3A_837 = arith.constant 0 : i32
        %dma_start3A_838 = arith.constant 0 : i32
        %dma_start3A_839 = tpu.memref_slice %arg3[%dma_start3A_837, %dma_start3A_838] : memref<100000x64xf32, #tpu.memory_space<hbm>> -> memref<100000x64xf32, #tpu.memory_space<hbm>>
        %dma_start3A_840 = tpu.memref_slice %arg9[%dma_start3A_829] : memref<4x!tpu.dma_semaphore, #tpu.memory_space<semaphore_mem>> -> memref<1x!tpu.dma_semaphore, #tpu.memory_space<semaphore_mem>>
        %dma_start3A_841 = tpu.memref_squeeze %dma_start3A_840 : memref<1x!tpu.dma_semaphore, #tpu.memory_space<semaphore_mem>> -> memref<!tpu.dma_semaphore, #tpu.memory_space<semaphore_mem>>
        tpu.enqueue_indirect_dma source(%dma_start3A_839 : memref<100000x64xf32, #tpu.memory_space<hbm>>) target(%dma_start3A_833 : memref<104x64xf32, #tpu.memory_space<vmem>>) offsets(%dma_start3A_836 : memref<104xi32, #tpu.memory_space<vmem>>) semaphore(%dma_start3A_841 : memref<!tpu.dma_semaphore, #tpu.memory_space<semaphore_mem>>)
      } else {
      }
      %dma_wait3A_385 = arith.constant 1 : i32
      %dma_wait3A_386 = arith.constant 0 : i32
      %dma_wait3A_387 = arith.constant 1 : i32
      %dma_wait3A_388 = arith.constant 1 : i32
      %dma_wait3A_389 = arith.constant 0 : i32
      %dma_wait3A_390 = arith.constant 0 : i32
      %dma_wait3A_391 = tpu.memref_slice %arg7[%dma_wait3A_387, %dma_wait3A_389, %dma_wait3A_390] : memref<4x400x64xf32, #tpu.memory_space<vmem>> -> memref<1x104x64xf32, #tpu.memory_space<vmem>>
      %dma_wait3A_392 = tpu.memref_squeeze %dma_wait3A_391 : memref<1x104x64xf32, #tpu.memory_space<vmem>> -> memref<104x64xf32, #tpu.memory_space<vmem>>
      %dma_wait3A_393 = arith.constant 0 : i32
      %dma_wait3A_394 = tpu.memref_slice %arg6[%dma_wait3A_385, %dma_wait3A_386, %dma_wait3A_393] : memref<4x2x200xi32, #tpu.memory_space<vmem>> -> memref<1x1x104xi32, #tpu.memory_space<vmem>>
      %dma_wait3A_395 = tpu.memref_squeeze %dma_wait3A_394 : memref<1x1x104xi32, #tpu.memory_space<vmem>> -> memref<104xi32, #tpu.memory_space<vmem>>
      %dma_wait3A_396 = arith.constant 0 : i32
      %dma_wait3A_397 = arith.constant 0 : i32
      %dma_wait3A_398 = tpu.memref_slice %arg3[%dma_wait3A_396, %dma_wait3A_397] : memref<100000x64xf32, #tpu.memory_space<hbm>> -> memref<100000x64xf32, #tpu.memory_space<hbm>>
      %dma_wait3A_399 = tpu.memref_slice %arg9[%dma_wait3A_388] : memref<4x!tpu.dma_semaphore, #tpu.memory_space<semaphore_mem>> -> memref<1x!tpu.dma_semaphore, #tpu.memory_space<semaphore_mem>>
      %dma_wait3A_400 = tpu.memref_squeeze %dma_wait3A_399 : memref<1x!tpu.dma_semaphore, #tpu.memory_space<semaphore_mem>> -> memref<!tpu.dma_semaphore, #tpu.memory_space<semaphore_mem>>
      tpu.wait_indirect_dma semaphore(%dma_wait3A_400 : memref<!tpu.dma_semaphore, #tpu.memory_space<semaphore_mem>>) src(%dma_wait3A_398 : memref<100000x64xf32, #tpu.memory_space<hbm>>) dst(%dma_wait3A_392 : memref<104x64xf32, #tpu.memory_space<vmem>>)
      %dma_wait3A_401 = arith.constant 1 : i32
      %dma_wait3A_402 = arith.constant 0 : i32
      %dma_wait3A_403 = arith.constant 1 : i32
      %dma_wait3A_404 = arith.constant 1 : i32
      %dma_wait3A_405 = arith.constant 96 : i32
      %dma_wait3A_406 = arith.constant 0 : i32
      %dma_wait3A_407 = tpu.memref_slice %arg7[%dma_wait3A_403, %dma_wait3A_405, %dma_wait3A_406] : memref<4x400x64xf32, #tpu.memory_space<vmem>> -> memref<1x104x64xf32, #tpu.memory_space<vmem>>
      %dma_wait3A_408 = tpu.memref_squeeze %dma_wait3A_407 : memref<1x104x64xf32, #tpu.memory_space<vmem>> -> memref<104x64xf32, #tpu.memory_space<vmem>>
      %dma_wait3A_409 = arith.constant 96 : i32
      %dma_wait3A_410 = tpu.memref_slice %arg6[%dma_wait3A_401, %dma_wait3A_402, %dma_wait3A_409] : memref<4x2x200xi32, #tpu.memory_space<vmem>> -> memref<1x1x104xi32, #tpu.memory_space<vmem>>
      %dma_wait3A_411 = tpu.memref_squeeze %dma_wait3A_410 : memref<1x1x104xi32, #tpu.memory_space<vmem>> -> memref<104xi32, #tpu.memory_space<vmem>>
      %dma_wait3A_412 = arith.constant 0 : i32
      %dma_wait3A_413 = arith.constant 0 : i32
      %dma_wait3A_414 = tpu.memref_slice %arg3[%dma_wait3A_412, %dma_wait3A_413] : memref<100000x64xf32, #tpu.memory_space<hbm>> -> memref<100000x64xf32, #tpu.memory_space<hbm>>
      %dma_wait3A_415 = tpu.memref_slice %arg9[%dma_wait3A_404] : memref<4x!tpu.dma_semaphore, #tpu.memory_space<semaphore_mem>> -> memref<1x!tpu.dma_semaphore, #tpu.memory_space<semaphore_mem>>
      %dma_wait3A_416 = tpu.memref_squeeze %dma_wait3A_415 : memref<1x!tpu.dma_semaphore, #tpu.memory_space<semaphore_mem>> -> memref<!tpu.dma_semaphore, #tpu.memory_space<semaphore_mem>>
      tpu.wait_indirect_dma semaphore(%dma_wait3A_416 : memref<!tpu.dma_semaphore, #tpu.memory_space<semaphore_mem>>) src(%dma_wait3A_414 : memref<100000x64xf32, #tpu.memory_space<hbm>>) dst(%dma_wait3A_408 : memref<104x64xf32, #tpu.memory_space<vmem>>)
      %dma_wait3A_417 = arith.constant 1 : i32
      %dma_wait3A_418 = arith.constant 1 : i32
      %dma_wait3A_419 = arith.constant 1 : i32
      %dma_wait3A_420 = arith.constant 1 : i32
      %dma_wait3A_421 = arith.constant 200 : i32
      %dma_wait3A_422 = arith.constant 0 : i32
      %dma_wait3A_423 = tpu.memref_slice %arg7[%dma_wait3A_419, %dma_wait3A_421, %dma_wait3A_422] : memref<4x400x64xf32, #tpu.memory_space<vmem>> -> memref<1x104x64xf32, #tpu.memory_space<vmem>>
      %dma_wait3A_424 = tpu.memref_squeeze %dma_wait3A_423 : memref<1x104x64xf32, #tpu.memory_space<vmem>> -> memref<104x64xf32, #tpu.memory_space<vmem>>
      %dma_wait3A_425 = arith.constant 0 : i32
      %dma_wait3A_426 = tpu.memref_slice %arg6[%dma_wait3A_417, %dma_wait3A_418, %dma_wait3A_425] : memref<4x2x200xi32, #tpu.memory_space<vmem>> -> memref<1x1x104xi32, #tpu.memory_space<vmem>>
      %dma_wait3A_427 = tpu.memref_squeeze %dma_wait3A_426 : memref<1x1x104xi32, #tpu.memory_space<vmem>> -> memref<104xi32, #tpu.memory_space<vmem>>
      %dma_wait3A_428 = arith.constant 0 : i32
      %dma_wait3A_429 = arith.constant 0 : i32
      %dma_wait3A_430 = tpu.memref_slice %arg3[%dma_wait3A_428, %dma_wait3A_429] : memref<100000x64xf32, #tpu.memory_space<hbm>> -> memref<100000x64xf32, #tpu.memory_space<hbm>>
      %dma_wait3A_431 = tpu.memref_slice %arg9[%dma_wait3A_420] : memref<4x!tpu.dma_semaphore, #tpu.memory_space<semaphore_mem>> -> memref<1x!tpu.dma_semaphore, #tpu.memory_space<semaphore_mem>>
      %dma_wait3A_432 = tpu.memref_squeeze %dma_wait3A_431 : memref<1x!tpu.dma_semaphore, #tpu.memory_space<semaphore_mem>> -> memref<!tpu.dma_semaphore, #tpu.memory_space<semaphore_mem>>
      tpu.wait_indirect_dma semaphore(%dma_wait3A_432 : memref<!tpu.dma_semaphore, #tpu.memory_space<semaphore_mem>>) src(%dma_wait3A_430 : memref<100000x64xf32, #tpu.memory_space<hbm>>) dst(%dma_wait3A_424 : memref<104x64xf32, #tpu.memory_space<vmem>>)
      %dma_wait3A_433 = arith.constant 1 : i32
      %dma_wait3A_434 = arith.constant 1 : i32
      %dma_wait3A_435 = arith.constant 1 : i32
      %dma_wait3A_436 = arith.constant 1 : i32
      %dma_wait3A_437 = arith.constant 296 : i32
      %dma_wait3A_438 = arith.constant 0 : i32
      %dma_wait3A_439 = tpu.memref_slice %arg7[%dma_wait3A_435, %dma_wait3A_437, %dma_wait3A_438] : memref<4x400x64xf32, #tpu.memory_space<vmem>> -> memref<1x104x64xf32, #tpu.memory_space<vmem>>
      %dma_wait3A_440 = tpu.memref_squeeze %dma_wait3A_439 : memref<1x104x64xf32, #tpu.memory_space<vmem>> -> memref<104x64xf32, #tpu.memory_space<vmem>>
      %dma_wait3A_441 = arith.constant 96 : i32
      %dma_wait3A_442 = tpu.memref_slice %arg6[%dma_wait3A_433, %dma_wait3A_434, %dma_wait3A_441] : memref<4x2x200xi32, #tpu.memory_space<vmem>> -> memref<1x1x104xi32, #tpu.memory_space<vmem>>
      %dma_wait3A_443 = tpu.memref_squeeze %dma_wait3A_442 : memref<1x1x104xi32, #tpu.memory_space<vmem>> -> memref<104xi32, #tpu.memory_space<vmem>>
      %dma_wait3A_444 = arith.constant 0 : i32
      %dma_wait3A_445 = arith.constant 0 : i32
      %dma_wait3A_446 = tpu.memref_slice %arg3[%dma_wait3A_444, %dma_wait3A_445] : memref<100000x64xf32, #tpu.memory_space<hbm>> -> memref<100000x64xf32, #tpu.memory_space<hbm>>
      %dma_wait3A_447 = tpu.memref_slice %arg9[%dma_wait3A_436] : memref<4x!tpu.dma_semaphore, #tpu.memory_space<semaphore_mem>> -> memref<1x!tpu.dma_semaphore, #tpu.memory_space<semaphore_mem>>
      %dma_wait3A_448 = tpu.memref_squeeze %dma_wait3A_447 : memref<1x!tpu.dma_semaphore, #tpu.memory_space<semaphore_mem>> -> memref<!tpu.dma_semaphore, #tpu.memory_space<semaphore_mem>>
      tpu.wait_indirect_dma semaphore(%dma_wait3A_448 : memref<!tpu.dma_semaphore, #tpu.memory_space<semaphore_mem>>) src(%dma_wait3A_446 : memref<100000x64xf32, #tpu.memory_space<hbm>>) dst(%dma_wait3A_440 : memref<104x64xf32, #tpu.memory_space<vmem>>)
      %parallel_loop3A_449 = arith.constant 0 : i32
      %parallel_loop3A_450 = arith.constant 200 : i32
      %parallel_loop3A_451 = arith.constant 1 : i32
      scf.for %parallel_loop3A_774 = %parallel_loop3A_449 to %parallel_loop3A_450 step %parallel_loop3A_451  : i32 {
        %parallel_loop3A_775 = arith.index_cast %parallel_loop3A_774 : i32 to index
        %parallel_loop3A_776 = arith.constant 0 : index
        %parallel_loop3A_777 = tpu.vector_load %arg8[%parallel_loop3A_775, %parallel_loop3A_776] {strides = array<i32>} : memref<200x64xf32, #tpu.memory_space<vmem>>, vector<1x16xf32>,
        %parallel_loop3A_778 = vector.shape_cast %parallel_loop3A_777 : vector<1x16xf32> to vector<16xf32>
        %parallel_loop3A_779 = arith.constant 0 : i32
        %parallel_loop3A_780 = arith.addi %parallel_loop3A_779, %parallel_loop3A_774 : i32
        %parallel_loop3A_781 = arith.constant 1 : i32
        %parallel_loop3A_782 = arith.index_cast %parallel_loop3A_781 : i32 to index
        %parallel_loop3A_783 = arith.index_cast %parallel_loop3A_780 : i32 to index
        %parallel_loop3A_784 = arith.constant 0 : index
        %parallel_loop3A_785 = tpu.vector_load %arg7[%parallel_loop3A_782, %parallel_loop3A_783, %parallel_loop3A_784] {strides = array<i32>} : memref<4x400x64xf32, #tpu.memory_space<vmem>>, vector<1x1x16xf32>,
        %parallel_loop3A_786 = vector.shape_cast %parallel_loop3A_785 : vector<1x1x16xf32> to vector<16xf32>
        %parallel_loop3A_787 = vector.shape_cast %parallel_loop3A_778 : vector<16xf32> to vector<1x1x16xf32>
        tpu.vector_store %arg7[%parallel_loop3A_782, %parallel_loop3A_783, %parallel_loop3A_784], %parallel_loop3A_787 {add = true, strides = array<i32>} : memref<4x400x64xf32, #tpu.memory_space<vmem>>, vector<1x1x16xf32>,
        %parallel_loop3A_788 = arith.constant 200 : i32
        %parallel_loop3A_789 = arith.addi %parallel_loop3A_788, %parallel_loop3A_774 : i32
        %parallel_loop3A_790 = arith.constant 1 : i32
        %parallel_loop3A_791 = arith.index_cast %parallel_loop3A_790 : i32 to index
        %parallel_loop3A_792 = arith.index_cast %parallel_loop3A_789 : i32 to index
        %parallel_loop3A_793 = arith.constant 0 : index
        %parallel_loop3A_794 = tpu.vector_load %arg7[%parallel_loop3A_791, %parallel_loop3A_792, %parallel_loop3A_793] {strides = array<i32>} : memref<4x400x64xf32, #tpu.memory_space<vmem>>, vector<1x1x16xf32>,
        %parallel_loop3A_795 = vector.shape_cast %parallel_loop3A_794 : vector<1x1x16xf32> to vector<16xf32>
        %parallel_loop3A_796 = vector.shape_cast %parallel_loop3A_778 : vector<16xf32> to vector<1x1x16xf32>
        tpu.vector_store %arg7[%parallel_loop3A_791, %parallel_loop3A_792, %parallel_loop3A_793], %parallel_loop3A_796 {add = true, strides = array<i32>} : memref<4x400x64xf32, #tpu.memory_space<vmem>>, vector<1x1x16xf32>,
        %parallel_loop3A_797 = arith.index_cast %parallel_loop3A_774 : i32 to index
        %parallel_loop3A_798 = arith.constant 16 : index
        %parallel_loop3A_799 = tpu.vector_load %arg8[%parallel_loop3A_797, %parallel_loop3A_798] {strides = array<i32>} : memref<200x64xf32, #tpu.memory_space<vmem>>, vector<1x16xf32>,
        %parallel_loop3A_800 = vector.shape_cast %parallel_loop3A_799 : vector<1x16xf32> to vector<16xf32>
        %parallel_loop3A_801 = arith.constant 0 : i32
        %parallel_loop3A_802 = arith.addi %parallel_loop3A_801, %parallel_loop3A_774 : i32
        %parallel_loop3A_803 = arith.constant 1 : i32
        %parallel_loop3A_804 = arith.index_cast %parallel_loop3A_803 : i32 to index
        %parallel_loop3A_805 = arith.index_cast %parallel_loop3A_802 : i32 to index
        %parallel_loop3A_806 = arith.constant 16 : index
        %parallel_loop3A_807 = tpu.vector_load %arg7[%parallel_loop3A_804, %parallel_loop3A_805, %parallel_loop3A_806] {strides = array<i32>} : memref<4x400x64xf32, #tpu.memory_space<vmem>>, vector<1x1x16xf32>,
        %parallel_loop3A_808 = vector.shape_cast %parallel_loop3A_807 : vector<1x1x16xf32> to vector<16xf32>
        %parallel_loop3A_809 = vector.shape_cast %parallel_loop3A_800 : vector<16xf32> to vector<1x1x16xf32>
        tpu.vector_store %arg7[%parallel_loop3A_804, %parallel_loop3A_805, %parallel_loop3A_806], %parallel_loop3A_809 {add = true, strides = array<i32>} : memref<4x400x64xf32, #tpu.memory_space<vmem>>, vector<1x1x16xf32>,
        %parallel_loop3A_810 = arith.constant 200 : i32
        %parallel_loop3A_811 = arith.addi %parallel_loop3A_810, %parallel_loop3A_774 : i32
        %parallel_loop3A_812 = arith.constant 1 : i32
        %parallel_loop3A_813 = arith.index_cast %parallel_loop3A_812 : i32 to index
        %parallel_loop3A_814 = arith.index_cast %parallel_loop3A_811 : i32 to index
        %parallel_loop3A_815 = arith.constant 16 : index
        %parallel_loop3A_816 = tpu.vector_load %arg7[%parallel_loop3A_813, %parallel_loop3A_814, %parallel_loop3A_815] {strides = array<i32>} : memref<4x400x64xf32, #tpu.memory_space<vmem>>, vector<1x1x16xf32>,
        %parallel_loop3A_817 = vector.shape_cast %parallel_loop3A_816 : vector<1x1x16xf32> to vector<16xf32>
        %parallel_loop3A_818 = vector.shape_cast %parallel_loop3A_800 : vector<16xf32> to vector<1x1x16xf32>
        tpu.vector_store %arg7[%parallel_loop3A_813, %parallel_loop3A_814, %parallel_loop3A_815], %parallel_loop3A_818 {add = true, strides = array<i32>} : memref<4x400x64xf32, #tpu.memory_space<vmem>>, vector<1x1x16xf32>,
        %parallel_loop3A_819 = arith.index_cast %parallel_loop3A_774 : i32 to index
        %parallel_loop3A_820 = arith.constant 32 : index
        %parallel_loop3A_821 = tpu.vector_load %arg8[%parallel_loop3A_819, %parallel_loop3A_820] {strides = array<i32>} : memref<200x64xf32, #tpu.memory_space<vmem>>, vector<1x16xf32>,
        %parallel_loop3A_822 = vector.shape_cast %parallel_loop3A_821 : vector<1x16xf32> to vector<16xf32>
        %parallel_loop3A_823 = arith.constant 0 : i32
        %parallel_loop3A_824 = arith.addi %parallel_loop3A_823, %parallel_loop3A_774 : i32
        %parallel_loop3A_825 = arith.constant 1 : i32
        %parallel_loop3A_826 = arith.index_cast %parallel_loop3A_825 : i32 to index
        %parallel_loop3A_827 = arith.index_cast %parallel_loop3A_824 : i32 to index
        %parallel_loop3A_828 = arith.constant 32 : index
        %parallel_loop3A_829 = tpu.vector_load %arg7[%parallel_loop3A_826, %parallel_loop3A_827, %parallel_loop3A_828] {strides = array<i32>} : memref<4x400x64xf32, #tpu.memory_space<vmem>>, vector<1x1x16xf32>,
        %parallel_loop3A_830 = vector.shape_cast %parallel_loop3A_829 : vector<1x1x16xf32> to vector<16xf32>
        %parallel_loop3A_831 = vector.shape_cast %parallel_loop3A_822 : vector<16xf32> to vector<1x1x16xf32>
        tpu.vector_store %arg7[%parallel_loop3A_826, %parallel_loop3A_827, %parallel_loop3A_828], %parallel_loop3A_831 {add = true, strides = array<i32>} : memref<4x400x64xf32, #tpu.memory_space<vmem>>, vector<1x1x16xf32>,
        %parallel_loop3A_832 = arith.constant 200 : i32
        %parallel_loop3A_833 = arith.addi %parallel_loop3A_832, %parallel_loop3A_774 : i32
        %parallel_loop3A_834 = arith.constant 1 : i32
        %parallel_loop3A_835 = arith.index_cast %parallel_loop3A_834 : i32 to index
        %parallel_loop3A_836 = arith.index_cast %parallel_loop3A_833 : i32 to index
        %parallel_loop3A_837 = arith.constant 32 : index
        %parallel_loop3A_838 = tpu.vector_load %arg7[%parallel_loop3A_835, %parallel_loop3A_836, %parallel_loop3A_837] {strides = array<i32>} : memref<4x400x64xf32, #tpu.memory_space<vmem>>, vector<1x1x16xf32>,
        %parallel_loop3A_839 = vector.shape_cast %parallel_loop3A_838 : vector<1x1x16xf32> to vector<16xf32>
        %parallel_loop3A_840 = vector.shape_cast %parallel_loop3A_822 : vector<16xf32> to vector<1x1x16xf32>
        tpu.vector_store %arg7[%parallel_loop3A_835, %parallel_loop3A_836, %parallel_loop3A_837], %parallel_loop3A_840 {add = true, strides = array<i32>} : memref<4x400x64xf32, #tpu.memory_space<vmem>>, vector<1x1x16xf32>,
        %parallel_loop3A_841 = arith.index_cast %parallel_loop3A_774 : i32 to index
        %parallel_loop3A_842 = arith.constant 48 : index
        %parallel_loop3A_843 = tpu.vector_load %arg8[%parallel_loop3A_841, %parallel_loop3A_842] {strides = array<i32>} : memref<200x64xf32, #tpu.memory_space<vmem>>, vector<1x16xf32>,
        %parallel_loop3A_844 = vector.shape_cast %parallel_loop3A_843 : vector<1x16xf32> to vector<16xf32>
        %parallel_loop3A_845 = arith.constant 0 : i32
        %parallel_loop3A_846 = arith.addi %parallel_loop3A_845, %parallel_loop3A_774 : i32
        %parallel_loop3A_847 = arith.constant 1 : i32
        %parallel_loop3A_848 = arith.index_cast %parallel_loop3A_847 : i32 to index
        %parallel_loop3A_849 = arith.index_cast %parallel_loop3A_846 : i32 to index
        %parallel_loop3A_850 = arith.constant 48 : index
        %parallel_loop3A_851 = tpu.vector_load %arg7[%parallel_loop3A_848, %parallel_loop3A_849, %parallel_loop3A_850] {strides = array<i32>} : memref<4x400x64xf32, #tpu.memory_space<vmem>>, vector<1x1x16xf32>,
        %parallel_loop3A_852 = vector.shape_cast %parallel_loop3A_851 : vector<1x1x16xf32> to vector<16xf32>
        %parallel_loop3A_853 = vector.shape_cast %parallel_loop3A_844 : vector<16xf32> to vector<1x1x16xf32>
        tpu.vector_store %arg7[%parallel_loop3A_848, %parallel_loop3A_849, %parallel_loop3A_850], %parallel_loop3A_853 {add = true, strides = array<i32>} : memref<4x400x64xf32, #tpu.memory_space<vmem>>, vector<1x1x16xf32>,
        %parallel_loop3A_854 = arith.constant 200 : i32
        %parallel_loop3A_855 = arith.addi %parallel_loop3A_854, %parallel_loop3A_774 : i32
        %parallel_loop3A_856 = arith.constant 1 : i32
        %parallel_loop3A_857 = arith.index_cast %parallel_loop3A_856 : i32 to index
        %parallel_loop3A_858 = arith.index_cast %parallel_loop3A_855 : i32 to index
        %parallel_loop3A_859 = arith.constant 48 : index
        %parallel_loop3A_860 = tpu.vector_load %arg7[%parallel_loop3A_857, %parallel_loop3A_858, %parallel_loop3A_859] {strides = array<i32>} : memref<4x400x64xf32, #tpu.memory_space<vmem>>, vector<1x1x16xf32>,
        %parallel_loop3A_861 = vector.shape_cast %parallel_loop3A_860 : vector<1x1x16xf32> to vector<16xf32>
        %parallel_loop3A_862 = vector.shape_cast %parallel_loop3A_844 : vector<16xf32> to vector<1x1x16xf32>
        tpu.vector_store %arg7[%parallel_loop3A_857, %parallel_loop3A_858, %parallel_loop3A_859], %parallel_loop3A_862 {add = true, strides = array<i32>} : memref<4x400x64xf32, #tpu.memory_space<vmem>>, vector<1x1x16xf32>,
      } {sc.loop_unroll_factor = 2 : i64, sc.parallel_access}
      %mul3A_452 = arith.constant 2 : i32
      %mul3A_453 = arith.muli %add3A_369, %mul3A_452 : i32
      %add3A_454 = arith.addi %mul3A_2, %mul3A_453 : i32
      %add3A_455 = arith.constant 0 : i32
      %add3A_456 = arith.addi %add3A_454, %add3A_455 : i32
      %dma_start3A_457 = arith.constant 1 : i32
      %dma_start3A_458 = arith.constant 1 : i32
      %dma_start3A_459 = arith.constant 0 : i32
      %dma_start3A_460 = arith.constant 0 : i32
      %dma_start3A_461 = tpu.memref_slice %arg7[%dma_start3A_457, %dma_start3A_459, %dma_start3A_460] : memref<4x400x64xf32, #tpu.memory_space<vmem>> -> memref<1x200x64xf32, #tpu.memory_space<vmem>>
      %dma_start3A_462 = tpu.memref_squeeze %dma_start3A_461 : memref<1x200x64xf32, #tpu.memory_space<vmem>> -> memref<200x64xf32, #tpu.memory_space<vmem>>
      %dma_start3A_463 = arith.constant 0 : i32
      %dma_start3A_464 = arith.constant 0 : i32
      %dma_start3A_465 = tpu.memref_slice %arg5[%add3A_456, %dma_start3A_463, %dma_start3A_464] : memref<16384x200x128xf32, #tpu.memory_space<hbm>> -> memref<1x200x64xf32, #tpu.memory_space<hbm>>
      %dma_start3A_466 = tpu.memref_squeeze %dma_start3A_465 : memref<1x200x64xf32, #tpu.memory_space<hbm>> -> memref<200x64xf32, #tpu.memory_space<hbm>>
      %dma_start3A_467 = tpu.memref_slice %arg10[%dma_start3A_458] : memref<4x!tpu.dma_semaphore, #tpu.memory_space<semaphore_mem>> -> memref<1x!tpu.dma_semaphore, #tpu.memory_space<semaphore_mem>>
      %dma_start3A_468 = tpu.memref_squeeze %dma_start3A_467 : memref<1x!tpu.dma_semaphore, #tpu.memory_space<semaphore_mem>> -> memref<!tpu.dma_semaphore, #tpu.memory_space<semaphore_mem>>
      %dma_start3A_469 = arith.constant 0 : i32
      %dma_start3A_470 = arith.constant 0 : i32
      %dma_start3A_471 = tpu.memref_slice %arg5[%add3A_456, %dma_start3A_469, %dma_start3A_470] : memref<16384x200x128xf32, #tpu.memory_space<hbm>> -> memref<1x200x64xf32, #tpu.memory_space<hbm>>
      %dma_start3A_472 = tpu.memref_squeeze %dma_start3A_471 : memref<1x200x64xf32, #tpu.memory_space<hbm>> -> memref<200x64xf32, #tpu.memory_space<hbm>>
      %dma_start3A_473 = arith.constant 0 : i32
      %dma_start3A_474 = arith.constant 0 : i32
      %dma_start3A_475 = tpu.memref_slice %arg7[%dma_start3A_457, %dma_start3A_473, %dma_start3A_474] : memref<4x400x64xf32, #tpu.memory_space<vmem>> -> memref<1x200x64xf32, #tpu.memory_space<vmem>>
      %dma_start3A_476 = tpu.memref_squeeze %dma_start3A_475 : memref<1x200x64xf32, #tpu.memory_space<vmem>> -> memref<200x64xf32, #tpu.memory_space<vmem>>
      tpu.enqueue_dma source(%dma_start3A_476 : memref<200x64xf32, #tpu.memory_space<vmem>>) target(%dma_start3A_472 : memref<200x64xf32, #tpu.memory_space<hbm>>) target_semaphore(%dma_start3A_468 : memref<!tpu.dma_semaphore, #tpu.memory_space<semaphore_mem>>)
      %mul3A_477 = arith.constant 2 : i32
      %mul3A_478 = arith.muli %add3A_369, %mul3A_477 : i32
      %add3A_479 = arith.addi %mul3A_2, %mul3A_478 : i32
      %add3A_480 = arith.constant 1 : i32
      %add3A_481 = arith.addi %add3A_479, %add3A_480 : i32
      %dma_start3A_482 = arith.constant 1 : i32
      %dma_start3A_483 = arith.constant 1 : i32
      %dma_start3A_484 = arith.constant 200 : i32
      %dma_start3A_485 = arith.constant 0 : i32
      %dma_start3A_486 = tpu.memref_slice %arg7[%dma_start3A_482, %dma_start3A_484, %dma_start3A_485] : memref<4x400x64xf32, #tpu.memory_space<vmem>> -> memref<1x200x64xf32, #tpu.memory_space<vmem>>
      %dma_start3A_487 = tpu.memref_squeeze %dma_start3A_486 : memref<1x200x64xf32, #tpu.memory_space<vmem>> -> memref<200x64xf32, #tpu.memory_space<vmem>>
      %dma_start3A_488 = arith.constant 0 : i32
      %dma_start3A_489 = arith.constant 0 : i32
      %dma_start3A_490 = tpu.memref_slice %arg5[%add3A_481, %dma_start3A_488, %dma_start3A_489] : memref<16384x200x128xf32, #tpu.memory_space<hbm>> -> memref<1x200x64xf32, #tpu.memory_space<hbm>>
      %dma_start3A_491 = tpu.memref_squeeze %dma_start3A_490 : memref<1x200x64xf32, #tpu.memory_space<hbm>> -> memref<200x64xf32, #tpu.memory_space<hbm>>
      %dma_start3A_492 = tpu.memref_slice %arg10[%dma_start3A_483] : memref<4x!tpu.dma_semaphore, #tpu.memory_space<semaphore_mem>> -> memref<1x!tpu.dma_semaphore, #tpu.memory_space<semaphore_mem>>
      %dma_start3A_493 = tpu.memref_squeeze %dma_start3A_492 : memref<1x!tpu.dma_semaphore, #tpu.memory_space<semaphore_mem>> -> memref<!tpu.dma_semaphore, #tpu.memory_space<semaphore_mem>>
      %dma_start3A_494 = arith.constant 0 : i32
      %dma_start3A_495 = arith.constant 0 : i32
      %dma_start3A_496 = tpu.memref_slice %arg5[%add3A_481, %dma_start3A_494, %dma_start3A_495] : memref<16384x200x128xf32, #tpu.memory_space<hbm>> -> memref<1x200x64xf32, #tpu.memory_space<hbm>>
      %dma_start3A_497 = tpu.memref_squeeze %dma_start3A_496 : memref<1x200x64xf32, #tpu.memory_space<hbm>> -> memref<200x64xf32, #tpu.memory_space<hbm>>
      %dma_start3A_498 = arith.constant 200 : i32
      %dma_start3A_499 = arith.constant 0 : i32
      %dma_start3A_500 = tpu.memref_slice %arg7[%dma_start3A_482, %dma_start3A_498, %dma_start3A_499] : memref<4x400x64xf32, #tpu.memory_space<vmem>> -> memref<1x200x64xf32, #tpu.memory_space<vmem>>
      %dma_start3A_501 = tpu.memref_squeeze %dma_start3A_500 : memref<1x200x64xf32, #tpu.memory_space<vmem>> -> memref<200x64xf32, #tpu.memory_space<vmem>>
      tpu.enqueue_dma source(%dma_start3A_501 : memref<200x64xf32, #tpu.memory_space<vmem>>) target(%dma_start3A_497 : memref<200x64xf32, #tpu.memory_space<hbm>>) target_semaphore(%dma_start3A_493 : memref<!tpu.dma_semaphore, #tpu.memory_space<semaphore_mem>>)
      %mul3A_502 = arith.constant 4 : i32
      %mul3A_503 = arith.muli %scan3A_235, %mul3A_502 : i32
      %add3A_504 = arith.constant 2 : i32
      %add3A_505 = arith.addi %mul3A_503, %add3A_504 : i32
      %add3A_506 = arith.constant 2 : i32
      %add3A_507 = arith.addi %add3A_505, %add3A_506 : i32
      %ge3A_508 = arith.constant 4 : i32
      %ge3A_509 = arith.cmpi sge, %add3A_507, %ge3A_508 : i32
      %lt3A_510 = arith.constant 256 : i32
      %lt3A_511 = arith.cmpi slt, %add3A_507, %lt3A_510 : i32
      %and3A_512 = arith.andi %ge3A_509, %lt3A_511 : i1
      %convert_element_type3A_513 = arith.extui %and3A_512 : i1 to i32
      %cond3A_514 = arith.constant 0 : i32
      %cond3A_515 = arith.cmpi ne, %convert_element_type3A_513, %cond3A_514 : i32
      scf.if %cond3A_515 {
        %sub3A = arith.constant 4 : i32
        %sub3A_774 = arith.subi %add3A_507, %sub3A : i32
        %mul3A_775 = arith.constant 2 : i32
        %mul3A_776 = arith.muli %sub3A_774, %mul3A_775 : i32
        %add3A_777 = arith.addi %mul3A_2, %mul3A_776 : i32
        %add3A_778 = arith.constant 0 : i32
        %add3A_779 = arith.addi %add3A_777, %add3A_778 : i32
        %dma_wait3A_780 = arith.constant 0 : i32
        %dma_wait3A_781 = arith.constant 0 : i32
        %dma_wait3A_782 = arith.constant 0 : i32
        %dma_wait3A_783 = arith.constant 0 : i32
        %dma_wait3A_784 = tpu.memref_slice %arg7[%dma_wait3A_780, %dma_wait3A_782, %dma_wait3A_783] : memref<4x400x64xf32, #tpu.memory_space<vmem>> -> memref<1x200x64xf32, #tpu.memory_space<vmem>>
        %dma_wait3A_785 = tpu.memref_squeeze %dma_wait3A_784 : memref<1x200x64xf32, #tpu.memory_space<vmem>> -> memref<200x64xf32, #tpu.memory_space<vmem>>
        %dma_wait3A_786 = arith.constant 0 : i32
        %dma_wait3A_787 = arith.constant 0 : i32
        %dma_wait3A_788 = tpu.memref_slice %arg5[%add3A_779, %dma_wait3A_786, %dma_wait3A_787] : memref<16384x200x128xf32, #tpu.memory_space<hbm>> -> memref<1x200x64xf32, #tpu.memory_space<hbm>>
        %dma_wait3A_789 = tpu.memref_squeeze %dma_wait3A_788 : memref<1x200x64xf32, #tpu.memory_space<hbm>> -> memref<200x64xf32, #tpu.memory_space<hbm>>
        %dma_wait3A_790 = tpu.memref_slice %arg10[%dma_wait3A_781] : memref<4x!tpu.dma_semaphore, #tpu.memory_space<semaphore_mem>> -> memref<1x!tpu.dma_semaphore, #tpu.memory_space<semaphore_mem>>
        %dma_wait3A_791 = tpu.memref_squeeze %dma_wait3A_790 : memref<1x!tpu.dma_semaphore, #tpu.memory_space<semaphore_mem>> -> memref<!tpu.dma_semaphore, #tpu.memory_space<semaphore_mem>>
        %dma_wait3A_792 = arith.constant 0 : i32
        %dma_wait3A_793 = arith.constant 0 : i32
        %dma_wait3A_794 = tpu.memref_slice %arg5[%add3A_779, %dma_wait3A_792, %dma_wait3A_793] : memref<16384x200x128xf32, #tpu.memory_space<hbm>> -> memref<1x200x64xf32, #tpu.memory_space<hbm>>
        %dma_wait3A_795 = tpu.memref_squeeze %dma_wait3A_794 : memref<1x200x64xf32, #tpu.memory_space<hbm>> -> memref<200x64xf32, #tpu.memory_space<hbm>>
        %dma_wait3A_796 = arith.constant 0 : i32
        %dma_wait3A_797 = arith.constant 0 : i32
        %dma_wait3A_798 = tpu.memref_slice %arg7[%dma_wait3A_780, %dma_wait3A_796, %dma_wait3A_797] : memref<4x400x64xf32, #tpu.memory_space<vmem>> -> memref<1x200x64xf32, #tpu.memory_space<vmem>>
        %dma_wait3A_799 = tpu.memref_squeeze %dma_wait3A_798 : memref<1x200x64xf32, #tpu.memory_space<vmem>> -> memref<200x64xf32, #tpu.memory_space<vmem>>
        tpu.wait_dma2 semaphore(%dma_wait3A_791 : memref<!tpu.dma_semaphore, #tpu.memory_space<semaphore_mem>>) src(%dma_wait3A_799 : memref<200x64xf32, #tpu.memory_space<vmem>>) dst(%dma_wait3A_795 : memref<200x64xf32, #tpu.memory_space<hbm>>)
        %mul3A_800 = arith.constant 2 : i32
        %mul3A_801 = arith.muli %sub3A_774, %mul3A_800 : i32
        %add3A_802 = arith.addi %mul3A_2, %mul3A_801 : i32
        %add3A_803 = arith.constant 1 : i32
        %add3A_804 = arith.addi %add3A_802, %add3A_803 : i32
        %dma_wait3A_805 = arith.constant 0 : i32
        %dma_wait3A_806 = arith.constant 0 : i32
        %dma_wait3A_807 = arith.constant 200 : i32
        %dma_wait3A_808 = arith.constant 0 : i32
        %dma_wait3A_809 = tpu.memref_slice %arg7[%dma_wait3A_805, %dma_wait3A_807, %dma_wait3A_808] : memref<4x400x64xf32, #tpu.memory_space<vmem>> -> memref<1x200x64xf32, #tpu.memory_space<vmem>>
        %dma_wait3A_810 = tpu.memref_squeeze %dma_wait3A_809 : memref<1x200x64xf32, #tpu.memory_space<vmem>> -> memref<200x64xf32, #tpu.memory_space<vmem>>
        %dma_wait3A_811 = arith.constant 0 : i32
        %dma_wait3A_812 = arith.constant 0 : i32
        %dma_wait3A_813 = tpu.memref_slice %arg5[%add3A_804, %dma_wait3A_811, %dma_wait3A_812] : memref<16384x200x128xf32, #tpu.memory_space<hbm>> -> memref<1x200x64xf32, #tpu.memory_space<hbm>>
        %dma_wait3A_814 = tpu.memref_squeeze %dma_wait3A_813 : memref<1x200x64xf32, #tpu.memory_space<hbm>> -> memref<200x64xf32, #tpu.memory_space<hbm>>
        %dma_wait3A_815 = tpu.memref_slice %arg10[%dma_wait3A_806] : memref<4x!tpu.dma_semaphore, #tpu.memory_space<semaphore_mem>> -> memref<1x!tpu.dma_semaphore, #tpu.memory_space<semaphore_mem>>
        %dma_wait3A_816 = tpu.memref_squeeze %dma_wait3A_815 : memref<1x!tpu.dma_semaphore, #tpu.memory_space<semaphore_mem>> -> memref<!tpu.dma_semaphore, #tpu.memory_space<semaphore_mem>>
        %dma_wait3A_817 = arith.constant 0 : i32
        %dma_wait3A_818 = arith.constant 0 : i32
        %dma_wait3A_819 = tpu.memref_slice %arg5[%add3A_804, %dma_wait3A_817, %dma_wait3A_818] : memref<16384x200x128xf32, #tpu.memory_space<hbm>> -> memref<1x200x64xf32, #tpu.memory_space<hbm>>
        %dma_wait3A_820 = tpu.memref_squeeze %dma_wait3A_819 : memref<1x200x64xf32, #tpu.memory_space<hbm>> -> memref<200x64xf32, #tpu.memory_space<hbm>>
        %dma_wait3A_821 = arith.constant 200 : i32
        %dma_wait3A_822 = arith.constant 0 : i32
        %dma_wait3A_823 = tpu.memref_slice %arg7[%dma_wait3A_805, %dma_wait3A_821, %dma_wait3A_822] : memref<4x400x64xf32, #tpu.memory_space<vmem>> -> memref<1x200x64xf32, #tpu.memory_space<vmem>>
        %dma_wait3A_824 = tpu.memref_squeeze %dma_wait3A_823 : memref<1x200x64xf32, #tpu.memory_space<vmem>> -> memref<200x64xf32, #tpu.memory_space<vmem>>
        tpu.wait_dma2 semaphore(%dma_wait3A_816 : memref<!tpu.dma_semaphore, #tpu.memory_space<semaphore_mem>>) src(%dma_wait3A_824 : memref<200x64xf32, #tpu.memory_space<vmem>>) dst(%dma_wait3A_820 : memref<200x64xf32, #tpu.memory_space<hbm>>)
      } else {
      }
      %lt3A_516 = arith.constant 256 : i32
      %lt3A_517 = arith.cmpi slt, %add3A_507, %lt3A_516 : i32
      %convert_element_type3A_518 = arith.extui %lt3A_517 : i1 to i32
      %cond3A_519 = arith.constant 0 : i32
      %cond3A_520 = arith.cmpi ne, %convert_element_type3A_518, %cond3A_519 : i32
      scf.if %cond3A_520 {
        %mul3A_774 = arith.constant 2 : i32
        %mul3A_775 = arith.muli %add3A_507, %mul3A_774 : i32
        %add3A_776 = arith.addi %mul3A_2, %mul3A_775 : i32
        %run_scoped3A_777 = arith.constant 0 : i32
        "tpu.region"() ({
          %run_scoped3A_842 = tpu.sem_alloc : memref<!tpu.dma_semaphore, #tpu.memory_space<semaphore_mem>>
          %dma_start3A_843 = arith.constant 0 : i32
          %dma_start3A_844 = arith.constant 0 : i32
          %dma_start3A_845 = tpu.memref_slice %arg6[%run_scoped3A_777, %dma_start3A_843, %dma_start3A_844] : memref<4x2x200xi32, #tpu.memory_space<vmem>> -> memref<1x2x200xi32, #tpu.memory_space<vmem>>
          %dma_start3A_846 = tpu.memref_squeeze %dma_start3A_845 : memref<1x2x200xi32, #tpu.memory_space<vmem>> -> memref<2x200xi32, #tpu.memory_space<vmem>>
          %dma_start3A_847 = arith.constant 0 : i32
          %dma_start3A_848 = tpu.memref_slice %arg2[%add3A_776, %dma_start3A_847] : memref<16384x200xi32, #tpu.memory_space<hbm>> -> memref<2x200xi32, #tpu.memory_space<hbm>>
          %dma_start3A_849 = arith.constant 0 : i32
          %dma_start3A_850 = arith.constant 0 : i32
          %dma_start3A_851 = tpu.memref_slice %arg6[%run_scoped3A_777, %dma_start3A_849, %dma_start3A_850] : memref<4x2x200xi32, #tpu.memory_space<vmem>> -> memref<1x2x200xi32, #tpu.memory_space<vmem>>
          %dma_start3A_852 = tpu.memref_squeeze %dma_start3A_851 : memref<1x2x200xi32, #tpu.memory_space<vmem>> -> memref<2x200xi32, #tpu.memory_space<vmem>>
          %dma_start3A_853 = arith.constant 0 : i32
          %dma_start3A_854 = tpu.memref_slice %arg2[%add3A_776, %dma_start3A_853] : memref<16384x200xi32, #tpu.memory_space<hbm>> -> memref<2x200xi32, #tpu.memory_space<hbm>>
          tpu.enqueue_dma source(%dma_start3A_854 : memref<2x200xi32, #tpu.memory_space<hbm>>) target(%dma_start3A_852 : memref<2x200xi32, #tpu.memory_space<vmem>>) target_semaphore(%run_scoped3A_842 : memref<!tpu.dma_semaphore, #tpu.memory_space<semaphore_mem>>)
          %dma_wait3A_855 = arith.constant 0 : i32
          %dma_wait3A_856 = arith.constant 0 : i32
          %dma_wait3A_857 = tpu.memref_slice %arg6[%run_scoped3A_777, %dma_wait3A_855, %dma_wait3A_856] : memref<4x2x200xi32, #tpu.memory_space<vmem>> -> memref<1x2x200xi32, #tpu.memory_space<vmem>>
          %dma_wait3A_858 = tpu.memref_squeeze %dma_wait3A_857 : memref<1x2x200xi32, #tpu.memory_space<vmem>> -> memref<2x200xi32, #tpu.memory_space<vmem>>
          %dma_wait3A_859 = arith.constant 0 : i32
          %dma_wait3A_860 = tpu.memref_slice %arg2[%add3A_776, %dma_wait3A_859] : memref<16384x200xi32, #tpu.memory_space<hbm>> -> memref<2x200xi32, #tpu.memory_space<hbm>>
          %dma_wait3A_861 = arith.constant 0 : i32
          %dma_wait3A_862 = arith.constant 0 : i32
          %dma_wait3A_863 = tpu.memref_slice %arg6[%run_scoped3A_777, %dma_wait3A_861, %dma_wait3A_862] : memref<4x2x200xi32, #tpu.memory_space<vmem>> -> memref<1x2x200xi32, #tpu.memory_space<vmem>>
          %dma_wait3A_864 = tpu.memref_squeeze %dma_wait3A_863 : memref<1x2x200xi32, #tpu.memory_space<vmem>> -> memref<2x200xi32, #tpu.memory_space<vmem>>
          %dma_wait3A_865 = arith.constant 0 : i32
          %dma_wait3A_866 = tpu.memref_slice %arg2[%add3A_776, %dma_wait3A_865] : memref<16384x200xi32, #tpu.memory_space<hbm>> -> memref<2x200xi32, #tpu.memory_space<hbm>>
          tpu.wait_dma2 semaphore(%run_scoped3A_842 : memref<!tpu.dma_semaphore, #tpu.memory_space<semaphore_mem>>) src(%dma_wait3A_866 : memref<2x200xi32, #tpu.memory_space<hbm>>) dst(%dma_wait3A_864 : memref<2x200xi32, #tpu.memory_space<vmem>>)
          tpu.yield
        }) : () -> ()
        %dma_start3A_778 = arith.constant 0 : i32
        %dma_start3A_779 = arith.constant 0 : i32
        %dma_start3A_780 = arith.constant 0 : i32
        %dma_start3A_781 = arith.constant 0 : i32
        %dma_start3A_782 = arith.constant 0 : i32
        %dma_start3A_783 = arith.constant 0 : i32
        %dma_start3A_784 = tpu.memref_slice %arg7[%dma_start3A_780, %dma_start3A_782, %dma_start3A_783] : memref<4x400x64xf32, #tpu.memory_space<vmem>> -> memref<1x104x64xf32, #tpu.memory_space<vmem>>
        %dma_start3A_785 = tpu.memref_squeeze %dma_start3A_784 : memref<1x104x64xf32, #tpu.memory_space<vmem>> -> memref<104x64xf32, #tpu.memory_space<vmem>>
        %dma_start3A_786 = arith.constant 0 : i32
        %dma_start3A_787 = tpu.memref_slice %arg6[%dma_start3A_778, %dma_start3A_779, %dma_start3A_786] : memref<4x2x200xi32, #tpu.memory_space<vmem>> -> memref<1x1x104xi32, #tpu.memory_space<vmem>>
        %dma_start3A_788 = tpu.memref_squeeze %dma_start3A_787 : memref<1x1x104xi32, #tpu.memory_space<vmem>> -> memref<104xi32, #tpu.memory_space<vmem>>
        %dma_start3A_789 = arith.constant 0 : i32
        %dma_start3A_790 = arith.constant 0 : i32
        %dma_start3A_791 = tpu.memref_slice %arg3[%dma_start3A_789, %dma_start3A_790] : memref<100000x64xf32, #tpu.memory_space<hbm>> -> memref<100000x64xf32, #tpu.memory_space<hbm>>
        %dma_start3A_792 = tpu.memref_slice %arg9[%dma_start3A_781] : memref<4x!tpu.dma_semaphore, #tpu.memory_space<semaphore_mem>> -> memref<1x!tpu.dma_semaphore, #tpu.memory_space<semaphore_mem>>
        %dma_start3A_793 = tpu.memref_squeeze %dma_start3A_792 : memref<1x!tpu.dma_semaphore, #tpu.memory_space<semaphore_mem>> -> memref<!tpu.dma_semaphore, #tpu.memory_space<semaphore_mem>>
        tpu.enqueue_indirect_dma source(%dma_start3A_791 : memref<100000x64xf32, #tpu.memory_space<hbm>>) target(%dma_start3A_785 : memref<104x64xf32, #tpu.memory_space<vmem>>) offsets(%dma_start3A_788 : memref<104xi32, #tpu.memory_space<vmem>>) semaphore(%dma_start3A_793 : memref<!tpu.dma_semaphore, #tpu.memory_space<semaphore_mem>>)
        %dma_start3A_794 = arith.constant 0 : i32
        %dma_start3A_795 = arith.constant 0 : i32
        %dma_start3A_796 = arith.constant 0 : i32
        %dma_start3A_797 = arith.constant 0 : i32
        %dma_start3A_798 = arith.constant 96 : i32
        %dma_start3A_799 = arith.constant 0 : i32
        %dma_start3A_800 = tpu.memref_slice %arg7[%dma_start3A_796, %dma_start3A_798, %dma_start3A_799] : memref<4x400x64xf32, #tpu.memory_space<vmem>> -> memref<1x104x64xf32, #tpu.memory_space<vmem>>
        %dma_start3A_801 = tpu.memref_squeeze %dma_start3A_800 : memref<1x104x64xf32, #tpu.memory_space<vmem>> -> memref<104x64xf32, #tpu.memory_space<vmem>>
        %dma_start3A_802 = arith.constant 96 : i32
        %dma_start3A_803 = tpu.memref_slice %arg6[%dma_start3A_794, %dma_start3A_795, %dma_start3A_802] : memref<4x2x200xi32, #tpu.memory_space<vmem>> -> memref<1x1x104xi32, #tpu.memory_space<vmem>>
        %dma_start3A_804 = tpu.memref_squeeze %dma_start3A_803 : memref<1x1x104xi32, #tpu.memory_space<vmem>> -> memref<104xi32, #tpu.memory_space<vmem>>
        %dma_start3A_805 = arith.constant 0 : i32
        %dma_start3A_806 = arith.constant 0 : i32
        %dma_start3A_807 = tpu.memref_slice %arg3[%dma_start3A_805, %dma_start3A_806] : memref<100000x64xf32, #tpu.memory_space<hbm>> -> memref<100000x64xf32, #tpu.memory_space<hbm>>
        %dma_start3A_808 = tpu.memref_slice %arg9[%dma_start3A_797] : memref<4x!tpu.dma_semaphore, #tpu.memory_space<semaphore_mem>> -> memref<1x!tpu.dma_semaphore, #tpu.memory_space<semaphore_mem>>
        %dma_start3A_809 = tpu.memref_squeeze %dma_start3A_808 : memref<1x!tpu.dma_semaphore, #tpu.memory_space<semaphore_mem>> -> memref<!tpu.dma_semaphore, #tpu.memory_space<semaphore_mem>>
        tpu.enqueue_indirect_dma source(%dma_start3A_807 : memref<100000x64xf32, #tpu.memory_space<hbm>>) target(%dma_start3A_801 : memref<104x64xf32, #tpu.memory_space<vmem>>) offsets(%dma_start3A_804 : memref<104xi32, #tpu.memory_space<vmem>>) semaphore(%dma_start3A_809 : memref<!tpu.dma_semaphore, #tpu.memory_space<semaphore_mem>>)
        %dma_start3A_810 = arith.constant 0 : i32
        %dma_start3A_811 = arith.constant 1 : i32
        %dma_start3A_812 = arith.constant 0 : i32
        %dma_start3A_813 = arith.constant 0 : i32
        %dma_start3A_814 = arith.constant 200 : i32
        %dma_start3A_815 = arith.constant 0 : i32
        %dma_start3A_816 = tpu.memref_slice %arg7[%dma_start3A_812, %dma_start3A_814, %dma_start3A_815] : memref<4x400x64xf32, #tpu.memory_space<vmem>> -> memref<1x104x64xf32, #tpu.memory_space<vmem>>
        %dma_start3A_817 = tpu.memref_squeeze %dma_start3A_816 : memref<1x104x64xf32, #tpu.memory_space<vmem>> -> memref<104x64xf32, #tpu.memory_space<vmem>>
        %dma_start3A_818 = arith.constant 0 : i32
        %dma_start3A_819 = tpu.memref_slice %arg6[%dma_start3A_810, %dma_start3A_811, %dma_start3A_818] : memref<4x2x200xi32, #tpu.memory_space<vmem>> -> memref<1x1x104xi32, #tpu.memory_space<vmem>>
        %dma_start3A_820 = tpu.memref_squeeze %dma_start3A_819 : memref<1x1x104xi32, #tpu.memory_space<vmem>> -> memref<104xi32, #tpu.memory_space<vmem>>
        %dma_start3A_821 = arith.constant 0 : i32
        %dma_start3A_822 = arith.constant 0 : i32
        %dma_start3A_823 = tpu.memref_slice %arg3[%dma_start3A_821, %dma_start3A_822] : memref<100000x64xf32, #tpu.memory_space<hbm>> -> memref<100000x64xf32, #tpu.memory_space<hbm>>
        %dma_start3A_824 = tpu.memref_slice %arg9[%dma_start3A_813] : memref<4x!tpu.dma_semaphore, #tpu.memory_space<semaphore_mem>> -> memref<1x!tpu.dma_semaphore, #tpu.memory_space<semaphore_mem>>
        %dma_start3A_825 = tpu.memref_squeeze %dma_start3A_824 : memref<1x!tpu.dma_semaphore, #tpu.memory_space<semaphore_mem>> -> memref<!tpu.dma_semaphore, #tpu.memory_space<semaphore_mem>>
        tpu.enqueue_indirect_dma source(%dma_start3A_823 : memref<100000x64xf32, #tpu.memory_space<hbm>>) target(%dma_start3A_817 : memref<104x64xf32, #tpu.memory_space<vmem>>) offsets(%dma_start3A_820 : memref<104xi32, #tpu.memory_space<vmem>>) semaphore(%dma_start3A_825 : memref<!tpu.dma_semaphore, #tpu.memory_space<semaphore_mem>>)
        %dma_start3A_826 = arith.constant 0 : i32
        %dma_start3A_827 = arith.constant 1 : i32
        %dma_start3A_828 = arith.constant 0 : i32
        %dma_start3A_829 = arith.constant 0 : i32
        %dma_start3A_830 = arith.constant 296 : i32
        %dma_start3A_831 = arith.constant 0 : i32
        %dma_start3A_832 = tpu.memref_slice %arg7[%dma_start3A_828, %dma_start3A_830, %dma_start3A_831] : memref<4x400x64xf32, #tpu.memory_space<vmem>> -> memref<1x104x64xf32, #tpu.memory_space<vmem>>
        %dma_start3A_833 = tpu.memref_squeeze %dma_start3A_832 : memref<1x104x64xf32, #tpu.memory_space<vmem>> -> memref<104x64xf32, #tpu.memory_space<vmem>>
        %dma_start3A_834 = arith.constant 96 : i32
        %dma_start3A_835 = tpu.memref_slice %arg6[%dma_start3A_826, %dma_start3A_827, %dma_start3A_834] : memref<4x2x200xi32, #tpu.memory_space<vmem>> -> memref<1x1x104xi32, #tpu.memory_space<vmem>>
        %dma_start3A_836 = tpu.memref_squeeze %dma_start3A_835 : memref<1x1x104xi32, #tpu.memory_space<vmem>> -> memref<104xi32, #tpu.memory_space<vmem>>
        %dma_start3A_837 = arith.constant 0 : i32
        %dma_start3A_838 = arith.constant 0 : i32
        %dma_start3A_839 = tpu.memref_slice %arg3[%dma_start3A_837, %dma_start3A_838] : memref<100000x64xf32, #tpu.memory_space<hbm>> -> memref<100000x64xf32, #tpu.memory_space<hbm>>
        %dma_start3A_840 = tpu.memref_slice %arg9[%dma_start3A_829] : memref<4x!tpu.dma_semaphore, #tpu.memory_space<semaphore_mem>> -> memref<1x!tpu.dma_semaphore, #tpu.memory_space<semaphore_mem>>
        %dma_start3A_841 = tpu.memref_squeeze %dma_start3A_840 : memref<1x!tpu.dma_semaphore, #tpu.memory_space<semaphore_mem>> -> memref<!tpu.dma_semaphore, #tpu.memory_space<semaphore_mem>>
        tpu.enqueue_indirect_dma source(%dma_start3A_839 : memref<100000x64xf32, #tpu.memory_space<hbm>>) target(%dma_start3A_833 : memref<104x64xf32, #tpu.memory_space<vmem>>) offsets(%dma_start3A_836 : memref<104xi32, #tpu.memory_space<vmem>>) semaphore(%dma_start3A_841 : memref<!tpu.dma_semaphore, #tpu.memory_space<semaphore_mem>>)
      } else {
      }
      %dma_wait3A_521 = arith.constant 2 : i32
      %dma_wait3A_522 = arith.constant 0 : i32
      %dma_wait3A_523 = arith.constant 2 : i32
      %dma_wait3A_524 = arith.constant 2 : i32
      %dma_wait3A_525 = arith.constant 0 : i32
      %dma_wait3A_526 = arith.constant 0 : i32
      %dma_wait3A_527 = tpu.memref_slice %arg7[%dma_wait3A_523, %dma_wait3A_525, %dma_wait3A_526] : memref<4x400x64xf32, #tpu.memory_space<vmem>> -> memref<1x104x64xf32, #tpu.memory_space<vmem>>
      %dma_wait3A_528 = tpu.memref_squeeze %dma_wait3A_527 : memref<1x104x64xf32, #tpu.memory_space<vmem>> -> memref<104x64xf32, #tpu.memory_space<vmem>>
      %dma_wait3A_529 = arith.constant 0 : i32
      %dma_wait3A_530 = tpu.memref_slice %arg6[%dma_wait3A_521, %dma_wait3A_522, %dma_wait3A_529] : memref<4x2x200xi32, #tpu.memory_space<vmem>> -> memref<1x1x104xi32, #tpu.memory_space<vmem>>
      %dma_wait3A_531 = tpu.memref_squeeze %dma_wait3A_530 : memref<1x1x104xi32, #tpu.memory_space<vmem>> -> memref<104xi32, #tpu.memory_space<vmem>>
      %dma_wait3A_532 = arith.constant 0 : i32
      %dma_wait3A_533 = arith.constant 0 : i32
      %dma_wait3A_534 = tpu.memref_slice %arg3[%dma_wait3A_532, %dma_wait3A_533] : memref<100000x64xf32, #tpu.memory_space<hbm>> -> memref<100000x64xf32, #tpu.memory_space<hbm>>
      %dma_wait3A_535 = tpu.memref_slice %arg9[%dma_wait3A_524] : memref<4x!tpu.dma_semaphore, #tpu.memory_space<semaphore_mem>> -> memref<1x!tpu.dma_semaphore, #tpu.memory_space<semaphore_mem>>
      %dma_wait3A_536 = tpu.memref_squeeze %dma_wait3A_535 : memref<1x!tpu.dma_semaphore, #tpu.memory_space<semaphore_mem>> -> memref<!tpu.dma_semaphore, #tpu.memory_space<semaphore_mem>>
      tpu.wait_indirect_dma semaphore(%dma_wait3A_536 : memref<!tpu.dma_semaphore, #tpu.memory_space<semaphore_mem>>) src(%dma_wait3A_534 : memref<100000x64xf32, #tpu.memory_space<hbm>>) dst(%dma_wait3A_528 : memref<104x64xf32, #tpu.memory_space<vmem>>)
      %dma_wait3A_537 = arith.constant 2 : i32
      %dma_wait3A_538 = arith.constant 0 : i32
      %dma_wait3A_539 = arith.constant 2 : i32
      %dma_wait3A_540 = arith.constant 2 : i32
      %dma_wait3A_541 = arith.constant 96 : i32
      %dma_wait3A_542 = arith.constant 0 : i32
      %dma_wait3A_543 = tpu.memref_slice %arg7[%dma_wait3A_539, %dma_wait3A_541, %dma_wait3A_542] : memref<4x400x64xf32, #tpu.memory_space<vmem>> -> memref<1x104x64xf32, #tpu.memory_space<vmem>>
      %dma_wait3A_544 = tpu.memref_squeeze %dma_wait3A_543 : memref<1x104x64xf32, #tpu.memory_space<vmem>> -> memref<104x64xf32, #tpu.memory_space<vmem>>
      %dma_wait3A_545 = arith.constant 96 : i32
      %dma_wait3A_546 = tpu.memref_slice %arg6[%dma_wait3A_537, %dma_wait3A_538, %dma_wait3A_545] : memref<4x2x200xi32, #tpu.memory_space<vmem>> -> memref<1x1x104xi32, #tpu.memory_space<vmem>>
      %dma_wait3A_547 = tpu.memref_squeeze %dma_wait3A_546 : memref<1x1x104xi32, #tpu.memory_space<vmem>> -> memref<104xi32, #tpu.memory_space<vmem>>
      %dma_wait3A_548 = arith.constant 0 : i32
      %dma_wait3A_549 = arith.constant 0 : i32
      %dma_wait3A_550 = tpu.memref_slice %arg3[%dma_wait3A_548, %dma_wait3A_549] : memref<100000x64xf32, #tpu.memory_space<hbm>> -> memref<100000x64xf32, #tpu.memory_space<hbm>>
      %dma_wait3A_551 = tpu.memref_slice %arg9[%dma_wait3A_540] : memref<4x!tpu.dma_semaphore, #tpu.memory_space<semaphore_mem>> -> memref<1x!tpu.dma_semaphore, #tpu.memory_space<semaphore_mem>>
      %dma_wait3A_552 = tpu.memref_squeeze %dma_wait3A_551 : memref<1x!tpu.dma_semaphore, #tpu.memory_space<semaphore_mem>> -> memref<!tpu.dma_semaphore, #tpu.memory_space<semaphore_mem>>
      tpu.wait_indirect_dma semaphore(%dma_wait3A_552 : memref<!tpu.dma_semaphore, #tpu.memory_space<semaphore_mem>>) src(%dma_wait3A_550 : memref<100000x64xf32, #tpu.memory_space<hbm>>) dst(%dma_wait3A_544 : memref<104x64xf32, #tpu.memory_space<vmem>>)
      %dma_wait3A_553 = arith.constant 2 : i32
      %dma_wait3A_554 = arith.constant 1 : i32
      %dma_wait3A_555 = arith.constant 2 : i32
      %dma_wait3A_556 = arith.constant 2 : i32
      %dma_wait3A_557 = arith.constant 200 : i32
      %dma_wait3A_558 = arith.constant 0 : i32
      %dma_wait3A_559 = tpu.memref_slice %arg7[%dma_wait3A_555, %dma_wait3A_557, %dma_wait3A_558] : memref<4x400x64xf32, #tpu.memory_space<vmem>> -> memref<1x104x64xf32, #tpu.memory_space<vmem>>
      %dma_wait3A_560 = tpu.memref_squeeze %dma_wait3A_559 : memref<1x104x64xf32, #tpu.memory_space<vmem>> -> memref<104x64xf32, #tpu.memory_space<vmem>>
      %dma_wait3A_561 = arith.constant 0 : i32
      %dma_wait3A_562 = tpu.memref_slice %arg6[%dma_wait3A_553, %dma_wait3A_554, %dma_wait3A_561] : memref<4x2x200xi32, #tpu.memory_space<vmem>> -> memref<1x1x104xi32, #tpu.memory_space<vmem>>
      %dma_wait3A_563 = tpu.memref_squeeze %dma_wait3A_562 : memref<1x1x104xi32, #tpu.memory_space<vmem>> -> memref<104xi32, #tpu.memory_space<vmem>>
      %dma_wait3A_564 = arith.constant 0 : i32
      %dma_wait3A_565 = arith.constant 0 : i32
      %dma_wait3A_566 = tpu.memref_slice %arg3[%dma_wait3A_564, %dma_wait3A_565] : memref<100000x64xf32, #tpu.memory_space<hbm>> -> memref<100000x64xf32, #tpu.memory_space<hbm>>
      %dma_wait3A_567 = tpu.memref_slice %arg9[%dma_wait3A_556] : memref<4x!tpu.dma_semaphore, #tpu.memory_space<semaphore_mem>> -> memref<1x!tpu.dma_semaphore, #tpu.memory_space<semaphore_mem>>
      %dma_wait3A_568 = tpu.memref_squeeze %dma_wait3A_567 : memref<1x!tpu.dma_semaphore, #tpu.memory_space<semaphore_mem>> -> memref<!tpu.dma_semaphore, #tpu.memory_space<semaphore_mem>>
      tpu.wait_indirect_dma semaphore(%dma_wait3A_568 : memref<!tpu.dma_semaphore, #tpu.memory_space<semaphore_mem>>) src(%dma_wait3A_566 : memref<100000x64xf32, #tpu.memory_space<hbm>>) dst(%dma_wait3A_560 : memref<104x64xf32, #tpu.memory_space<vmem>>)
      %dma_wait3A_569 = arith.constant 2 : i32
      %dma_wait3A_570 = arith.constant 1 : i32
      %dma_wait3A_571 = arith.constant 2 : i32
      %dma_wait3A_572 = arith.constant 2 : i32
      %dma_wait3A_573 = arith.constant 296 : i32
      %dma_wait3A_574 = arith.constant 0 : i32
      %dma_wait3A_575 = tpu.memref_slice %arg7[%dma_wait3A_571, %dma_wait3A_573, %dma_wait3A_574] : memref<4x400x64xf32, #tpu.memory_space<vmem>> -> memref<1x104x64xf32, #tpu.memory_space<vmem>>
      %dma_wait3A_576 = tpu.memref_squeeze %dma_wait3A_575 : memref<1x104x64xf32, #tpu.memory_space<vmem>> -> memref<104x64xf32, #tpu.memory_space<vmem>>
      %dma_wait3A_577 = arith.constant 96 : i32
      %dma_wait3A_578 = tpu.memref_slice %arg6[%dma_wait3A_569, %dma_wait3A_570, %dma_wait3A_577] : memref<4x2x200xi32, #tpu.memory_space<vmem>> -> memref<1x1x104xi32, #tpu.memory_space<vmem>>
      %dma_wait3A_579 = tpu.memref_squeeze %dma_wait3A_578 : memref<1x1x104xi32, #tpu.memory_space<vmem>> -> memref<104xi32, #tpu.memory_space<vmem>>
      %dma_wait3A_580 = arith.constant 0 : i32
      %dma_wait3A_581 = arith.constant 0 : i32
      %dma_wait3A_582 = tpu.memref_slice %arg3[%dma_wait3A_580, %dma_wait3A_581] : memref<100000x64xf32, #tpu.memory_space<hbm>> -> memref<100000x64xf32, #tpu.memory_space<hbm>>
      %dma_wait3A_583 = tpu.memref_slice %arg9[%dma_wait3A_572] : memref<4x!tpu.dma_semaphore, #tpu.memory_space<semaphore_mem>> -> memref<1x!tpu.dma_semaphore, #tpu.memory_space<semaphore_mem>>
      %dma_wait3A_584 = tpu.memref_squeeze %dma_wait3A_583 : memref<1x!tpu.dma_semaphore, #tpu.memory_space<semaphore_mem>> -> memref<!tpu.dma_semaphore, #tpu.memory_space<semaphore_mem>>
      tpu.wait_indirect_dma semaphore(%dma_wait3A_584 : memref<!tpu.dma_semaphore, #tpu.memory_space<semaphore_mem>>) src(%dma_wait3A_582 : memref<100000x64xf32, #tpu.memory_space<hbm>>) dst(%dma_wait3A_576 : memref<104x64xf32, #tpu.memory_space<vmem>>)
      %parallel_loop3A_585 = arith.constant 0 : i32
      %parallel_loop3A_586 = arith.constant 200 : i32
      %parallel_loop3A_587 = arith.constant 1 : i32
      scf.for %parallel_loop3A_774 = %parallel_loop3A_585 to %parallel_loop3A_586 step %parallel_loop3A_587  : i32 {
        %parallel_loop3A_775 = arith.index_cast %parallel_loop3A_774 : i32 to index
        %parallel_loop3A_776 = arith.constant 0 : index
        %parallel_loop3A_777 = tpu.vector_load %arg8[%parallel_loop3A_775, %parallel_loop3A_776] {strides = array<i32>} : memref<200x64xf32, #tpu.memory_space<vmem>>, vector<1x16xf32>,
        %parallel_loop3A_778 = vector.shape_cast %parallel_loop3A_777 : vector<1x16xf32> to vector<16xf32>
        %parallel_loop3A_779 = arith.constant 0 : i32
        %parallel_loop3A_780 = arith.addi %parallel_loop3A_779, %parallel_loop3A_774 : i32
        %parallel_loop3A_781 = arith.constant 2 : i32
        %parallel_loop3A_782 = arith.index_cast %parallel_loop3A_781 : i32 to index
        %parallel_loop3A_783 = arith.index_cast %parallel_loop3A_780 : i32 to index
        %parallel_loop3A_784 = arith.constant 0 : index
        %parallel_loop3A_785 = tpu.vector_load %arg7[%parallel_loop3A_782, %parallel_loop3A_783, %parallel_loop3A_784] {strides = array<i32>} : memref<4x400x64xf32, #tpu.memory_space<vmem>>, vector<1x1x16xf32>,
        %parallel_loop3A_786 = vector.shape_cast %parallel_loop3A_785 : vector<1x1x16xf32> to vector<16xf32>
        %parallel_loop3A_787 = vector.shape_cast %parallel_loop3A_778 : vector<16xf32> to vector<1x1x16xf32>
        tpu.vector_store %arg7[%parallel_loop3A_782, %parallel_loop3A_783, %parallel_loop3A_784], %parallel_loop3A_787 {add = true, strides = array<i32>} : memref<4x400x64xf32, #tpu.memory_space<vmem>>, vector<1x1x16xf32>,
        %parallel_loop3A_788 = arith.constant 200 : i32
        %parallel_loop3A_789 = arith.addi %parallel_loop3A_788, %parallel_loop3A_774 : i32
        %parallel_loop3A_790 = arith.constant 2 : i32
        %parallel_loop3A_791 = arith.index_cast %parallel_loop3A_790 : i32 to index
        %parallel_loop3A_792 = arith.index_cast %parallel_loop3A_789 : i32 to index
        %parallel_loop3A_793 = arith.constant 0 : index
        %parallel_loop3A_794 = tpu.vector_load %arg7[%parallel_loop3A_791, %parallel_loop3A_792, %parallel_loop3A_793] {strides = array<i32>} : memref<4x400x64xf32, #tpu.memory_space<vmem>>, vector<1x1x16xf32>,
        %parallel_loop3A_795 = vector.shape_cast %parallel_loop3A_794 : vector<1x1x16xf32> to vector<16xf32>
        %parallel_loop3A_796 = vector.shape_cast %parallel_loop3A_778 : vector<16xf32> to vector<1x1x16xf32>
        tpu.vector_store %arg7[%parallel_loop3A_791, %parallel_loop3A_792, %parallel_loop3A_793], %parallel_loop3A_796 {add = true, strides = array<i32>} : memref<4x400x64xf32, #tpu.memory_space<vmem>>, vector<1x1x16xf32>,
        %parallel_loop3A_797 = arith.index_cast %parallel_loop3A_774 : i32 to index
        %parallel_loop3A_798 = arith.constant 16 : index
        %parallel_loop3A_799 = tpu.vector_load %arg8[%parallel_loop3A_797, %parallel_loop3A_798] {strides = array<i32>} : memref<200x64xf32, #tpu.memory_space<vmem>>, vector<1x16xf32>,
        %parallel_loop3A_800 = vector.shape_cast %parallel_loop3A_799 : vector<1x16xf32> to vector<16xf32>
        %parallel_loop3A_801 = arith.constant 0 : i32
        %parallel_loop3A_802 = arith.addi %parallel_loop3A_801, %parallel_loop3A_774 : i32
        %parallel_loop3A_803 = arith.constant 2 : i32
        %parallel_loop3A_804 = arith.index_cast %parallel_loop3A_803 : i32 to index
        %parallel_loop3A_805 = arith.index_cast %parallel_loop3A_802 : i32 to index
        %parallel_loop3A_806 = arith.constant 16 : index
        %parallel_loop3A_807 = tpu.vector_load %arg7[%parallel_loop3A_804, %parallel_loop3A_805, %parallel_loop3A_806] {strides = array<i32>} : memref<4x400x64xf32, #tpu.memory_space<vmem>>, vector<1x1x16xf32>,
        %parallel_loop3A_808 = vector.shape_cast %parallel_loop3A_807 : vector<1x1x16xf32> to vector<16xf32>
        %parallel_loop3A_809 = vector.shape_cast %parallel_loop3A_800 : vector<16xf32> to vector<1x1x16xf32>
        tpu.vector_store %arg7[%parallel_loop3A_804, %parallel_loop3A_805, %parallel_loop3A_806], %parallel_loop3A_809 {add = true, strides = array<i32>} : memref<4x400x64xf32, #tpu.memory_space<vmem>>, vector<1x1x16xf32>,
        %parallel_loop3A_810 = arith.constant 200 : i32
        %parallel_loop3A_811 = arith.addi %parallel_loop3A_810, %parallel_loop3A_774 : i32
        %parallel_loop3A_812 = arith.constant 2 : i32
        %parallel_loop3A_813 = arith.index_cast %parallel_loop3A_812 : i32 to index
        %parallel_loop3A_814 = arith.index_cast %parallel_loop3A_811 : i32 to index
        %parallel_loop3A_815 = arith.constant 16 : index
        %parallel_loop3A_816 = tpu.vector_load %arg7[%parallel_loop3A_813, %parallel_loop3A_814, %parallel_loop3A_815] {strides = array<i32>} : memref<4x400x64xf32, #tpu.memory_space<vmem>>, vector<1x1x16xf32>,
        %parallel_loop3A_817 = vector.shape_cast %parallel_loop3A_816 : vector<1x1x16xf32> to vector<16xf32>
        %parallel_loop3A_818 = vector.shape_cast %parallel_loop3A_800 : vector<16xf32> to vector<1x1x16xf32>
        tpu.vector_store %arg7[%parallel_loop3A_813, %parallel_loop3A_814, %parallel_loop3A_815], %parallel_loop3A_818 {add = true, strides = array<i32>} : memref<4x400x64xf32, #tpu.memory_space<vmem>>, vector<1x1x16xf32>,
        %parallel_loop3A_819 = arith.index_cast %parallel_loop3A_774 : i32 to index
        %parallel_loop3A_820 = arith.constant 32 : index
        %parallel_loop3A_821 = tpu.vector_load %arg8[%parallel_loop3A_819, %parallel_loop3A_820] {strides = array<i32>} : memref<200x64xf32, #tpu.memory_space<vmem>>, vector<1x16xf32>,
        %parallel_loop3A_822 = vector.shape_cast %parallel_loop3A_821 : vector<1x16xf32> to vector<16xf32>
        %parallel_loop3A_823 = arith.constant 0 : i32
        %parallel_loop3A_824 = arith.addi %parallel_loop3A_823, %parallel_loop3A_774 : i32
        %parallel_loop3A_825 = arith.constant 2 : i32
        %parallel_loop3A_826 = arith.index_cast %parallel_loop3A_825 : i32 to index
        %parallel_loop3A_827 = arith.index_cast %parallel_loop3A_824 : i32 to index
        %parallel_loop3A_828 = arith.constant 32 : index
        %parallel_loop3A_829 = tpu.vector_load %arg7[%parallel_loop3A_826, %parallel_loop3A_827, %parallel_loop3A_828] {strides = array<i32>} : memref<4x400x64xf32, #tpu.memory_space<vmem>>, vector<1x1x16xf32>,
        %parallel_loop3A_830 = vector.shape_cast %parallel_loop3A_829 : vector<1x1x16xf32> to vector<16xf32>
        %parallel_loop3A_831 = vector.shape_cast %parallel_loop3A_822 : vector<16xf32> to vector<1x1x16xf32>
        tpu.vector_store %arg7[%parallel_loop3A_826, %parallel_loop3A_827, %parallel_loop3A_828], %parallel_loop3A_831 {add = true, strides = array<i32>} : memref<4x400x64xf32, #tpu.memory_space<vmem>>, vector<1x1x16xf32>,
        %parallel_loop3A_832 = arith.constant 200 : i32
        %parallel_loop3A_833 = arith.addi %parallel_loop3A_832, %parallel_loop3A_774 : i32
        %parallel_loop3A_834 = arith.constant 2 : i32
        %parallel_loop3A_835 = arith.index_cast %parallel_loop3A_834 : i32 to index
        %parallel_loop3A_836 = arith.index_cast %parallel_loop3A_833 : i32 to index
        %parallel_loop3A_837 = arith.constant 32 : index
        %parallel_loop3A_838 = tpu.vector_load %arg7[%parallel_loop3A_835, %parallel_loop3A_836, %parallel_loop3A_837] {strides = array<i32>} : memref<4x400x64xf32, #tpu.memory_space<vmem>>, vector<1x1x16xf32>,
        %parallel_loop3A_839 = vector.shape_cast %parallel_loop3A_838 : vector<1x1x16xf32> to vector<16xf32>
        %parallel_loop3A_840 = vector.shape_cast %parallel_loop3A_822 : vector<16xf32> to vector<1x1x16xf32>
        tpu.vector_store %arg7[%parallel_loop3A_835, %parallel_loop3A_836, %parallel_loop3A_837], %parallel_loop3A_840 {add = true, strides = array<i32>} : memref<4x400x64xf32, #tpu.memory_space<vmem>>, vector<1x1x16xf32>,
        %parallel_loop3A_841 = arith.index_cast %parallel_loop3A_774 : i32 to index
        %parallel_loop3A_842 = arith.constant 48 : index
        %parallel_loop3A_843 = tpu.vector_load %arg8[%parallel_loop3A_841, %parallel_loop3A_842] {strides = array<i32>} : memref<200x64xf32, #tpu.memory_space<vmem>>, vector<1x16xf32>,
        %parallel_loop3A_844 = vector.shape_cast %parallel_loop3A_843 : vector<1x16xf32> to vector<16xf32>
        %parallel_loop3A_845 = arith.constant 0 : i32
        %parallel_loop3A_846 = arith.addi %parallel_loop3A_845, %parallel_loop3A_774 : i32
        %parallel_loop3A_847 = arith.constant 2 : i32
        %parallel_loop3A_848 = arith.index_cast %parallel_loop3A_847 : i32 to index
        %parallel_loop3A_849 = arith.index_cast %parallel_loop3A_846 : i32 to index
        %parallel_loop3A_850 = arith.constant 48 : index
        %parallel_loop3A_851 = tpu.vector_load %arg7[%parallel_loop3A_848, %parallel_loop3A_849, %parallel_loop3A_850] {strides = array<i32>} : memref<4x400x64xf32, #tpu.memory_space<vmem>>, vector<1x1x16xf32>,
        %parallel_loop3A_852 = vector.shape_cast %parallel_loop3A_851 : vector<1x1x16xf32> to vector<16xf32>
        %parallel_loop3A_853 = vector.shape_cast %parallel_loop3A_844 : vector<16xf32> to vector<1x1x16xf32>
        tpu.vector_store %arg7[%parallel_loop3A_848, %parallel_loop3A_849, %parallel_loop3A_850], %parallel_loop3A_853 {add = true, strides = array<i32>} : memref<4x400x64xf32, #tpu.memory_space<vmem>>, vector<1x1x16xf32>,
        %parallel_loop3A_854 = arith.constant 200 : i32
        %parallel_loop3A_855 = arith.addi %parallel_loop3A_854, %parallel_loop3A_774 : i32
        %parallel_loop3A_856 = arith.constant 2 : i32
        %parallel_loop3A_857 = arith.index_cast %parallel_loop3A_856 : i32 to index
        %parallel_loop3A_858 = arith.index_cast %parallel_loop3A_855 : i32 to index
        %parallel_loop3A_859 = arith.constant 48 : index
        %parallel_loop3A_860 = tpu.vector_load %arg7[%parallel_loop3A_857, %parallel_loop3A_858, %parallel_loop3A_859] {strides = array<i32>} : memref<4x400x64xf32, #tpu.memory_space<vmem>>, vector<1x1x16xf32>,
        %parallel_loop3A_861 = vector.shape_cast %parallel_loop3A_860 : vector<1x1x16xf32> to vector<16xf32>
        %parallel_loop3A_862 = vector.shape_cast %parallel_loop3A_844 : vector<16xf32> to vector<1x1x16xf32>
        tpu.vector_store %arg7[%parallel_loop3A_857, %parallel_loop3A_858, %parallel_loop3A_859], %parallel_loop3A_862 {add = true, strides = array<i32>} : memref<4x400x64xf32, #tpu.memory_space<vmem>>, vector<1x1x16xf32>,
      } {sc.loop_unroll_factor = 2 : i64, sc.parallel_access}
      %mul3A_588 = arith.constant 2 : i32
      %mul3A_589 = arith.muli %add3A_505, %mul3A_588 : i32
      %add3A_590 = arith.addi %mul3A_2, %mul3A_589 : i32
      %add3A_591 = arith.constant 0 : i32
      %add3A_592 = arith.addi %add3A_590, %add3A_591 : i32
      %dma_start3A_593 = arith.constant 2 : i32
      %dma_start3A_594 = arith.constant 2 : i32
      %dma_start3A_595 = arith.constant 0 : i32
      %dma_start3A_596 = arith.constant 0 : i32
      %dma_start3A_597 = tpu.memref_slice %arg7[%dma_start3A_593, %dma_start3A_595, %dma_start3A_596] : memref<4x400x64xf32, #tpu.memory_space<vmem>> -> memref<1x200x64xf32, #tpu.memory_space<vmem>>
      %dma_start3A_598 = tpu.memref_squeeze %dma_start3A_597 : memref<1x200x64xf32, #tpu.memory_space<vmem>> -> memref<200x64xf32, #tpu.memory_space<vmem>>
      %dma_start3A_599 = arith.constant 0 : i32
      %dma_start3A_600 = arith.constant 0 : i32
      %dma_start3A_601 = tpu.memref_slice %arg5[%add3A_592, %dma_start3A_599, %dma_start3A_600] : memref<16384x200x128xf32, #tpu.memory_space<hbm>> -> memref<1x200x64xf32, #tpu.memory_space<hbm>>
      %dma_start3A_602 = tpu.memref_squeeze %dma_start3A_601 : memref<1x200x64xf32, #tpu.memory_space<hbm>> -> memref<200x64xf32, #tpu.memory_space<hbm>>
      %dma_start3A_603 = tpu.memref_slice %arg10[%dma_start3A_594] : memref<4x!tpu.dma_semaphore, #tpu.memory_space<semaphore_mem>> -> memref<1x!tpu.dma_semaphore, #tpu.memory_space<semaphore_mem>>
      %dma_start3A_604 = tpu.memref_squeeze %dma_start3A_603 : memref<1x!tpu.dma_semaphore, #tpu.memory_space<semaphore_mem>> -> memref<!tpu.dma_semaphore, #tpu.memory_space<semaphore_mem>>
      %dma_start3A_605 = arith.constant 0 : i32
      %dma_start3A_606 = arith.constant 0 : i32
      %dma_start3A_607 = tpu.memref_slice %arg5[%add3A_592, %dma_start3A_605, %dma_start3A_606] : memref<16384x200x128xf32, #tpu.memory_space<hbm>> -> memref<1x200x64xf32, #tpu.memory_space<hbm>>
      %dma_start3A_608 = tpu.memref_squeeze %dma_start3A_607 : memref<1x200x64xf32, #tpu.memory_space<hbm>> -> memref<200x64xf32, #tpu.memory_space<hbm>>
      %dma_start3A_609 = arith.constant 0 : i32
      %dma_start3A_610 = arith.constant 0 : i32
      %dma_start3A_611 = tpu.memref_slice %arg7[%dma_start3A_593, %dma_start3A_609, %dma_start3A_610] : memref<4x400x64xf32, #tpu.memory_space<vmem>> -> memref<1x200x64xf32, #tpu.memory_space<vmem>>
      %dma_start3A_612 = tpu.memref_squeeze %dma_start3A_611 : memref<1x200x64xf32, #tpu.memory_space<vmem>> -> memref<200x64xf32, #tpu.memory_space<vmem>>
      tpu.enqueue_dma source(%dma_start3A_612 : memref<200x64xf32, #tpu.memory_space<vmem>>) target(%dma_start3A_608 : memref<200x64xf32, #tpu.memory_space<hbm>>) target_semaphore(%dma_start3A_604 : memref<!tpu.dma_semaphore, #tpu.memory_space<semaphore_mem>>)
      %mul3A_613 = arith.constant 2 : i32
      %mul3A_614 = arith.muli %add3A_505, %mul3A_613 : i32
      %add3A_615 = arith.addi %mul3A_2, %mul3A_614 : i32
      %add3A_616 = arith.constant 1 : i32
      %add3A_617 = arith.addi %add3A_615, %add3A_616 : i32
      %dma_start3A_618 = arith.constant 2 : i32
      %dma_start3A_619 = arith.constant 2 : i32
      %dma_start3A_620 = arith.constant 200 : i32
      %dma_start3A_621 = arith.constant 0 : i32
      %dma_start3A_622 = tpu.memref_slice %arg7[%dma_start3A_618, %dma_start3A_620, %dma_start3A_621] : memref<4x400x64xf32, #tpu.memory_space<vmem>> -> memref<1x200x64xf32, #tpu.memory_space<vmem>>
      %dma_start3A_623 = tpu.memref_squeeze %dma_start3A_622 : memref<1x200x64xf32, #tpu.memory_space<vmem>> -> memref<200x64xf32, #tpu.memory_space<vmem>>
      %dma_start3A_624 = arith.constant 0 : i32
      %dma_start3A_625 = arith.constant 0 : i32
      %dma_start3A_626 = tpu.memref_slice %arg5[%add3A_617, %dma_start3A_624, %dma_start3A_625] : memref<16384x200x128xf32, #tpu.memory_space<hbm>> -> memref<1x200x64xf32, #tpu.memory_space<hbm>>
      %dma_start3A_627 = tpu.memref_squeeze %dma_start3A_626 : memref<1x200x64xf32, #tpu.memory_space<hbm>> -> memref<200x64xf32, #tpu.memory_space<hbm>>
      %dma_start3A_628 = tpu.memref_slice %arg10[%dma_start3A_619] : memref<4x!tpu.dma_semaphore, #tpu.memory_space<semaphore_mem>> -> memref<1x!tpu.dma_semaphore, #tpu.memory_space<semaphore_mem>>
      %dma_start3A_629 = tpu.memref_squeeze %dma_start3A_628 : memref<1x!tpu.dma_semaphore, #tpu.memory_space<semaphore_mem>> -> memref<!tpu.dma_semaphore, #tpu.memory_space<semaphore_mem>>
      %dma_start3A_630 = arith.constant 0 : i32
      %dma_start3A_631 = arith.constant 0 : i32
      %dma_start3A_632 = tpu.memref_slice %arg5[%add3A_617, %dma_start3A_630, %dma_start3A_631] : memref<16384x200x128xf32, #tpu.memory_space<hbm>> -> memref<1x200x64xf32, #tpu.memory_space<hbm>>
      %dma_start3A_633 = tpu.memref_squeeze %dma_start3A_632 : memref<1x200x64xf32, #tpu.memory_space<hbm>> -> memref<200x64xf32, #tpu.memory_space<hbm>>
      %dma_start3A_634 = arith.constant 200 : i32
      %dma_start3A_635 = arith.constant 0 : i32
      %dma_start3A_636 = tpu.memref_slice %arg7[%dma_start3A_618, %dma_start3A_634, %dma_start3A_635] : memref<4x400x64xf32, #tpu.memory_space<vmem>> -> memref<1x200x64xf32, #tpu.memory_space<vmem>>
      %dma_start3A_637 = tpu.memref_squeeze %dma_start3A_636 : memref<1x200x64xf32, #tpu.memory_space<vmem>> -> memref<200x64xf32, #tpu.memory_space<vmem>>
      tpu.enqueue_dma source(%dma_start3A_637 : memref<200x64xf32, #tpu.memory_space<vmem>>) target(%dma_start3A_633 : memref<200x64xf32, #tpu.memory_space<hbm>>) target_semaphore(%dma_start3A_629 : memref<!tpu.dma_semaphore, #tpu.memory_space<semaphore_mem>>)
      %mul3A_638 = arith.constant 4 : i32
      %mul3A_639 = arith.muli %scan3A_235, %mul3A_638 : i32
      %add3A_640 = arith.constant 3 : i32
      %add3A_641 = arith.addi %mul3A_639, %add3A_640 : i32
      %add3A_642 = arith.constant 2 : i32
      %add3A_643 = arith.addi %add3A_641, %add3A_642 : i32
      %ge3A_644 = arith.constant 4 : i32
      %ge3A_645 = arith.cmpi sge, %add3A_643, %ge3A_644 : i32
      %lt3A_646 = arith.constant 256 : i32
      %lt3A_647 = arith.cmpi slt, %add3A_643, %lt3A_646 : i32
      %and3A_648 = arith.andi %ge3A_645, %lt3A_647 : i1
      %convert_element_type3A_649 = arith.extui %and3A_648 : i1 to i32
      %cond3A_650 = arith.constant 0 : i32
      %cond3A_651 = arith.cmpi ne, %convert_element_type3A_649, %cond3A_650 : i32
      scf.if %cond3A_651 {
        %sub3A = arith.constant 4 : i32
        %sub3A_774 = arith.subi %add3A_643, %sub3A : i32
        %mul3A_775 = arith.constant 2 : i32
        %mul3A_776 = arith.muli %sub3A_774, %mul3A_775 : i32
        %add3A_777 = arith.addi %mul3A_2, %mul3A_776 : i32
        %add3A_778 = arith.constant 0 : i32
        %add3A_779 = arith.addi %add3A_777, %add3A_778 : i32
        %dma_wait3A_780 = arith.constant 1 : i32
        %dma_wait3A_781 = arith.constant 1 : i32
        %dma_wait3A_782 = arith.constant 0 : i32
        %dma_wait3A_783 = arith.constant 0 : i32
        %dma_wait3A_784 = tpu.memref_slice %arg7[%dma_wait3A_780, %dma_wait3A_782, %dma_wait3A_783] : memref<4x400x64xf32, #tpu.memory_space<vmem>> -> memref<1x200x64xf32, #tpu.memory_space<vmem>>
        %dma_wait3A_785 = tpu.memref_squeeze %dma_wait3A_784 : memref<1x200x64xf32, #tpu.memory_space<vmem>> -> memref<200x64xf32, #tpu.memory_space<vmem>>
        %dma_wait3A_786 = arith.constant 0 : i32
        %dma_wait3A_787 = arith.constant 0 : i32
        %dma_wait3A_788 = tpu.memref_slice %arg5[%add3A_779, %dma_wait3A_786, %dma_wait3A_787] : memref<16384x200x128xf32, #tpu.memory_space<hbm>> -> memref<1x200x64xf32, #tpu.memory_space<hbm>>
        %dma_wait3A_789 = tpu.memref_squeeze %dma_wait3A_788 : memref<1x200x64xf32, #tpu.memory_space<hbm>> -> memref<200x64xf32, #tpu.memory_space<hbm>>
        %dma_wait3A_790 = tpu.memref_slice %arg10[%dma_wait3A_781] : memref<4x!tpu.dma_semaphore, #tpu.memory_space<semaphore_mem>> -> memref<1x!tpu.dma_semaphore, #tpu.memory_space<semaphore_mem>>
        %dma_wait3A_791 = tpu.memref_squeeze %dma_wait3A_790 : memref<1x!tpu.dma_semaphore, #tpu.memory_space<semaphore_mem>> -> memref<!tpu.dma_semaphore, #tpu.memory_space<semaphore_mem>>
        %dma_wait3A_792 = arith.constant 0 : i32
        %dma_wait3A_793 = arith.constant 0 : i32
        %dma_wait3A_794 = tpu.memref_slice %arg5[%add3A_779, %dma_wait3A_792, %dma_wait3A_793] : memref<16384x200x128xf32, #tpu.memory_space<hbm>> -> memref<1x200x64xf32, #tpu.memory_space<hbm>>
        %dma_wait3A_795 = tpu.memref_squeeze %dma_wait3A_794 : memref<1x200x64xf32, #tpu.memory_space<hbm>> -> memref<200x64xf32, #tpu.memory_space<hbm>>
        %dma_wait3A_796 = arith.constant 0 : i32
        %dma_wait3A_797 = arith.constant 0 : i32
        %dma_wait3A_798 = tpu.memref_slice %arg7[%dma_wait3A_780, %dma_wait3A_796, %dma_wait3A_797] : memref<4x400x64xf32, #tpu.memory_space<vmem>> -> memref<1x200x64xf32, #tpu.memory_space<vmem>>
        %dma_wait3A_799 = tpu.memref_squeeze %dma_wait3A_798 : memref<1x200x64xf32, #tpu.memory_space<vmem>> -> memref<200x64xf32, #tpu.memory_space<vmem>>
        tpu.wait_dma2 semaphore(%dma_wait3A_791 : memref<!tpu.dma_semaphore, #tpu.memory_space<semaphore_mem>>) src(%dma_wait3A_799 : memref<200x64xf32, #tpu.memory_space<vmem>>) dst(%dma_wait3A_795 : memref<200x64xf32, #tpu.memory_space<hbm>>)
        %mul3A_800 = arith.constant 2 : i32
        %mul3A_801 = arith.muli %sub3A_774, %mul3A_800 : i32
        %add3A_802 = arith.addi %mul3A_2, %mul3A_801 : i32
        %add3A_803 = arith.constant 1 : i32
        %add3A_804 = arith.addi %add3A_802, %add3A_803 : i32
        %dma_wait3A_805 = arith.constant 1 : i32
        %dma_wait3A_806 = arith.constant 1 : i32
        %dma_wait3A_807 = arith.constant 200 : i32
        %dma_wait3A_808 = arith.constant 0 : i32
        %dma_wait3A_809 = tpu.memref_slice %arg7[%dma_wait3A_805, %dma_wait3A_807, %dma_wait3A_808] : memref<4x400x64xf32, #tpu.memory_space<vmem>> -> memref<1x200x64xf32, #tpu.memory_space<vmem>>
        %dma_wait3A_810 = tpu.memref_squeeze %dma_wait3A_809 : memref<1x200x64xf32, #tpu.memory_space<vmem>> -> memref<200x64xf32, #tpu.memory_space<vmem>>
        %dma_wait3A_811 = arith.constant 0 : i32
        %dma_wait3A_812 = arith.constant 0 : i32
        %dma_wait3A_813 = tpu.memref_slice %arg5[%add3A_804, %dma_wait3A_811, %dma_wait3A_812] : memref<16384x200x128xf32, #tpu.memory_space<hbm>> -> memref<1x200x64xf32, #tpu.memory_space<hbm>>
        %dma_wait3A_814 = tpu.memref_squeeze %dma_wait3A_813 : memref<1x200x64xf32, #tpu.memory_space<hbm>> -> memref<200x64xf32, #tpu.memory_space<hbm>>
        %dma_wait3A_815 = tpu.memref_slice %arg10[%dma_wait3A_806] : memref<4x!tpu.dma_semaphore, #tpu.memory_space<semaphore_mem>> -> memref<1x!tpu.dma_semaphore, #tpu.memory_space<semaphore_mem>>
        %dma_wait3A_816 = tpu.memref_squeeze %dma_wait3A_815 : memref<1x!tpu.dma_semaphore, #tpu.memory_space<semaphore_mem>> -> memref<!tpu.dma_semaphore, #tpu.memory_space<semaphore_mem>>
        %dma_wait3A_817 = arith.constant 0 : i32
        %dma_wait3A_818 = arith.constant 0 : i32
        %dma_wait3A_819 = tpu.memref_slice %arg5[%add3A_804, %dma_wait3A_817, %dma_wait3A_818] : memref<16384x200x128xf32, #tpu.memory_space<hbm>> -> memref<1x200x64xf32, #tpu.memory_space<hbm>>
        %dma_wait3A_820 = tpu.memref_squeeze %dma_wait3A_819 : memref<1x200x64xf32, #tpu.memory_space<hbm>> -> memref<200x64xf32, #tpu.memory_space<hbm>>
        %dma_wait3A_821 = arith.constant 200 : i32
        %dma_wait3A_822 = arith.constant 0 : i32
        %dma_wait3A_823 = tpu.memref_slice %arg7[%dma_wait3A_805, %dma_wait3A_821, %dma_wait3A_822] : memref<4x400x64xf32, #tpu.memory_space<vmem>> -> memref<1x200x64xf32, #tpu.memory_space<vmem>>
        %dma_wait3A_824 = tpu.memref_squeeze %dma_wait3A_823 : memref<1x200x64xf32, #tpu.memory_space<vmem>> -> memref<200x64xf32, #tpu.memory_space<vmem>>
        tpu.wait_dma2 semaphore(%dma_wait3A_816 : memref<!tpu.dma_semaphore, #tpu.memory_space<semaphore_mem>>) src(%dma_wait3A_824 : memref<200x64xf32, #tpu.memory_space<vmem>>) dst(%dma_wait3A_820 : memref<200x64xf32, #tpu.memory_space<hbm>>)
      } else {
      }
      %lt3A_652 = arith.constant 256 : i32
      %lt3A_653 = arith.cmpi slt, %add3A_643, %lt3A_652 : i32
      %convert_element_type3A_654 = arith.extui %lt3A_653 : i1 to i32
      %cond3A_655 = arith.constant 0 : i32
      %cond3A_656 = arith.cmpi ne, %convert_element_type3A_654, %cond3A_655 : i32
      scf.if %cond3A_656 {
        %mul3A_774 = arith.constant 2 : i32
        %mul3A_775 = arith.muli %add3A_643, %mul3A_774 : i32
        %add3A_776 = arith.addi %mul3A_2, %mul3A_775 : i32
        %run_scoped3A_777 = arith.constant 1 : i32
        "tpu.region"() ({
          %run_scoped3A_842 = tpu.sem_alloc : memref<!tpu.dma_semaphore, #tpu.memory_space<semaphore_mem>>
          %dma_start3A_843 = arith.constant 0 : i32
          %dma_start3A_844 = arith.constant 0 : i32
          %dma_start3A_845 = tpu.memref_slice %arg6[%run_scoped3A_777, %dma_start3A_843, %dma_start3A_844] : memref<4x2x200xi32, #tpu.memory_space<vmem>> -> memref<1x2x200xi32, #tpu.memory_space<vmem>>
          %dma_start3A_846 = tpu.memref_squeeze %dma_start3A_845 : memref<1x2x200xi32, #tpu.memory_space<vmem>> -> memref<2x200xi32, #tpu.memory_space<vmem>>
          %dma_start3A_847 = arith.constant 0 : i32
          %dma_start3A_848 = tpu.memref_slice %arg2[%add3A_776, %dma_start3A_847] : memref<16384x200xi32, #tpu.memory_space<hbm>> -> memref<2x200xi32, #tpu.memory_space<hbm>>
          %dma_start3A_849 = arith.constant 0 : i32
          %dma_start3A_850 = arith.constant 0 : i32
          %dma_start3A_851 = tpu.memref_slice %arg6[%run_scoped3A_777, %dma_start3A_849, %dma_start3A_850] : memref<4x2x200xi32, #tpu.memory_space<vmem>> -> memref<1x2x200xi32, #tpu.memory_space<vmem>>
          %dma_start3A_852 = tpu.memref_squeeze %dma_start3A_851 : memref<1x2x200xi32, #tpu.memory_space<vmem>> -> memref<2x200xi32, #tpu.memory_space<vmem>>
          %dma_start3A_853 = arith.constant 0 : i32
          %dma_start3A_854 = tpu.memref_slice %arg2[%add3A_776, %dma_start3A_853] : memref<16384x200xi32, #tpu.memory_space<hbm>> -> memref<2x200xi32, #tpu.memory_space<hbm>>
          tpu.enqueue_dma source(%dma_start3A_854 : memref<2x200xi32, #tpu.memory_space<hbm>>) target(%dma_start3A_852 : memref<2x200xi32, #tpu.memory_space<vmem>>) target_semaphore(%run_scoped3A_842 : memref<!tpu.dma_semaphore, #tpu.memory_space<semaphore_mem>>)
          %dma_wait3A_855 = arith.constant 0 : i32
          %dma_wait3A_856 = arith.constant 0 : i32
          %dma_wait3A_857 = tpu.memref_slice %arg6[%run_scoped3A_777, %dma_wait3A_855, %dma_wait3A_856] : memref<4x2x200xi32, #tpu.memory_space<vmem>> -> memref<1x2x200xi32, #tpu.memory_space<vmem>>
          %dma_wait3A_858 = tpu.memref_squeeze %dma_wait3A_857 : memref<1x2x200xi32, #tpu.memory_space<vmem>> -> memref<2x200xi32, #tpu.memory_space<vmem>>
          %dma_wait3A_859 = arith.constant 0 : i32
          %dma_wait3A_860 = tpu.memref_slice %arg2[%add3A_776, %dma_wait3A_859] : memref<16384x200xi32, #tpu.memory_space<hbm>> -> memref<2x200xi32, #tpu.memory_space<hbm>>
          %dma_wait3A_861 = arith.constant 0 : i32
          %dma_wait3A_862 = arith.constant 0 : i32
          %dma_wait3A_863 = tpu.memref_slice %arg6[%run_scoped3A_777, %dma_wait3A_861, %dma_wait3A_862] : memref<4x2x200xi32, #tpu.memory_space<vmem>> -> memref<1x2x200xi32, #tpu.memory_space<vmem>>
          %dma_wait3A_864 = tpu.memref_squeeze %dma_wait3A_863 : memref<1x2x200xi32, #tpu.memory_space<vmem>> -> memref<2x200xi32, #tpu.memory_space<vmem>>
          %dma_wait3A_865 = arith.constant 0 : i32
          %dma_wait3A_866 = tpu.memref_slice %arg2[%add3A_776, %dma_wait3A_865] : memref<16384x200xi32, #tpu.memory_space<hbm>> -> memref<2x200xi32, #tpu.memory_space<hbm>>
          tpu.wait_dma2 semaphore(%run_scoped3A_842 : memref<!tpu.dma_semaphore, #tpu.memory_space<semaphore_mem>>) src(%dma_wait3A_866 : memref<2x200xi32, #tpu.memory_space<hbm>>) dst(%dma_wait3A_864 : memref<2x200xi32, #tpu.memory_space<vmem>>)
          tpu.yield
        }) : () -> ()
        %dma_start3A_778 = arith.constant 1 : i32
        %dma_start3A_779 = arith.constant 0 : i32
        %dma_start3A_780 = arith.constant 1 : i32
        %dma_start3A_781 = arith.constant 1 : i32
        %dma_start3A_782 = arith.constant 0 : i32
        %dma_start3A_783 = arith.constant 0 : i32
        %dma_start3A_784 = tpu.memref_slice %arg7[%dma_start3A_780, %dma_start3A_782, %dma_start3A_783] : memref<4x400x64xf32, #tpu.memory_space<vmem>> -> memref<1x104x64xf32, #tpu.memory_space<vmem>>
        %dma_start3A_785 = tpu.memref_squeeze %dma_start3A_784 : memref<1x104x64xf32, #tpu.memory_space<vmem>> -> memref<104x64xf32, #tpu.memory_space<vmem>>
        %dma_start3A_786 = arith.constant 0 : i32
        %dma_start3A_787 = tpu.memref_slice %arg6[%dma_start3A_778, %dma_start3A_779, %dma_start3A_786] : memref<4x2x200xi32, #tpu.memory_space<vmem>> -> memref<1x1x104xi32, #tpu.memory_space<vmem>>
        %dma_start3A_788 = tpu.memref_squeeze %dma_start3A_787 : memref<1x1x104xi32, #tpu.memory_space<vmem>> -> memref<104xi32, #tpu.memory_space<vmem>>
        %dma_start3A_789 = arith.constant 0 : i32
        %dma_start3A_790 = arith.constant 0 : i32
        %dma_start3A_791 = tpu.memref_slice %arg3[%dma_start3A_789, %dma_start3A_790] : memref<100000x64xf32, #tpu.memory_space<hbm>> -> memref<100000x64xf32, #tpu.memory_space<hbm>>
        %dma_start3A_792 = tpu.memref_slice %arg9[%dma_start3A_781] : memref<4x!tpu.dma_semaphore, #tpu.memory_space<semaphore_mem>> -> memref<1x!tpu.dma_semaphore, #tpu.memory_space<semaphore_mem>>
        %dma_start3A_793 = tpu.memref_squeeze %dma_start3A_792 : memref<1x!tpu.dma_semaphore, #tpu.memory_space<semaphore_mem>> -> memref<!tpu.dma_semaphore, #tpu.memory_space<semaphore_mem>>
        tpu.enqueue_indirect_dma source(%dma_start3A_791 : memref<100000x64xf32, #tpu.memory_space<hbm>>) target(%dma_start3A_785 : memref<104x64xf32, #tpu.memory_space<vmem>>) offsets(%dma_start3A_788 : memref<104xi32, #tpu.memory_space<vmem>>) semaphore(%dma_start3A_793 : memref<!tpu.dma_semaphore, #tpu.memory_space<semaphore_mem>>)
        %dma_start3A_794 = arith.constant 1 : i32
        %dma_start3A_795 = arith.constant 0 : i32
        %dma_start3A_796 = arith.constant 1 : i32
        %dma_start3A_797 = arith.constant 1 : i32
        %dma_start3A_798 = arith.constant 96 : i32
        %dma_start3A_799 = arith.constant 0 : i32
        %dma_start3A_800 = tpu.memref_slice %arg7[%dma_start3A_796, %dma_start3A_798, %dma_start3A_799] : memref<4x400x64xf32, #tpu.memory_space<vmem>> -> memref<1x104x64xf32, #tpu.memory_space<vmem>>
        %dma_start3A_801 = tpu.memref_squeeze %dma_start3A_800 : memref<1x104x64xf32, #tpu.memory_space<vmem>> -> memref<104x64xf32, #tpu.memory_space<vmem>>
        %dma_start3A_802 = arith.constant 96 : i32
        %dma_start3A_803 = tpu.memref_slice %arg6[%dma_start3A_794, %dma_start3A_795, %dma_start3A_802] : memref<4x2x200xi32, #tpu.memory_space<vmem>> -> memref<1x1x104xi32, #tpu.memory_space<vmem>>
        %dma_start3A_804 = tpu.memref_squeeze %dma_start3A_803 : memref<1x1x104xi32, #tpu.memory_space<vmem>> -> memref<104xi32, #tpu.memory_space<vmem>>
        %dma_start3A_805 = arith.constant 0 : i32
        %dma_start3A_806 = arith.constant 0 : i32
        %dma_start3A_807 = tpu.memref_slice %arg3[%dma_start3A_805, %dma_start3A_806] : memref<100000x64xf32, #tpu.memory_space<hbm>> -> memref<100000x64xf32, #tpu.memory_space<hbm>>
        %dma_start3A_808 = tpu.memref_slice %arg9[%dma_start3A_797] : memref<4x!tpu.dma_semaphore, #tpu.memory_space<semaphore_mem>> -> memref<1x!tpu.dma_semaphore, #tpu.memory_space<semaphore_mem>>
        %dma_start3A_809 = tpu.memref_squeeze %dma_start3A_808 : memref<1x!tpu.dma_semaphore, #tpu.memory_space<semaphore_mem>> -> memref<!tpu.dma_semaphore, #tpu.memory_space<semaphore_mem>>
        tpu.enqueue_indirect_dma source(%dma_start3A_807 : memref<100000x64xf32, #tpu.memory_space<hbm>>) target(%dma_start3A_801 : memref<104x64xf32, #tpu.memory_space<vmem>>) offsets(%dma_start3A_804 : memref<104xi32, #tpu.memory_space<vmem>>) semaphore(%dma_start3A_809 : memref<!tpu.dma_semaphore, #tpu.memory_space<semaphore_mem>>)
        %dma_start3A_810 = arith.constant 1 : i32
        %dma_start3A_811 = arith.constant 1 : i32
        %dma_start3A_812 = arith.constant 1 : i32
        %dma_start3A_813 = arith.constant 1 : i32
        %dma_start3A_814 = arith.constant 200 : i32
        %dma_start3A_815 = arith.constant 0 : i32
        %dma_start3A_816 = tpu.memref_slice %arg7[%dma_start3A_812, %dma_start3A_814, %dma_start3A_815] : memref<4x400x64xf32, #tpu.memory_space<vmem>> -> memref<1x104x64xf32, #tpu.memory_space<vmem>>
        %dma_start3A_817 = tpu.memref_squeeze %dma_start3A_816 : memref<1x104x64xf32, #tpu.memory_space<vmem>> -> memref<104x64xf32, #tpu.memory_space<vmem>>
        %dma_start3A_818 = arith.constant 0 : i32
        %dma_start3A_819 = tpu.memref_slice %arg6[%dma_start3A_810, %dma_start3A_811, %dma_start3A_818] : memref<4x2x200xi32, #tpu.memory_space<vmem>> -> memref<1x1x104xi32, #tpu.memory_space<vmem>>
        %dma_start3A_820 = tpu.memref_squeeze %dma_start3A_819 : memref<1x1x104xi32, #tpu.memory_space<vmem>> -> memref<104xi32, #tpu.memory_space<vmem>>
        %dma_start3A_821 = arith.constant 0 : i32
        %dma_start3A_822 = arith.constant 0 : i32
        %dma_start3A_823 = tpu.memref_slice %arg3[%dma_start3A_821, %dma_start3A_822] : memref<100000x64xf32, #tpu.memory_space<hbm>> -> memref<100000x64xf32, #tpu.memory_space<hbm>>
        %dma_start3A_824 = tpu.memref_slice %arg9[%dma_start3A_813] : memref<4x!tpu.dma_semaphore, #tpu.memory_space<semaphore_mem>> -> memref<1x!tpu.dma_semaphore, #tpu.memory_space<semaphore_mem>>
        %dma_start3A_825 = tpu.memref_squeeze %dma_start3A_824 : memref<1x!tpu.dma_semaphore, #tpu.memory_space<semaphore_mem>> -> memref<!tpu.dma_semaphore, #tpu.memory_space<semaphore_mem>>
        tpu.enqueue_indirect_dma source(%dma_start3A_823 : memref<100000x64xf32, #tpu.memory_space<hbm>>) target(%dma_start3A_817 : memref<104x64xf32, #tpu.memory_space<vmem>>) offsets(%dma_start3A_820 : memref<104xi32, #tpu.memory_space<vmem>>) semaphore(%dma_start3A_825 : memref<!tpu.dma_semaphore, #tpu.memory_space<semaphore_mem>>)
        %dma_start3A_826 = arith.constant 1 : i32
        %dma_start3A_827 = arith.constant 1 : i32
        %dma_start3A_828 = arith.constant 1 : i32
        %dma_start3A_829 = arith.constant 1 : i32
        %dma_start3A_830 = arith.constant 296 : i32
        %dma_start3A_831 = arith.constant 0 : i32
        %dma_start3A_832 = tpu.memref_slice %arg7[%dma_start3A_828, %dma_start3A_830, %dma_start3A_831] : memref<4x400x64xf32, #tpu.memory_space<vmem>> -> memref<1x104x64xf32, #tpu.memory_space<vmem>>
        %dma_start3A_833 = tpu.memref_squeeze %dma_start3A_832 : memref<1x104x64xf32, #tpu.memory_space<vmem>> -> memref<104x64xf32, #tpu.memory_space<vmem>>
        %dma_start3A_834 = arith.constant 96 : i32
        %dma_start3A_835 = tpu.memref_slice %arg6[%dma_start3A_826, %dma_start3A_827, %dma_start3A_834] : memref<4x2x200xi32, #tpu.memory_space<vmem>> -> memref<1x1x104xi32, #tpu.memory_space<vmem>>
        %dma_start3A_836 = tpu.memref_squeeze %dma_start3A_835 : memref<1x1x104xi32, #tpu.memory_space<vmem>> -> memref<104xi32, #tpu.memory_space<vmem>>
        %dma_start3A_837 = arith.constant 0 : i32
        %dma_start3A_838 = arith.constant 0 : i32
        %dma_start3A_839 = tpu.memref_slice %arg3[%dma_start3A_837, %dma_start3A_838] : memref<100000x64xf32, #tpu.memory_space<hbm>> -> memref<100000x64xf32, #tpu.memory_space<hbm>>
        %dma_start3A_840 = tpu.memref_slice %arg9[%dma_start3A_829] : memref<4x!tpu.dma_semaphore, #tpu.memory_space<semaphore_mem>> -> memref<1x!tpu.dma_semaphore, #tpu.memory_space<semaphore_mem>>
        %dma_start3A_841 = tpu.memref_squeeze %dma_start3A_840 : memref<1x!tpu.dma_semaphore, #tpu.memory_space<semaphore_mem>> -> memref<!tpu.dma_semaphore, #tpu.memory_space<semaphore_mem>>
        tpu.enqueue_indirect_dma source(%dma_start3A_839 : memref<100000x64xf32, #tpu.memory_space<hbm>>) target(%dma_start3A_833 : memref<104x64xf32, #tpu.memory_space<vmem>>) offsets(%dma_start3A_836 : memref<104xi32, #tpu.memory_space<vmem>>) semaphore(%dma_start3A_841 : memref<!tpu.dma_semaphore, #tpu.memory_space<semaphore_mem>>)
      } else {
      }
      %dma_wait3A_657 = arith.constant 3 : i32
      %dma_wait3A_658 = arith.constant 0 : i32
      %dma_wait3A_659 = arith.constant 3 : i32
      %dma_wait3A_660 = arith.constant 3 : i32
      %dma_wait3A_661 = arith.constant 0 : i32
      %dma_wait3A_662 = arith.constant 0 : i32
      %dma_wait3A_663 = tpu.memref_slice %arg7[%dma_wait3A_659, %dma_wait3A_661, %dma_wait3A_662] : memref<4x400x64xf32, #tpu.memory_space<vmem>> -> memref<1x104x64xf32, #tpu.memory_space<vmem>>
      %dma_wait3A_664 = tpu.memref_squeeze %dma_wait3A_663 : memref<1x104x64xf32, #tpu.memory_space<vmem>> -> memref<104x64xf32, #tpu.memory_space<vmem>>
      %dma_wait3A_665 = arith.constant 0 : i32
      %dma_wait3A_666 = tpu.memref_slice %arg6[%dma_wait3A_657, %dma_wait3A_658, %dma_wait3A_665] : memref<4x2x200xi32, #tpu.memory_space<vmem>> -> memref<1x1x104xi32, #tpu.memory_space<vmem>>
      %dma_wait3A_667 = tpu.memref_squeeze %dma_wait3A_666 : memref<1x1x104xi32, #tpu.memory_space<vmem>> -> memref<104xi32, #tpu.memory_space<vmem>>
      %dma_wait3A_668 = arith.constant 0 : i32
      %dma_wait3A_669 = arith.constant 0 : i32
      %dma_wait3A_670 = tpu.memref_slice %arg3[%dma_wait3A_668, %dma_wait3A_669] : memref<100000x64xf32, #tpu.memory_space<hbm>> -> memref<100000x64xf32, #tpu.memory_space<hbm>>
      %dma_wait3A_671 = tpu.memref_slice %arg9[%dma_wait3A_660] : memref<4x!tpu.dma_semaphore, #tpu.memory_space<semaphore_mem>> -> memref<1x!tpu.dma_semaphore, #tpu.memory_space<semaphore_mem>>
      %dma_wait3A_672 = tpu.memref_squeeze %dma_wait3A_671 : memref<1x!tpu.dma_semaphore, #tpu.memory_space<semaphore_mem>> -> memref<!tpu.dma_semaphore, #tpu.memory_space<semaphore_mem>>
      tpu.wait_indirect_dma semaphore(%dma_wait3A_672 : memref<!tpu.dma_semaphore, #tpu.memory_space<semaphore_mem>>) src(%dma_wait3A_670 : memref<100000x64xf32, #tpu.memory_space<hbm>>) dst(%dma_wait3A_664 : memref<104x64xf32, #tpu.memory_space<vmem>>)
      %dma_wait3A_673 = arith.constant 3 : i32
      %dma_wait3A_674 = arith.constant 0 : i32
      %dma_wait3A_675 = arith.constant 3 : i32
      %dma_wait3A_676 = arith.constant 3 : i32
      %dma_wait3A_677 = arith.constant 96 : i32
      %dma_wait3A_678 = arith.constant 0 : i32
      %dma_wait3A_679 = tpu.memref_slice %arg7[%dma_wait3A_675, %dma_wait3A_677, %dma_wait3A_678] : memref<4x400x64xf32, #tpu.memory_space<vmem>> -> memref<1x104x64xf32, #tpu.memory_space<vmem>>
      %dma_wait3A_680 = tpu.memref_squeeze %dma_wait3A_679 : memref<1x104x64xf32, #tpu.memory_space<vmem>> -> memref<104x64xf32, #tpu.memory_space<vmem>>
      %dma_wait3A_681 = arith.constant 96 : i32
      %dma_wait3A_682 = tpu.memref_slice %arg6[%dma_wait3A_673, %dma_wait3A_674, %dma_wait3A_681] : memref<4x2x200xi32, #tpu.memory_space<vmem>> -> memref<1x1x104xi32, #tpu.memory_space<vmem>>
      %dma_wait3A_683 = tpu.memref_squeeze %dma_wait3A_682 : memref<1x1x104xi32, #tpu.memory_space<vmem>> -> memref<104xi32, #tpu.memory_space<vmem>>
      %dma_wait3A_684 = arith.constant 0 : i32
      %dma_wait3A_685 = arith.constant 0 : i32
      %dma_wait3A_686 = tpu.memref_slice %arg3[%dma_wait3A_684, %dma_wait3A_685] : memref<100000x64xf32, #tpu.memory_space<hbm>> -> memref<100000x64xf32, #tpu.memory_space<hbm>>
      %dma_wait3A_687 = tpu.memref_slice %arg9[%dma_wait3A_676] : memref<4x!tpu.dma_semaphore, #tpu.memory_space<semaphore_mem>> -> memref<1x!tpu.dma_semaphore, #tpu.memory_space<semaphore_mem>>
      %dma_wait3A_688 = tpu.memref_squeeze %dma_wait3A_687 : memref<1x!tpu.dma_semaphore, #tpu.memory_space<semaphore_mem>> -> memref<!tpu.dma_semaphore, #tpu.memory_space<semaphore_mem>>
      tpu.wait_indirect_dma semaphore(%dma_wait3A_688 : memref<!tpu.dma_semaphore, #tpu.memory_space<semaphore_mem>>) src(%dma_wait3A_686 : memref<100000x64xf32, #tpu.memory_space<hbm>>) dst(%dma_wait3A_680 : memref<104x64xf32, #tpu.memory_space<vmem>>)
      %dma_wait3A_689 = arith.constant 3 : i32
      %dma_wait3A_690 = arith.constant 1 : i32
      %dma_wait3A_691 = arith.constant 3 : i32
      %dma_wait3A_692 = arith.constant 3 : i32
      %dma_wait3A_693 = arith.constant 200 : i32
      %dma_wait3A_694 = arith.constant 0 : i32
      %dma_wait3A_695 = tpu.memref_slice %arg7[%dma_wait3A_691, %dma_wait3A_693, %dma_wait3A_694] : memref<4x400x64xf32, #tpu.memory_space<vmem>> -> memref<1x104x64xf32, #tpu.memory_space<vmem>>
      %dma_wait3A_696 = tpu.memref_squeeze %dma_wait3A_695 : memref<1x104x64xf32, #tpu.memory_space<vmem>> -> memref<104x64xf32, #tpu.memory_space<vmem>>
      %dma_wait3A_697 = arith.constant 0 : i32
      %dma_wait3A_698 = tpu.memref_slice %arg6[%dma_wait3A_689, %dma_wait3A_690, %dma_wait3A_697] : memref<4x2x200xi32, #tpu.memory_space<vmem>> -> memref<1x1x104xi32, #tpu.memory_space<vmem>>
      %dma_wait3A_699 = tpu.memref_squeeze %dma_wait3A_698 : memref<1x1x104xi32, #tpu.memory_space<vmem>> -> memref<104xi32, #tpu.memory_space<vmem>>
      %dma_wait3A_700 = arith.constant 0 : i32
      %dma_wait3A_701 = arith.constant 0 : i32
      %dma_wait3A_702 = tpu.memref_slice %arg3[%dma_wait3A_700, %dma_wait3A_701] : memref<100000x64xf32, #tpu.memory_space<hbm>> -> memref<100000x64xf32, #tpu.memory_space<hbm>>
      %dma_wait3A_703 = tpu.memref_slice %arg9[%dma_wait3A_692] : memref<4x!tpu.dma_semaphore, #tpu.memory_space<semaphore_mem>> -> memref<1x!tpu.dma_semaphore, #tpu.memory_space<semaphore_mem>>
      %dma_wait3A_704 = tpu.memref_squeeze %dma_wait3A_703 : memref<1x!tpu.dma_semaphore, #tpu.memory_space<semaphore_mem>> -> memref<!tpu.dma_semaphore, #tpu.memory_space<semaphore_mem>>
      tpu.wait_indirect_dma semaphore(%dma_wait3A_704 : memref<!tpu.dma_semaphore, #tpu.memory_space<semaphore_mem>>) src(%dma_wait3A_702 : memref<100000x64xf32, #tpu.memory_space<hbm>>) dst(%dma_wait3A_696 : memref<104x64xf32, #tpu.memory_space<vmem>>)
      %dma_wait3A_705 = arith.constant 3 : i32
      %dma_wait3A_706 = arith.constant 1 : i32
      %dma_wait3A_707 = arith.constant 3 : i32
      %dma_wait3A_708 = arith.constant 3 : i32
      %dma_wait3A_709 = arith.constant 296 : i32
      %dma_wait3A_710 = arith.constant 0 : i32
      %dma_wait3A_711 = tpu.memref_slice %arg7[%dma_wait3A_707, %dma_wait3A_709, %dma_wait3A_710] : memref<4x400x64xf32, #tpu.memory_space<vmem>> -> memref<1x104x64xf32, #tpu.memory_space<vmem>>
      %dma_wait3A_712 = tpu.memref_squeeze %dma_wait3A_711 : memref<1x104x64xf32, #tpu.memory_space<vmem>> -> memref<104x64xf32, #tpu.memory_space<vmem>>
      %dma_wait3A_713 = arith.constant 96 : i32
      %dma_wait3A_714 = tpu.memref_slice %arg6[%dma_wait3A_705, %dma_wait3A_706, %dma_wait3A_713] : memref<4x2x200xi32, #tpu.memory_space<vmem>> -> memref<1x1x104xi32, #tpu.memory_space<vmem>>
      %dma_wait3A_715 = tpu.memref_squeeze %dma_wait3A_714 : memref<1x1x104xi32, #tpu.memory_space<vmem>> -> memref<104xi32, #tpu.memory_space<vmem>>
      %dma_wait3A_716 = arith.constant 0 : i32
      %dma_wait3A_717 = arith.constant 0 : i32
      %dma_wait3A_718 = tpu.memref_slice %arg3[%dma_wait3A_716, %dma_wait3A_717] : memref<100000x64xf32, #tpu.memory_space<hbm>> -> memref<100000x64xf32, #tpu.memory_space<hbm>>
      %dma_wait3A_719 = tpu.memref_slice %arg9[%dma_wait3A_708] : memref<4x!tpu.dma_semaphore, #tpu.memory_space<semaphore_mem>> -> memref<1x!tpu.dma_semaphore, #tpu.memory_space<semaphore_mem>>
      %dma_wait3A_720 = tpu.memref_squeeze %dma_wait3A_719 : memref<1x!tpu.dma_semaphore, #tpu.memory_space<semaphore_mem>> -> memref<!tpu.dma_semaphore, #tpu.memory_space<semaphore_mem>>
      tpu.wait_indirect_dma semaphore(%dma_wait3A_720 : memref<!tpu.dma_semaphore, #tpu.memory_space<semaphore_mem>>) src(%dma_wait3A_718 : memref<100000x64xf32, #tpu.memory_space<hbm>>) dst(%dma_wait3A_712 : memref<104x64xf32, #tpu.memory_space<vmem>>)
      %parallel_loop3A_721 = arith.constant 0 : i32
      %parallel_loop3A_722 = arith.constant 200 : i32
      %parallel_loop3A_723 = arith.constant 1 : i32
      scf.for %parallel_loop3A_774 = %parallel_loop3A_721 to %parallel_loop3A_722 step %parallel_loop3A_723  : i32 {
        %parallel_loop3A_775 = arith.index_cast %parallel_loop3A_774 : i32 to index
        %parallel_loop3A_776 = arith.constant 0 : index
        %parallel_loop3A_777 = tpu.vector_load %arg8[%parallel_loop3A_775, %parallel_loop3A_776] {strides = array<i32>} : memref<200x64xf32, #tpu.memory_space<vmem>>, vector<1x16xf32>,
        %parallel_loop3A_778 = vector.shape_cast %parallel_loop3A_777 : vector<1x16xf32> to vector<16xf32>
        %parallel_loop3A_779 = arith.constant 0 : i32
        %parallel_loop3A_780 = arith.addi %parallel_loop3A_779, %parallel_loop3A_774 : i32
        %parallel_loop3A_781 = arith.constant 3 : i32
        %parallel_loop3A_782 = arith.index_cast %parallel_loop3A_781 : i32 to index
        %parallel_loop3A_783 = arith.index_cast %parallel_loop3A_780 : i32 to index
        %parallel_loop3A_784 = arith.constant 0 : index
        %parallel_loop3A_785 = tpu.vector_load %arg7[%parallel_loop3A_782, %parallel_loop3A_783, %parallel_loop3A_784] {strides = array<i32>} : memref<4x400x64xf32, #tpu.memory_space<vmem>>, vector<1x1x16xf32>,
        %parallel_loop3A_786 = vector.shape_cast %parallel_loop3A_785 : vector<1x1x16xf32> to vector<16xf32>
        %parallel_loop3A_787 = vector.shape_cast %parallel_loop3A_778 : vector<16xf32> to vector<1x1x16xf32>
        tpu.vector_store %arg7[%parallel_loop3A_782, %parallel_loop3A_783, %parallel_loop3A_784], %parallel_loop3A_787 {add = true, strides = array<i32>} : memref<4x400x64xf32, #tpu.memory_space<vmem>>, vector<1x1x16xf32>,
        %parallel_loop3A_788 = arith.constant 200 : i32
        %parallel_loop3A_789 = arith.addi %parallel_loop3A_788, %parallel_loop3A_774 : i32
        %parallel_loop3A_790 = arith.constant 3 : i32
        %parallel_loop3A_791 = arith.index_cast %parallel_loop3A_790 : i32 to index
        %parallel_loop3A_792 = arith.index_cast %parallel_loop3A_789 : i32 to index
        %parallel_loop3A_793 = arith.constant 0 : index
        %parallel_loop3A_794 = tpu.vector_load %arg7[%parallel_loop3A_791, %parallel_loop3A_792, %parallel_loop3A_793] {strides = array<i32>} : memref<4x400x64xf32, #tpu.memory_space<vmem>>, vector<1x1x16xf32>,
        %parallel_loop3A_795 = vector.shape_cast %parallel_loop3A_794 : vector<1x1x16xf32> to vector<16xf32>
        %parallel_loop3A_796 = vector.shape_cast %parallel_loop3A_778 : vector<16xf32> to vector<1x1x16xf32>
        tpu.vector_store %arg7[%parallel_loop3A_791, %parallel_loop3A_792, %parallel_loop3A_793], %parallel_loop3A_796 {add = true, strides = array<i32>} : memref<4x400x64xf32, #tpu.memory_space<vmem>>, vector<1x1x16xf32>,
        %parallel_loop3A_797 = arith.index_cast %parallel_loop3A_774 : i32 to index
        %parallel_loop3A_798 = arith.constant 16 : index
        %parallel_loop3A_799 = tpu.vector_load %arg8[%parallel_loop3A_797, %parallel_loop3A_798] {strides = array<i32>} : memref<200x64xf32, #tpu.memory_space<vmem>>, vector<1x16xf32>,
        %parallel_loop3A_800 = vector.shape_cast %parallel_loop3A_799 : vector<1x16xf32> to vector<16xf32>
        %parallel_loop3A_801 = arith.constant 0 : i32
        %parallel_loop3A_802 = arith.addi %parallel_loop3A_801, %parallel_loop3A_774 : i32
        %parallel_loop3A_803 = arith.constant 3 : i32
        %parallel_loop3A_804 = arith.index_cast %parallel_loop3A_803 : i32 to index
        %parallel_loop3A_805 = arith.index_cast %parallel_loop3A_802 : i32 to index
        %parallel_loop3A_806 = arith.constant 16 : index
        %parallel_loop3A_807 = tpu.vector_load %arg7[%parallel_loop3A_804, %parallel_loop3A_805, %parallel_loop3A_806] {strides = array<i32>} : memref<4x400x64xf32, #tpu.memory_space<vmem>>, vector<1x1x16xf32>,
        %parallel_loop3A_808 = vector.shape_cast %parallel_loop3A_807 : vector<1x1x16xf32> to vector<16xf32>
        %parallel_loop3A_809 = vector.shape_cast %parallel_loop3A_800 : vector<16xf32> to vector<1x1x16xf32>
        tpu.vector_store %arg7[%parallel_loop3A_804, %parallel_loop3A_805, %parallel_loop3A_806], %parallel_loop3A_809 {add = true, strides = array<i32>} : memref<4x400x64xf32, #tpu.memory_space<vmem>>, vector<1x1x16xf32>,
        %parallel_loop3A_810 = arith.constant 200 : i32
        %parallel_loop3A_811 = arith.addi %parallel_loop3A_810, %parallel_loop3A_774 : i32
        %parallel_loop3A_812 = arith.constant 3 : i32
        %parallel_loop3A_813 = arith.index_cast %parallel_loop3A_812 : i32 to index
        %parallel_loop3A_814 = arith.index_cast %parallel_loop3A_811 : i32 to index
        %parallel_loop3A_815 = arith.constant 16 : index
        %parallel_loop3A_816 = tpu.vector_load %arg7[%parallel_loop3A_813, %parallel_loop3A_814, %parallel_loop3A_815] {strides = array<i32>} : memref<4x400x64xf32, #tpu.memory_space<vmem>>, vector<1x1x16xf32>,
        %parallel_loop3A_817 = vector.shape_cast %parallel_loop3A_816 : vector<1x1x16xf32> to vector<16xf32>
        %parallel_loop3A_818 = vector.shape_cast %parallel_loop3A_800 : vector<16xf32> to vector<1x1x16xf32>
        tpu.vector_store %arg7[%parallel_loop3A_813, %parallel_loop3A_814, %parallel_loop3A_815], %parallel_loop3A_818 {add = true, strides = array<i32>} : memref<4x400x64xf32, #tpu.memory_space<vmem>>, vector<1x1x16xf32>,
        %parallel_loop3A_819 = arith.index_cast %parallel_loop3A_774 : i32 to index
        %parallel_loop3A_820 = arith.constant 32 : index
        %parallel_loop3A_821 = tpu.vector_load %arg8[%parallel_loop3A_819, %parallel_loop3A_820] {strides = array<i32>} : memref<200x64xf32, #tpu.memory_space<vmem>>, vector<1x16xf32>,
        %parallel_loop3A_822 = vector.shape_cast %parallel_loop3A_821 : vector<1x16xf32> to vector<16xf32>
        %parallel_loop3A_823 = arith.constant 0 : i32
        %parallel_loop3A_824 = arith.addi %parallel_loop3A_823, %parallel_loop3A_774 : i32
        %parallel_loop3A_825 = arith.constant 3 : i32
        %parallel_loop3A_826 = arith.index_cast %parallel_loop3A_825 : i32 to index
        %parallel_loop3A_827 = arith.index_cast %parallel_loop3A_824 : i32 to index
        %parallel_loop3A_828 = arith.constant 32 : index
        %parallel_loop3A_829 = tpu.vector_load %arg7[%parallel_loop3A_826, %parallel_loop3A_827, %parallel_loop3A_828] {strides = array<i32>} : memref<4x400x64xf32, #tpu.memory_space<vmem>>, vector<1x1x16xf32>,
        %parallel_loop3A_830 = vector.shape_cast %parallel_loop3A_829 : vector<1x1x16xf32> to vector<16xf32>
        %parallel_loop3A_831 = vector.shape_cast %parallel_loop3A_822 : vector<16xf32> to vector<1x1x16xf32>
        tpu.vector_store %arg7[%parallel_loop3A_826, %parallel_loop3A_827, %parallel_loop3A_828], %parallel_loop3A_831 {add = true, strides = array<i32>} : memref<4x400x64xf32, #tpu.memory_space<vmem>>, vector<1x1x16xf32>,
        %parallel_loop3A_832 = arith.constant 200 : i32
        %parallel_loop3A_833 = arith.addi %parallel_loop3A_832, %parallel_loop3A_774 : i32
        %parallel_loop3A_834 = arith.constant 3 : i32
        %parallel_loop3A_835 = arith.index_cast %parallel_loop3A_834 : i32 to index
        %parallel_loop3A_836 = arith.index_cast %parallel_loop3A_833 : i32 to index
        %parallel_loop3A_837 = arith.constant 32 : index
        %parallel_loop3A_838 = tpu.vector_load %arg7[%parallel_loop3A_835, %parallel_loop3A_836, %parallel_loop3A_837] {strides = array<i32>} : memref<4x400x64xf32, #tpu.memory_space<vmem>>, vector<1x1x16xf32>,
        %parallel_loop3A_839 = vector.shape_cast %parallel_loop3A_838 : vector<1x1x16xf32> to vector<16xf32>
        %parallel_loop3A_840 = vector.shape_cast %parallel_loop3A_822 : vector<16xf32> to vector<1x1x16xf32>
        tpu.vector_store %arg7[%parallel_loop3A_835, %parallel_loop3A_836, %parallel_loop3A_837], %parallel_loop3A_840 {add = true, strides = array<i32>} : memref<4x400x64xf32, #tpu.memory_space<vmem>>, vector<1x1x16xf32>,
        %parallel_loop3A_841 = arith.index_cast %parallel_loop3A_774 : i32 to index
        %parallel_loop3A_842 = arith.constant 48 : index
        %parallel_loop3A_843 = tpu.vector_load %arg8[%parallel_loop3A_841, %parallel_loop3A_842] {strides = array<i32>} : memref<200x64xf32, #tpu.memory_space<vmem>>, vector<1x16xf32>,
        %parallel_loop3A_844 = vector.shape_cast %parallel_loop3A_843 : vector<1x16xf32> to vector<16xf32>
        %parallel_loop3A_845 = arith.constant 0 : i32
        %parallel_loop3A_846 = arith.addi %parallel_loop3A_845, %parallel_loop3A_774 : i32
        %parallel_loop3A_847 = arith.constant 3 : i32
        %parallel_loop3A_848 = arith.index_cast %parallel_loop3A_847 : i32 to index
        %parallel_loop3A_849 = arith.index_cast %parallel_loop3A_846 : i32 to index
        %parallel_loop3A_850 = arith.constant 48 : index
        %parallel_loop3A_851 = tpu.vector_load %arg7[%parallel_loop3A_848, %parallel_loop3A_849, %parallel_loop3A_850] {strides = array<i32>} : memref<4x400x64xf32, #tpu.memory_space<vmem>>, vector<1x1x16xf32>,
        %parallel_loop3A_852 = vector.shape_cast %parallel_loop3A_851 : vector<1x1x16xf32> to vector<16xf32>
        %parallel_loop3A_853 = vector.shape_cast %parallel_loop3A_844 : vector<16xf32> to vector<1x1x16xf32>
        tpu.vector_store %arg7[%parallel_loop3A_848, %parallel_loop3A_849, %parallel_loop3A_850], %parallel_loop3A_853 {add = true, strides = array<i32>} : memref<4x400x64xf32, #tpu.memory_space<vmem>>, vector<1x1x16xf32>,
        %parallel_loop3A_854 = arith.constant 200 : i32
        %parallel_loop3A_855 = arith.addi %parallel_loop3A_854, %parallel_loop3A_774 : i32
        %parallel_loop3A_856 = arith.constant 3 : i32
        %parallel_loop3A_857 = arith.index_cast %parallel_loop3A_856 : i32 to index
        %parallel_loop3A_858 = arith.index_cast %parallel_loop3A_855 : i32 to index
        %parallel_loop3A_859 = arith.constant 48 : index
        %parallel_loop3A_860 = tpu.vector_load %arg7[%parallel_loop3A_857, %parallel_loop3A_858, %parallel_loop3A_859] {strides = array<i32>} : memref<4x400x64xf32, #tpu.memory_space<vmem>>, vector<1x1x16xf32>,
        %parallel_loop3A_861 = vector.shape_cast %parallel_loop3A_860 : vector<1x1x16xf32> to vector<16xf32>
        %parallel_loop3A_862 = vector.shape_cast %parallel_loop3A_844 : vector<16xf32> to vector<1x1x16xf32>
        tpu.vector_store %arg7[%parallel_loop3A_857, %parallel_loop3A_858, %parallel_loop3A_859], %parallel_loop3A_862 {add = true, strides = array<i32>} : memref<4x400x64xf32, #tpu.memory_space<vmem>>, vector<1x1x16xf32>,
      } {sc.loop_unroll_factor = 2 : i64, sc.parallel_access}
      %mul3A_724 = arith.constant 2 : i32
      %mul3A_725 = arith.muli %add3A_641, %mul3A_724 : i32
      %add3A_726 = arith.addi %mul3A_2, %mul3A_725 : i32
      %add3A_727 = arith.constant 0 : i32
      %add3A_728 = arith.addi %add3A_726, %add3A_727 : i32
      %dma_start3A_729 = arith.constant 3 : i32
      %dma_start3A_730 = arith.constant 3 : i32
      %dma_start3A_731 = arith.constant 0 : i32
      %dma_start3A_732 = arith.constant 0 : i32
      %dma_start3A_733 = tpu.memref_slice %arg7[%dma_start3A_729, %dma_start3A_731, %dma_start3A_732] : memref<4x400x64xf32, #tpu.memory_space<vmem>> -> memref<1x200x64xf32, #tpu.memory_space<vmem>>
      %dma_start3A_734 = tpu.memref_squeeze %dma_start3A_733 : memref<1x200x64xf32, #tpu.memory_space<vmem>> -> memref<200x64xf32, #tpu.memory_space<vmem>>
      %dma_start3A_735 = arith.constant 0 : i32
      %dma_start3A_736 = arith.constant 0 : i32
      %dma_start3A_737 = tpu.memref_slice %arg5[%add3A_728, %dma_start3A_735, %dma_start3A_736] : memref<16384x200x128xf32, #tpu.memory_space<hbm>> -> memref<1x200x64xf32, #tpu.memory_space<hbm>>
      %dma_start3A_738 = tpu.memref_squeeze %dma_start3A_737 : memref<1x200x64xf32, #tpu.memory_space<hbm>> -> memref<200x64xf32, #tpu.memory_space<hbm>>
      %dma_start3A_739 = tpu.memref_slice %arg10[%dma_start3A_730] : memref<4x!tpu.dma_semaphore, #tpu.memory_space<semaphore_mem>> -> memref<1x!tpu.dma_semaphore, #tpu.memory_space<semaphore_mem>>
      %dma_start3A_740 = tpu.memref_squeeze %dma_start3A_739 : memref<1x!tpu.dma_semaphore, #tpu.memory_space<semaphore_mem>> -> memref<!tpu.dma_semaphore, #tpu.memory_space<semaphore_mem>>
      %dma_start3A_741 = arith.constant 0 : i32
      %dma_start3A_742 = arith.constant 0 : i32
      %dma_start3A_743 = tpu.memref_slice %arg5[%add3A_728, %dma_start3A_741, %dma_start3A_742] : memref<16384x200x128xf32, #tpu.memory_space<hbm>> -> memref<1x200x64xf32, #tpu.memory_space<hbm>>
      %dma_start3A_744 = tpu.memref_squeeze %dma_start3A_743 : memref<1x200x64xf32, #tpu.memory_space<hbm>> -> memref<200x64xf32, #tpu.memory_space<hbm>>
      %dma_start3A_745 = arith.constant 0 : i32
      %dma_start3A_746 = arith.constant 0 : i32
      %dma_start3A_747 = tpu.memref_slice %arg7[%dma_start3A_729, %dma_start3A_745, %dma_start3A_746] : memref<4x400x64xf32, #tpu.memory_space<vmem>> -> memref<1x200x64xf32, #tpu.memory_space<vmem>>
      %dma_start3A_748 = tpu.memref_squeeze %dma_start3A_747 : memref<1x200x64xf32, #tpu.memory_space<vmem>> -> memref<200x64xf32, #tpu.memory_space<vmem>>
      tpu.enqueue_dma source(%dma_start3A_748 : memref<200x64xf32, #tpu.memory_space<vmem>>) target(%dma_start3A_744 : memref<200x64xf32, #tpu.memory_space<hbm>>) target_semaphore(%dma_start3A_740 : memref<!tpu.dma_semaphore, #tpu.memory_space<semaphore_mem>>)
      %mul3A_749 = arith.constant 2 : i32
      %mul3A_750 = arith.muli %add3A_641, %mul3A_749 : i32
      %add3A_751 = arith.addi %mul3A_2, %mul3A_750 : i32
      %add3A_752 = arith.constant 1 : i32
      %add3A_753 = arith.addi %add3A_751, %add3A_752 : i32
      %dma_start3A_754 = arith.constant 3 : i32
      %dma_start3A_755 = arith.constant 3 : i32
      %dma_start3A_756 = arith.constant 200 : i32
      %dma_start3A_757 = arith.constant 0 : i32
      %dma_start3A_758 = tpu.memref_slice %arg7[%dma_start3A_754, %dma_start3A_756, %dma_start3A_757] : memref<4x400x64xf32, #tpu.memory_space<vmem>> -> memref<1x200x64xf32, #tpu.memory_space<vmem>>
      %dma_start3A_759 = tpu.memref_squeeze %dma_start3A_758 : memref<1x200x64xf32, #tpu.memory_space<vmem>> -> memref<200x64xf32, #tpu.memory_space<vmem>>
      %dma_start3A_760 = arith.constant 0 : i32
      %dma_start3A_761 = arith.constant 0 : i32
      %dma_start3A_762 = tpu.memref_slice %arg5[%add3A_753, %dma_start3A_760, %dma_start3A_761] : memref<16384x200x128xf32, #tpu.memory_space<hbm>> -> memref<1x200x64xf32, #tpu.memory_space<hbm>>
      %dma_start3A_763 = tpu.memref_squeeze %dma_start3A_762 : memref<1x200x64xf32, #tpu.memory_space<hbm>> -> memref<200x64xf32, #tpu.memory_space<hbm>>
      %dma_start3A_764 = tpu.memref_slice %arg10[%dma_start3A_755] : memref<4x!tpu.dma_semaphore, #tpu.memory_space<semaphore_mem>> -> memref<1x!tpu.dma_semaphore, #tpu.memory_space<semaphore_mem>>
      %dma_start3A_765 = tpu.memref_squeeze %dma_start3A_764 : memref<1x!tpu.dma_semaphore, #tpu.memory_space<semaphore_mem>> -> memref<!tpu.dma_semaphore, #tpu.memory_space<semaphore_mem>>
      %dma_start3A_766 = arith.constant 0 : i32
      %dma_start3A_767 = arith.constant 0 : i32
      %dma_start3A_768 = tpu.memref_slice %arg5[%add3A_753, %dma_start3A_766, %dma_start3A_767] : memref<16384x200x128xf32, #tpu.memory_space<hbm>> -> memref<1x200x64xf32, #tpu.memory_space<hbm>>
      %dma_start3A_769 = tpu.memref_squeeze %dma_start3A_768 : memref<1x200x64xf32, #tpu.memory_space<hbm>> -> memref<200x64xf32, #tpu.memory_space<hbm>>
      %dma_start3A_770 = arith.constant 200 : i32
      %dma_start3A_771 = arith.constant 0 : i32
      %dma_start3A_772 = tpu.memref_slice %arg7[%dma_start3A_754, %dma_start3A_770, %dma_start3A_771] : memref<4x400x64xf32, #tpu.memory_space<vmem>> -> memref<1x200x64xf32, #tpu.memory_space<vmem>>
      %dma_start3A_773 = tpu.memref_squeeze %dma_start3A_772 : memref<1x200x64xf32, #tpu.memory_space<vmem>> -> memref<200x64xf32, #tpu.memory_space<vmem>>
      tpu.enqueue_dma source(%dma_start3A_773 : memref<200x64xf32, #tpu.memory_space<vmem>>) target(%dma_start3A_769 : memref<200x64xf32, #tpu.memory_space<hbm>>) target_semaphore(%dma_start3A_765 : memref<!tpu.dma_semaphore, #tpu.memory_space<semaphore_mem>>)
    }
    %scan3A_139 = arith.constant 64 : i32
    %add3A_140 = arith.constant 508 : i32
    %add3A_141 = arith.addi %mul3A_2, %add3A_140 : i32
    %add3A_142 = arith.constant 0 : i32
    %add3A_143 = arith.addi %add3A_141, %add3A_142 : i32
    %dma_wait3A = arith.constant 2 : i32
    %dma_wait3A_144 = arith.constant 2 : i32
    %dma_wait3A_145 = arith.constant 0 : i32
    %dma_wait3A_146 = arith.constant 0 : i32
    %dma_wait3A_147 = tpu.memref_slice %arg7[%dma_wait3A, %dma_wait3A_145, %dma_wait3A_146] : memref<4x400x64xf32, #tpu.memory_space<vmem>> -> memref<1x200x64xf32, #tpu.memory_space<vmem>>
    %dma_wait3A_148 = tpu.memref_squeeze %dma_wait3A_147 : memref<1x200x64xf32, #tpu.memory_space<vmem>> -> memref<200x64xf32, #tpu.memory_space<vmem>>
    %dma_wait3A_149 = arith.constant 0 : i32
    %dma_wait3A_150 = arith.constant 0 : i32
    %dma_wait3A_151 = tpu.memref_slice %arg5[%add3A_143, %dma_wait3A_149, %dma_wait3A_150] : memref<16384x200x128xf32, #tpu.memory_space<hbm>> -> memref<1x200x64xf32, #tpu.memory_space<hbm>>
    %dma_wait3A_152 = tpu.memref_squeeze %dma_wait3A_151 : memref<1x200x64xf32, #tpu.memory_space<hbm>> -> memref<200x64xf32, #tpu.memory_space<hbm>>
    %dma_wait3A_153 = tpu.memref_slice %arg10[%dma_wait3A_144] : memref<4x!tpu.dma_semaphore, #tpu.memory_space<semaphore_mem>> -> memref<1x!tpu.dma_semaphore, #tpu.memory_space<semaphore_mem>>
    %dma_wait3A_154 = tpu.memref_squeeze %dma_wait3A_153 : memref<1x!tpu.dma_semaphore, #tpu.memory_space<semaphore_mem>> -> memref<!tpu.dma_semaphore, #tpu.memory_space<semaphore_mem>>
    %dma_wait3A_155 = arith.constant 0 : i32
    %dma_wait3A_156 = arith.constant 0 : i32
    %dma_wait3A_157 = tpu.memref_slice %arg5[%add3A_143, %dma_wait3A_155, %dma_wait3A_156] : memref<16384x200x128xf32, #tpu.memory_space<hbm>> -> memref<1x200x64xf32, #tpu.memory_space<hbm>>
    %dma_wait3A_158 = tpu.memref_squeeze %dma_wait3A_157 : memref<1x200x64xf32, #tpu.memory_space<hbm>> -> memref<200x64xf32, #tpu.memory_space<hbm>>
    %dma_wait3A_159 = arith.constant 0 : i32
    %dma_wait3A_160 = arith.constant 0 : i32
    %dma_wait3A_161 = tpu.memref_slice %arg7[%dma_wait3A, %dma_wait3A_159, %dma_wait3A_160] : memref<4x400x64xf32, #tpu.memory_space<vmem>> -> memref<1x200x64xf32, #tpu.memory_space<vmem>>
    %dma_wait3A_162 = tpu.memref_squeeze %dma_wait3A_161 : memref<1x200x64xf32, #tpu.memory_space<vmem>> -> memref<200x64xf32, #tpu.memory_space<vmem>>
    tpu.wait_dma2 semaphore(%dma_wait3A_154 : memref<!tpu.dma_semaphore, #tpu.memory_space<semaphore_mem>>) src(%dma_wait3A_162 : memref<200x64xf32, #tpu.memory_space<vmem>>) dst(%dma_wait3A_158 : memref<200x64xf32, #tpu.memory_space<hbm>>)
    %add3A_163 = arith.constant 508 : i32
    %add3A_164 = arith.addi %mul3A_2, %add3A_163 : i32
    %add3A_165 = arith.constant 1 : i32
    %add3A_166 = arith.addi %add3A_164, %add3A_165 : i32
    %dma_wait3A_167 = arith.constant 2 : i32
    %dma_wait3A_168 = arith.constant 2 : i32
    %dma_wait3A_169 = arith.constant 200 : i32
    %dma_wait3A_170 = arith.constant 0 : i32
    %dma_wait3A_171 = tpu.memref_slice %arg7[%dma_wait3A_167, %dma_wait3A_169, %dma_wait3A_170] : memref<4x400x64xf32, #tpu.memory_space<vmem>> -> memref<1x200x64xf32, #tpu.memory_space<vmem>>
    %dma_wait3A_172 = tpu.memref_squeeze %dma_wait3A_171 : memref<1x200x64xf32, #tpu.memory_space<vmem>> -> memref<200x64xf32, #tpu.memory_space<vmem>>
    %dma_wait3A_173 = arith.constant 0 : i32
    %dma_wait3A_174 = arith.constant 0 : i32
    %dma_wait3A_175 = tpu.memref_slice %arg5[%add3A_166, %dma_wait3A_173, %dma_wait3A_174] : memref<16384x200x128xf32, #tpu.memory_space<hbm>> -> memref<1x200x64xf32, #tpu.memory_space<hbm>>
    %dma_wait3A_176 = tpu.memref_squeeze %dma_wait3A_175 : memref<1x200x64xf32, #tpu.memory_space<hbm>> -> memref<200x64xf32, #tpu.memory_space<hbm>>
    %dma_wait3A_177 = tpu.memref_slice %arg10[%dma_wait3A_168] : memref<4x!tpu.dma_semaphore, #tpu.memory_space<semaphore_mem>> -> memref<1x!tpu.dma_semaphore, #tpu.memory_space<semaphore_mem>>
    %dma_wait3A_178 = tpu.memref_squeeze %dma_wait3A_177 : memref<1x!tpu.dma_semaphore, #tpu.memory_space<semaphore_mem>> -> memref<!tpu.dma_semaphore, #tpu.memory_space<semaphore_mem>>
    %dma_wait3A_179 = arith.constant 0 : i32
    %dma_wait3A_180 = arith.constant 0 : i32
    %dma_wait3A_181 = tpu.memref_slice %arg5[%add3A_166, %dma_wait3A_179, %dma_wait3A_180] : memref<16384x200x128xf32, #tpu.memory_space<hbm>> -> memref<1x200x64xf32, #tpu.memory_space<hbm>>
    %dma_wait3A_182 = tpu.memref_squeeze %dma_wait3A_181 : memref<1x200x64xf32, #tpu.memory_space<hbm>> -> memref<200x64xf32, #tpu.memory_space<hbm>>
    %dma_wait3A_183 = arith.constant 200 : i32
    %dma_wait3A_184 = arith.constant 0 : i32
    %dma_wait3A_185 = tpu.memref_slice %arg7[%dma_wait3A_167, %dma_wait3A_183, %dma_wait3A_184] : memref<4x400x64xf32, #tpu.memory_space<vmem>> -> memref<1x200x64xf32, #tpu.memory_space<vmem>>
    %dma_wait3A_186 = tpu.memref_squeeze %dma_wait3A_185 : memref<1x200x64xf32, #tpu.memory_space<vmem>> -> memref<200x64xf32, #tpu.memory_space<vmem>>
    tpu.wait_dma2 semaphore(%dma_wait3A_178 : memref<!tpu.dma_semaphore, #tpu.memory_space<semaphore_mem>>) src(%dma_wait3A_186 : memref<200x64xf32, #tpu.memory_space<vmem>>) dst(%dma_wait3A_182 : memref<200x64xf32, #tpu.memory_space<hbm>>)
    %add3A_187 = arith.constant 510 : i32
    %add3A_188 = arith.addi %mul3A_2, %add3A_187 : i32
    %add3A_189 = arith.constant 0 : i32
    %add3A_190 = arith.addi %add3A_188, %add3A_189 : i32
    %dma_wait3A_191 = arith.constant 3 : i32
    %dma_wait3A_192 = arith.constant 3 : i32
    %dma_wait3A_193 = arith.constant 0 : i32
    %dma_wait3A_194 = arith.constant 0 : i32
    %dma_wait3A_195 = tpu.memref_slice %arg7[%dma_wait3A_191, %dma_wait3A_193, %dma_wait3A_194] : memref<4x400x64xf32, #tpu.memory_space<vmem>> -> memref<1x200x64xf32, #tpu.memory_space<vmem>>
    %dma_wait3A_196 = tpu.memref_squeeze %dma_wait3A_195 : memref<1x200x64xf32, #tpu.memory_space<vmem>> -> memref<200x64xf32, #tpu.memory_space<vmem>>
    %dma_wait3A_197 = arith.constant 0 : i32
    %dma_wait3A_198 = arith.constant 0 : i32
    %dma_wait3A_199 = tpu.memref_slice %arg5[%add3A_190, %dma_wait3A_197, %dma_wait3A_198] : memref<16384x200x128xf32, #tpu.memory_space<hbm>> -> memref<1x200x64xf32, #tpu.memory_space<hbm>>
    %dma_wait3A_200 = tpu.memref_squeeze %dma_wait3A_199 : memref<1x200x64xf32, #tpu.memory_space<hbm>> -> memref<200x64xf32, #tpu.memory_space<hbm>>
    %dma_wait3A_201 = tpu.memref_slice %arg10[%dma_wait3A_192] : memref<4x!tpu.dma_semaphore, #tpu.memory_space<semaphore_mem>> -> memref<1x!tpu.dma_semaphore, #tpu.memory_space<semaphore_mem>>
    %dma_wait3A_202 = tpu.memref_squeeze %dma_wait3A_201 : memref<1x!tpu.dma_semaphore, #tpu.memory_space<semaphore_mem>> -> memref<!tpu.dma_semaphore, #tpu.memory_space<semaphore_mem>>
    %dma_wait3A_203 = arith.constant 0 : i32
    %dma_wait3A_204 = arith.constant 0 : i32
    %dma_wait3A_205 = tpu.memref_slice %arg5[%add3A_190, %dma_wait3A_203, %dma_wait3A_204] : memref<16384x200x128xf32, #tpu.memory_space<hbm>> -> memref<1x200x64xf32, #tpu.memory_space<hbm>>
    %dma_wait3A_206 = tpu.memref_squeeze %dma_wait3A_205 : memref<1x200x64xf32, #tpu.memory_space<hbm>> -> memref<200x64xf32, #tpu.memory_space<hbm>>
    %dma_wait3A_207 = arith.constant 0 : i32
    %dma_wait3A_208 = arith.constant 0 : i32
    %dma_wait3A_209 = tpu.memref_slice %arg7[%dma_wait3A_191, %dma_wait3A_207, %dma_wait3A_208] : memref<4x400x64xf32, #tpu.memory_space<vmem>> -> memref<1x200x64xf32, #tpu.memory_space<vmem>>
    %dma_wait3A_210 = tpu.memref_squeeze %dma_wait3A_209 : memref<1x200x64xf32, #tpu.memory_space<vmem>> -> memref<200x64xf32, #tpu.memory_space<vmem>>
    tpu.wait_dma2 semaphore(%dma_wait3A_202 : memref<!tpu.dma_semaphore, #tpu.memory_space<semaphore_mem>>) src(%dma_wait3A_210 : memref<200x64xf32, #tpu.memory_space<vmem>>) dst(%dma_wait3A_206 : memref<200x64xf32, #tpu.memory_space<hbm>>)
    %add3A_211 = arith.constant 510 : i32
    %add3A_212 = arith.addi %mul3A_2, %add3A_211 : i32
    %add3A_213 = arith.constant 1 : i32
    %add3A_214 = arith.addi %add3A_212, %add3A_213 : i32
    %dma_wait3A_215 = arith.constant 3 : i32
    %dma_wait3A_216 = arith.constant 3 : i32
    %dma_wait3A_217 = arith.constant 200 : i32
    %dma_wait3A_218 = arith.constant 0 : i32
    %dma_wait3A_219 = tpu.memref_slice %arg7[%dma_wait3A_215, %dma_wait3A_217, %dma_wait3A_218] : memref<4x400x64xf32, #tpu.memory_space<vmem>> -> memref<1x200x64xf32, #tpu.memory_space<vmem>>
    %dma_wait3A_220 = tpu.memref_squeeze %dma_wait3A_219 : memref<1x200x64xf32, #tpu.memory_space<vmem>> -> memref<200x64xf32, #tpu.memory_space<vmem>>
    %dma_wait3A_221 = arith.constant 0 : i32
    %dma_wait3A_222 = arith.constant 0 : i32
    %dma_wait3A_223 = tpu.memref_slice %arg5[%add3A_214, %dma_wait3A_221, %dma_wait3A_222] : memref<16384x200x128xf32, #tpu.memory_space<hbm>> -> memref<1x200x64xf32, #tpu.memory_space<hbm>>
    %dma_wait3A_224 = tpu.memref_squeeze %dma_wait3A_223 : memref<1x200x64xf32, #tpu.memory_space<hbm>> -> memref<200x64xf32, #tpu.memory_space<hbm>>
    %dma_wait3A_225 = tpu.memref_slice %arg10[%dma_wait3A_216] : memref<4x!tpu.dma_semaphore, #tpu.memory_space<semaphore_mem>> -> memref<1x!tpu.dma_semaphore, #tpu.memory_space<semaphore_mem>>
    %dma_wait3A_226 = tpu.memref_squeeze %dma_wait3A_225 : memref<1x!tpu.dma_semaphore, #tpu.memory_space<semaphore_mem>> -> memref<!tpu.dma_semaphore, #tpu.memory_space<semaphore_mem>>
    %dma_wait3A_227 = arith.constant 0 : i32
    %dma_wait3A_228 = arith.constant 0 : i32
    %dma_wait3A_229 = tpu.memref_slice %arg5[%add3A_214, %dma_wait3A_227, %dma_wait3A_228] : memref<16384x200x128xf32, #tpu.memory_space<hbm>> -> memref<1x200x64xf32, #tpu.memory_space<hbm>>
    %dma_wait3A_230 = tpu.memref_squeeze %dma_wait3A_229 : memref<1x200x64xf32, #tpu.memory_space<hbm>> -> memref<200x64xf32, #tpu.memory_space<hbm>>
    %dma_wait3A_231 = arith.constant 200 : i32
    %dma_wait3A_232 = arith.constant 0 : i32
    %dma_wait3A_233 = tpu.memref_slice %arg7[%dma_wait3A_215, %dma_wait3A_231, %dma_wait3A_232] : memref<4x400x64xf32, #tpu.memory_space<vmem>> -> memref<1x200x64xf32, #tpu.memory_space<vmem>>
    %dma_wait3A_234 = tpu.memref_squeeze %dma_wait3A_233 : memref<1x200x64xf32, #tpu.memory_space<vmem>> -> memref<200x64xf32, #tpu.memory_space<vmem>>
    tpu.wait_dma2 semaphore(%dma_wait3A_226 : memref<!tpu.dma_semaphore, #tpu.memory_space<semaphore_mem>>) src(%dma_wait3A_234 : memref<200x64xf32, #tpu.memory_space<vmem>>) dst(%dma_wait3A_230 : memref<200x64xf32, #tpu.memory_space<hbm>>)
    return
  }
}

</mosaic_0001>

<sc_bundles>
// kernel: kernel.3.cloned.1.call-start
scs
__scs_entry_jumppad:
0x0: {  	(pc) =	sbr.rel $0x88, $3  }
0x1: {  	(tag) =	ssettag $0x0;
	lr =	simm.s32 $0x1  }
0x2: {  	[smem:$0x3F9E] =	sst lr;
	_ =	strace $0xD0000000  }
0x3: {  	_ = 	snop  }
0x4: {  	_ = 	snop  }
0x5: {  	_ = 	snop  }
0x6: {  	_ = 	snop  }
0x7: {  	_ = 	snop  }
__scs_overlays_trampoline_lowered:
0x8: {  	[smem:$0x3FAD] =	sst s0  }
0x9: {  	[smem:$0x3FAE] =	sst s1  }
0xa: {  	[smem:$0x3FAF] =	sst s2  }
0xb: {  	[smem:$0x3FB0] =	sst s3  }
0xc: {  	[smem:$0x3FB1] =	sst s4  }
0xd: {  	[smem:$0x3FB2] =	sst s5  }
0xe: {  	[smem:$0x3FB3] =	sst s6  }
0xf: {  	[smem:$0x3FB4] =	sst s7  }
0x10: {  	[smem:$0x3FB5] =	sst s8  }
0x11: {  	[smem:$0x3FB6] =	sst s9;
	s0 =	simm.s32 @!p0 $0x0  }
0x12: {  	s1 =	sld [smem:$0x3F9C];
	s0 =	simm.s32 @p0 $0x1  }
0x13: {  	[smem:$0x3FB7] =	sst s0;
	s0 =	simm.s32 @!p1 $0x0  }
0x14: {  	s2 =	sld [smem:$0x3F9B];
	s0 =	simm.s32 @p1 $0x1  }
0x15: {  	[smem:$0x3FB8] =	sst s0;
	s0 =	simm.s32 @!p2 $0x0  }
0x16: {  	s3 =	sld [smem:$0x3FDB];
	s0 =	simm.s32 @p2 $0x1  }
0x17: {  	s4 =	simm.s32 $0x1BF5;
	[smem:$0x3FBA] =	sst s0  }
0x18: {  	s0 =	sld [smem:$0x3F9D];
	_ =	swait.ge [sflag:s4], $0x0  }
0x19: {  	s7 =	sld [smem:$0x3F9E]  }
0x1a: {  	s8 =	sadd.s32 $0xFFFFE003, lr  }
0x1b: {  	s9 =	sadd.s32 $0xFFFFFEF7, lr;
	s5 =	simm.s32 $0xFFFFFFFF;
	p2 =	slt.u32 s8, $0xFFFFF086  }
0x1c: {  	p1 =	slt.u32 s9, $0xF7A;
	s5 =	simm.s32 @!p2 $0x0  }
0x1d: {  	s5 =	simm.s32 @p1 $0x1;
	p0 =	seq.s32 s7, s2  }
0x1e: {  	s7 =	smul.u32 @!p0 $0xF7A, s2;
	p2 =	seq.s32 @!p0 s5, $0x0  }
0x1f: {  	s9 =	smul.u32 $0xF7A, s1;
	s8 =	simm.s32 @!p0 $0x1BF5;
	p2 =	por !p2, p0  }
0x20: {  	[sflag:s8] =	ssyncset.s32 @!p0 $0xFFFFF086;
	s6 =	sadd.s32 @!p0 s3, s7;
	s7 =	simm.s32 @!p0 $0x108  }
0x21: {  	s3 =	sadd.s32 s3, s9;
	s6 =	sadd.s32 @!p0 $0x88, s6;
	s7 =	simm.s32 @p2 $0x1082  }
0x22: {  	[simem:s7], [sflag:s8] =	dma.local @!p0 [hbm:s6], $0xF7A  }
0x23: {  	s9 =	sor.u32 $0xD0000000, s2;
	s6 =	simm.s32 $0x108;
	_ =	swait.ge @!p0 [sflag:s8], $0x0  }
0x24: {  	s3 =	sadd.s32 $0x88, s3;
	s6 =	simm.s32 @!p1 $0x1082;
	[sflag:s4] =	ssyncset.s32 $0xFFFFF086  }
0x25: {  	[simem:s6], [sflag:s4] =	dma.local [hbm:s3], $0xF7A  }
0x26: {  	[smem:$0x3F9E] =	sst s1;
	(tag) =	ssettag s2;
	_ =	strace s9  }
0x27: {  	s1 =	sld [smem:$0x3FAE]  }
0x28: {  	s2 =	sld [smem:$0x3FAF]  }
0x29: {  	s4 =	sld [smem:$0x3FB1]  }
0x2a: {  	p0 =	seq.s32 s5, $0x0;
	s5 =	sld [smem:$0x3FB2]  }
0x2b: {  	s6 =	sld [smem:$0x3FB3]  }
0x2c: {  	s7 =	sld [smem:$0x3FB4]  }
0x2d: {  	s3 =	simm.s32 $0x108;
	s8 =	sld [smem:$0x3FB5]  }
0x2e: {  	s3 =	simm.s32 @!p0 $0x1082;
	s9 =	sld [smem:$0x3FB6]  }
0x2f: {  	lr =	sadd.s32 s0, s3;
	s0 =	sld [smem:$0x3FAD]  }
0x30: {  	s3 =	sld [smem:$0x3FB0]  }
0x31: {  	[smem:$0x3FB9] =	sst s10  }
0x32: {  	s10 =	sld [smem:$0x3FB7];
	_ =	sdelay $0x3  }
0x33: {  	p0 =	seq.s32 s10, $0x1;
	s10 =	sld [smem:$0x3FB9];
	_ =	sdelay $0x3  }
0x34: {  	[smem:$0x3FB9] =	sst s10  }
0x35: {  	s10 =	sld [smem:$0x3FB8];
	_ =	sdelay $0x3  }
0x36: {  	p1 =	seq.s32 s10, $0x1;
	s10 =	sld [smem:$0x3FB9];
	_ =	sdelay $0x3  }
0x37: {  	[smem:$0x3FB9] =	sst s10  }
0x38: {  	s10 =	sld [smem:$0x3FBA]  }
0x39: {  	_ = 	snop;
	(pc) =	sbr.ind lr, $3  }
0x3a: {  	_ = 	snop  }
0x3b: {  	_ = 	snop  }
0x3c: {  	p2 =	seq.s32 s10, $0x1;
	s10 =	sld [smem:$0x3FB9]  }
0x3d: {  	_ =	shalt  }
0x3e: {  	_ =	shalt  }
0x3f: {  	_ =	shalt  }
0x40: {  	_ =	shalt  }
0x41: {  	_ =	shalt  }
0x42: {  	_ =	shalt  }
0x43: {  	_ =	shalt  }
0x44: {  	_ =	shalt  }
0x45: {  	_ =	shalt  }
0x46: {  	_ =	shalt  }
0x47: {  	_ =	shalt  }
0x48: {  	_ =	shalt  }
0x49: {  	_ =	shalt  }
0x4a: {  	_ =	shalt  }
0x4b: {  	_ =	shalt  }
0x4c: {  	_ =	shalt  }
0x4d: {  	_ =	shalt  }
0x4e: {  	_ =	shalt  }
0x4f: {  	_ =	shalt  }
0x50: {  	_ =	shalt  }
0x51: {  	_ =	shalt  }
0x52: {  	_ =	shalt  }
0x53: {  	_ =	shalt  }
0x54: {  	_ =	shalt  }
0x55: {  	_ =	shalt  }
0x56: {  	_ =	shalt  }
0x57: {  	_ =	shalt  }
0x58: {  	_ =	shalt  }
0x59: {  	_ =	shalt  }
0x5a: {  	_ =	shalt  }
0x5b: {  	_ =	shalt  }
0x5c: {  	_ =	shalt  }
0x5d: {  	_ =	shalt  }
0x5e: {  	_ =	shalt  }
0x5f: {  	_ =	shalt  }
0x60: {  	_ =	shalt  }
0x61: {  	_ =	shalt  }
0x62: {  	_ =	shalt  }
0x63: {  	_ =	shalt  }
0x64: {  	_ =	shalt  }
0x65: {  	_ =	shalt  }
0x66: {  	_ =	shalt  }
0x67: {  	_ =	shalt  }
0x68: {  	_ =	shalt  }
0x69: {  	_ =	shalt  }
0x6a: {  	_ =	shalt  }
0x6b: {  	_ =	shalt  }
0x6c: {  	_ =	shalt  }
0x6d: {  	_ =	shalt  }
0x6e: {  	_ =	shalt  }
0x6f: {  	_ =	shalt  }
0x70: {  	_ =	shalt  }
0x71: {  	_ =	shalt  }
0x72: {  	_ =	shalt  }
0x73: {  	_ =	shalt  }
0x74: {  	_ =	shalt  }
0x75: {  	_ =	shalt  }
0x76: {  	_ =	shalt  }
0x77: {  	_ =	shalt  }
0x78: {  	_ =	shalt  }
0x79: {  	_ =	shalt  }
0x7a: {  	_ =	shalt  }
0x7b: {  	_ =	shalt  }
0x7c: {  	_ =	shalt  }
0x7d: {  	_ =	shalt  }
0x7e: {  	_ =	shalt  }
0x7f: {  	_ =	shalt  }
0x80: {  	_ =	shalt  }
0x81: {  	_ =	shalt  }
0x82: {  	_ =	shalt  }
0x83: {  	_ =	shalt  }
0x84: {  	_ =	shalt  }
0x85: {  	_ =	shalt  }
0x86: {  	_ =	shalt  }
0x87: {  	_ =	shalt  }
.Lfunc_end0:
.L_simem_size_0:
called_computation.1_lowered:
.L_overlay_start_0:
0x88: {  	s2 =	sld [smem:$0x3FD9]  }
0x89: {  	s3 =	sld [smem:$0x3FFE];
	_ =	sdelay $0x1  }
0x8a: {  	s1 =	srdreg.scid  }
0x8b: {  	s0 =	sand.u32 $0x1, s1  }
0x8c: {  	s16 =	sshll.u32 s0, $0xA;
	s2 =	sadd.s32 s3, s2  }
0x8d: {  	s2 =	sadd.s32 s2, s16  }
0x8e: {  	[smem:$0x3FC5] =	sst s2  }
0x8f: {  	_ = 	snop  }
0x90: {  	(tm) =	ssettm $0x1  }
0x91: {  	s17 =	sld [smem:$0x3FFB];
	_ =	sdelay $0x3  }
0x92: {  	_ =	strace s17  }
0x93: {  	s2 =	sld [smem:$0x3FFC];
	_ =	sdelay $0x3  }
0x94: {  	_ =	strace s2  }
0x95: {  	s2 =	sld [smem:$0x3FFD];
	_ =	sdelay $0x3  }
0x96: {  	_ =	strace s2  }
0x97: {  	_ =	strace $0x8FFFFFFF  }
0x98: {  	s18 =	sld [smem:$0x3FDB];
	_ =	sdelay $0x1  }
0x99: {  	s19 =	simm.s32 $_scs_section_size  }
0x9a: {  	s4 =	simm.s32 $_size__tile_overlayer_lowered;
	s5 =	simm.s32 $_tile_overlayer_lowered  }
0x9b: {  	s22 =	simm.s32 $0x1BFF;
	s21 =	sshll.u32 s5, $0x1;
	s2 =	sadd.s32 s19, s18  }
0x9c: {  	s6 =	simm.s32 $0x0;
	s20 =	sshll.u32 s4, $0x1;
	s4 =	sadd.s32 s21, s2  }
0x9d: {  	[timem:s6], [sflag:s22] =	dma.local [hbm:s4], s20  }
0x9e: {  	_ =	swait.ge [sflag:s22], s20  }
0x9f: {  	s3 =	ssub.s32 $0x0, s20;
	[sflag:s22] =	ssyncset.done $0x0  }
0xa0: {  	[sflag:s22] =	ssyncadd.s32 s3;
	_ =	sdelay $0x1  }
0xa1: {  	s23 =	simm.s32 $0x1B8B  }
0xa2: {  	_ =	swait.ge [sflag:s23], $0x1  }
0xa3: {  	[sflag:s23] =	ssyncset.done $0x0  }
0xa4: {  	s25 =	simm.s32 $0x1B8E;
	s24 =	sld [smem:$0x3FFE];
	[sflag:s23] =	ssyncadd.s32 $0xFFFFFFFF  }
0xa5: {  	s26 =	simm.s32 $execute0_lowered;
	[smem:$0x3FD2] =	sst s25  }
0xa6: {  	s4 =	sshll.u32 s26, $0x1;
	_ =	strace $0x80000046;
	[dreg:$0x1] =	wrdreg $0xFFFFFFFF  }
0xa7: {  	s28 =	simm.s32 $_size_execute0_lowered;
	s2 =	sadd.s32 s2, s4;
	[dreg:$0x0] =	wrdreg $0x0  }
0xa8: {  	s4 =	sshll.u32 s28, $0x1;
	[dreg:$0x2] =	wrdreg s2  }
0xa9: {  	[dreg:$0x3] =	wrdreg s4  }
0xaa: {  	[dreg:$0x4] =	wrdreg $0xC0  }
0xab: {  	_ =	task [dreg:s6], $0x5FFFF  }
0xac: {  	[dreg:$0x1] =	wrdreg $0xFFFFFFFF  }
0xad: {  	[dreg:$0x0] =	wrdreg $0x60  }
0xae: {  	[dreg:$0x2] =	wrdreg s24  }
0xaf: {  	[dreg:$0x3] =	wrdreg $0x9  }
0xb0: {  	_ =	task.clear_ibuf [dreg:s6], $0x4FFFF;
	_ =	strace $0x90000046  }
0xb1: {  	s29 =	simm.s32 $0x9;
	_ =	strace $0x80000048  }
0xb2: {  	_ =	swait.ge [sflag:s29], $0x1  }
0xb3: {  	[sflag:s29] =	ssyncadd.s32 $0xFFFFFFFF  }
0xb4: {  	_ =	strace $0x90000048  }
0xb5: {  	_ =	sfence  }
0xb6: {  	s30 =	sld [smem:$0x0];
	_ =	sdelay $0x2  }
0xb7: {  	s31 =	sshll.u32 s1, $0xD;
	s1 =	sshrl.u32 s1, $0x2  }
0xb8: {  	s3 =	sand.u32 $0x4000, s31;
	s1 =	sadd.s32 s1, s30  }
0xb9: {  	s0 =	sor.u32 s3, s0;
	s1 =	sshll.u32 s1, $0x11  }
0xba: {  	s0 =	sor.u32 s1, s0  }
0xbb: {  	s0 =	sadd.s32 $0x8F2B, s0  }
0xbc: {  	[sflag:s0] =	ssyncadd.remote.s32 $0x1  }
0xbd: {  	_ =	sfence.sel $0xFFFF  }
0xbe: {  	[dreg:$0x0] =	wrdreg $0xFFFFFFFF;
	(pc) =	sbr.abs _section_cstart, $3  }
0xbf: {  	[dreg:$0x1] =	wrdreg $0xFFFFFFFF  }
0xc0: {  	_ =	task.clear_ibuf [dreg:s6], $0x2FFFF;
	_ =	strace $0x9FFFFFFF  }
0xc1: {  	(tm) =	ssettm $0x7FFFFFFF  }
tec
execute0_lowered:
.L_overlay_start_1:
0x0: {  	(tag) =	ssettag $0x1  }
0x1: {  	s0 =	rddreg [dreg:$0x0]  }
0x2: {  	s1 =	srdreg.scid;
	s2 =	stileid.u32  }
0x3: {  	s4 =	simm.s32 $0x0;
	s16 =	simm.s32 $0x9;
	s17 =	simm.s32 $0x68  }
0x4: {  	s15 =	simm.s32 $0x320;
	s19 =	simm.s32 $0xCE40;
	s24 =	simm.s32 $0x10040  }
0x5: {  	s30 =	simm.s32 $0x1;
	s9 =	simm.s32 $0x13240;
	s21 =	simm.s32 $0x17C40  }
0x6: {  	s18 =	simm.s32 $0x2;
	s23 =	simm.s32 $0x3;
	s28 =	simm.s32 $0x4  }
0x7: {  	s20 =	simm.s32 $0x0;
	s1 =	sand.u32 $0x1, s1;
	s2 =	sshll.u32 s2, $0xA  }
0x8: {  	[smem:$0x7FF] =	sst s4;
	s4 =	sadd.s32 $0x2800, s0;
	s5 =	sadd.s32 $0x66800, s0  }
0x9: {  	s6 =	sadd.s32 $0x800, s0;
	s8 =	sadd.s32 $0x129E00, s0;
	s3 =	sshll.u32 s1, $0x9  }
0xa: {  	_ =	strace $0x80000047;
	s1 =	ssub.s32 $0x2, s1;
	[dreg:$0x2] =	wrdreg s6  }
0xb: {  	s6 =	simm.s32 $0x4B0;
	s3 =	sor.u32 s3, s2;
	s26 =	sshrl.u32 s1, $0x1  }
0xc: {  	s2 =	smul.u32 $0x19, s3;
	s29 =	ssub.s32 s1, s26;
	s10 =	sor.u32 $0x4, s3  }
0xd: {  	s11 =	sor.u32 $0x6, s3;
	s12 =	sor.u32 $0x8, s3;
	s0 =	smax.u32 s29, $0x1  }
0xe: {  	s13 =	sor.u32 $0xA, s3;
	s2 =	sadd.s32 s4, s2;
	[dreg:$0x5] =	wrdreg s0  }
0xf: {  	s1 =	simm.s32 $0x80;
	[dreg:$0x3] =	wrdreg s2;
	s31 =	sadd.s32 $0x32, s2  }
0x10: {  	s0 =	simm.s32 $0x40;
	s2 =	simm.s32 $0x16440;
	[dreg:$0x4] =	wrdreg s31  }
.LBB2_1:
0x11: {  	[dreg:$0x6] =	wrdreg s20  }
0x12: {  	s7 =	simm.s32 $0x0;
	s14 =	rddreg [dreg:$0x2];
	s26 =	simm.s32 $0x19640  }
0x13: {  	[tilespmem:s26], [sflag:$0x9] =	stream.linear.gather [hbm4b:s14+s7], $0x3200, $0x38;
	[tilespmem:$0x1C840] =	vst v63  }
0x14: {  	_ =	swait.ge [sflag:s16], $0x3200  }
0x15: {  	[sflag:s16] =	ssyncset.done $0x0  }
0x16: {  	s31 =	rddreg [dreg:$0x3];
	[sflag:s16] =	ssyncadd.s32 $0xFFFFCE00  }
0x17: {  	[tilespmem:s7], [sflag:$0x9] =	stream.linear.gather [hbm4b:s31+s7], $0x190, $0x38;
	[tilespmem:$0x1C840] =	vst v63  }
0x18: {  	_ =	swait.ge [sflag:s16], $0x190  }
0x19: {  	[sflag:s16] =	ssyncset.done $0x0  }
0x1a: {  	s20 =	simm.s32 $0x640;
	[sflag:s16] =	ssyncadd.s32 $0xFFFFFE70  }
0x1b: {  	[tilespmem:s20], [sflag:$0x1] =	stream.indirect.gather [hbm4b:s5+s17], $0x40, s7, s17, $0xb8;
	[tilespmem:$0x1C840] =	vst v63  }
0x1c: {  	s22 =	simm.s32 $0x60;
	s25 =	simm.s32 $0x1E40  }
0x1d: {  	[tilespmem:s25], [sflag:$0x1] =	stream.indirect.gather [hbm4b:s5+s17], $0x40, s22, s17, $0xb8;
	[tilespmem:$0x1C840] =	vst v63  }
0x1e: {  	s26 =	simm.s32 $0xC8;
	s31 =	simm.s32 $0x3840  }
0x1f: {  	[tilespmem:s31], [sflag:$0x1] =	stream.indirect.gather [hbm4b:s5+s17], $0x40, s26, s17, $0xb8;
	[tilespmem:$0x1C840] =	vst v63  }
0x20: {  	s20 =	simm.s32 $0x128;
	s22 =	simm.s32 $0x5040  }
0x21: {  	[tilespmem:s22], [sflag:$0x1] =	stream.indirect.gather [hbm4b:s5+s17], $0x40, s20, s17, $0xb8;
	[tilespmem:$0x1C840] =	vst v63  }
0x22: {  	s25 =	rddreg [dreg:$0x4];
	s26 =	simm.s32 $0x190  }
0x23: {  	[tilespmem:s26], [sflag:$0x9] =	stream.linear.gather [hbm4b:s25+s7], $0x190, $0x38;
	[tilespmem:$0x1C840] =	vst v63  }
0x24: {  	_ =	swait.ge [sflag:s16], $0x190  }
0x25: {  	[sflag:s16] =	ssyncset.done $0x0  }
0x26: {  	s31 =	simm.s32 $0x6A40;
	[sflag:s16] =	ssyncadd.s32 $0xFFFFFE70  }
0x27: {  	[tilespmem:s31], [sflag:$0x2] =	stream.indirect.gather [hbm4b:s5+s17], $0x40, s26, s17, $0xb8;
	[tilespmem:$0x1C840] =	vst v63  }
0x28: {  	s14 =	simm.s32 $0x1F0;
	s20 =	simm.s32 $0x8240  }
0x29: {  	[tilespmem:s20], [sflag:$0x2] =	stream.indirect.gather [hbm4b:s5+s17], $0x40, s14, s17, $0xb8;
	[tilespmem:$0x1C840] =	vst v63  }
0x2a: {  	s22 =	simm.s32 $0x258;
	s25 =	simm.s32 $0x9C40  }
0x2b: {  	[tilespmem:s25], [sflag:$0x2] =	stream.indirect.gather [hbm4b:s5+s17], $0x40, s22, s17, $0xb8;
	[tilespmem:$0x1C840] =	vst v63  }
0x2c: {  	s29 =	simm.s32 $0x0;
	s26 =	simm.s32 $0x2B8;
	s31 =	simm.s32 $0xB440  }
0x2d: {  	[tilespmem:s31], [sflag:$0x2] =	stream.indirect.gather [hbm4b:s5+s17], $0x40, s26, s17, $0xb8;
	[tilespmem:$0x1C840] =	vst v63  }
.LBB2_2:
0x2e: {  	s7 =	sshll.u32 s29, $0x2  }
0x2f: {  	s7 =	sadd.s32 $0xFFFFFFFC, s7  }
0x30: {  	p0 =	sgt.u32 s7, $0xFB  }
0x31: {  	s7 =	simm.s32 @!p0 $0x7  }
0x32: {  	_ =	swait.ge @!p0 [sflag:s7], $0x3200  }
0x33: {  	s22 =	sshll.u32 s29, $0x3;
	[sflag:s7] =	ssyncset.done @!p0 $0x0  }
0x34: {  	s14 =	sadd.s32 s10, s22;
	[sflag:s7] =	ssyncadd.s32 @!p0 $0xFFFFCE00  }
0x35: {  	s20 =	smul.u32 $0x19, s14;
	_ =	swait.ge @!p0 [sflag:s7], $0x3200  }
0x36: {  	[sflag:s7] =	ssyncset.done @!p0 $0x0  }
0x37: {  	s25 =	simm.s32 $0x0;
	s20 =	sadd.s32 s4, s20;
	[sflag:s7] =	ssyncadd.s32 @!p0 $0xFFFFCE00  }
0x38: {  	[tilespmem:s15], [sflag:$0x9] =	stream.linear.gather [hbm4b:s20+s25], $0x190, $0x38;
	[tilespmem:$0x1C840] =	vst v63  }
0x39: {  	_ =	swait.ge [sflag:s16], $0x190  }
0x3a: {  	[sflag:s16] =	ssyncset.done $0x0  }
0x3b: {  	[sflag:s16] =	ssyncadd.s32 $0xFFFFFE70  }
0x3c: {  	[tilespmem:s19], [sflag:$0x3] =	stream.indirect.gather [hbm4b:s5+s17], $0x40, s15, s17, $0xb8;
	[tilespmem:$0x1C840] =	vst v63  }
0x3d: {  	s26 =	simm.s32 $0x380;
	s31 =	simm.s32 $0xE640  }
0x3e: {  	[tilespmem:s31], [sflag:$0x3] =	stream.indirect.gather [hbm4b:s5+s17], $0x40, s26, s17, $0xb8;
	[tilespmem:$0x1C840] =	vst v63  }
0x3f: {  	s25 =	simm.s32 $0x3E8  }
0x40: {  	[tilespmem:s24], [sflag:$0x3] =	stream.indirect.gather [hbm4b:s5+s17], $0x40, s25, s17, $0xb8;
	[tilespmem:$0x1C840] =	vst v63  }
0x41: {  	s26 =	simm.s32 $0x448;
	s31 =	simm.s32 $0x11840  }
0x42: {  	[tilespmem:s31], [sflag:$0x3] =	stream.indirect.gather [hbm4b:s5+s17], $0x40, s26, s17, $0xb8;
	[tilespmem:$0x1C840] =	vst v63  }
0x43: {  	_ =	swait.ge [sflag:s30], $0x1A00  }
0x44: {  	[sflag:s30] =	ssyncset.done $0x0  }
0x45: {  	[sflag:s30] =	ssyncadd.s32 $0xFFFFE600  }
0x46: {  	_ =	swait.ge [sflag:s30], $0x1A00  }
0x47: {  	[sflag:s30] =	ssyncset.done $0x0  }
0x48: {  	[sflag:s30] =	ssyncadd.s32 $0xFFFFE600  }
0x49: {  	_ =	swait.ge [sflag:s30], $0x1A00  }
0x4a: {  	[sflag:s30] =	ssyncset.done $0x0  }
0x4b: {  	[sflag:s30] =	ssyncadd.s32 $0xFFFFE600  }
0x4c: {  	_ =	swait.ge [sflag:s30], $0x1A00  }
0x4d: {  	[sflag:s30] =	ssyncset.done $0x0  }
0x4e: {  	s26 =	simm.s32 $0x0;
	[sflag:s30] =	ssyncadd.s32 $0xFFFFE600  }
0x4f: {  	v0 =	vld [tilespmem:s26+$0x196B0]  }
0x50: {  	v1 =	vld [tilespmem:s26+$0x19640]  }
0x51: {  	v2 =	vld [tilespmem:s26+$0x19650]  }
0x52: {  	v3 =	vld [tilespmem:s26+$0x19660]  }
0x53: {  	v4 =	vld [tilespmem:s26+$0x19670]  }
0x54: {  	v5 =	vld [tilespmem:s26+$0x19680]  }
0x55: {  	v6 =	vld [tilespmem:s26+$0x19690]  }
0x56: {  	v7 =	vld [tilespmem:s26+$0x196A0]  }
0x57: {  	[tilespmem:s26+$0x38B0] =	vst.add.f32.msk $0xffff, v0  }
0x58: {  	[tilespmem:s26+$0x640] =	vst.add.f32.msk $0xffff, v1  }
0x59: {  	[tilespmem:s26+$0x3840] =	vst.add.f32.msk $0xffff, v1  }
0x5a: {  	[tilespmem:s26+$0x650] =	vst.add.f32.msk $0xffff, v2  }
0x5b: {  	[tilespmem:s26+$0x3850] =	vst.add.f32.msk $0xffff, v2  }
0x5c: {  	[tilespmem:s26+$0x660] =	vst.add.f32.msk $0xffff, v3  }
0x5d: {  	[tilespmem:s26+$0x3860] =	vst.add.f32.msk $0xffff, v3  }
0x5e: {  	[tilespmem:s26+$0x670] =	vst.add.f32.msk $0xffff, v4  }
0x5f: {  	[tilespmem:s26+$0x3870] =	vst.add.f32.msk $0xffff, v4  }
0x60: {  	[tilespmem:s26+$0x680] =	vst.add.f32.msk $0xffff, v5  }
0x61: {  	[tilespmem:s26+$0x3880] =	vst.add.f32.msk $0xffff, v5  }
0x62: {  	[tilespmem:s26+$0x690] =	vst.add.f32.msk $0xffff, v6  }
0x63: {  	[tilespmem:s26+$0x3890] =	vst.add.f32.msk $0xffff, v6  }
0x64: {  	[tilespmem:s26+$0x6A0] =	vst.add.f32.msk $0xffff, v7  }
0x65: {  	s7 =	simm.s32 $0x0;
	s25 =	simm.s32 $0x200;
	[tilespmem:s26+$0x38A0] =	vst.add.f32.msk $0xffff, v7  }
.LBB2_3:
0x66: {  	s7 =	sadd.s32 $0x2, s7;
	[tilespmem:s26+$0x6B0] =	vst.add.f32.msk $0xffff, v0;
	s26 =	sshra.s32 s25, $0x2  }
0x67: {  	v0 =	vld [tilespmem:s26+$0x196B0];
	p0 =	slt.u32 s7, $0xC6  }
0x68: {  	v1 =	vld [tilespmem:s26+$0x19640]  }
0x69: {  	v2 =	vld [tilespmem:s26+$0x19650]  }
0x6a: {  	v3 =	vld [tilespmem:s26+$0x19660]  }
0x6b: {  	v4 =	vld [tilespmem:s26+$0x19670]  }
0x6c: {  	[tilespmem:s26+$0x38B0] =	vst.add.f32.msk $0xffff, v0  }
0x6d: {  	v5 =	vld [tilespmem:s26+$0x19680]  }
0x6e: {  	v6 =	vld [tilespmem:s26+$0x19690]  }
0x6f: {  	v7 =	vld [tilespmem:s26+$0x196A0]  }
0x70: {  	[tilespmem:s26+$0x640] =	vst.add.f32.msk $0xffff, v1  }
0x71: {  	[tilespmem:s26+$0x3840] =	vst.add.f32.msk $0xffff, v1  }
0x72: {  	[tilespmem:s26+$0x650] =	vst.add.f32.msk $0xffff, v2  }
0x73: {  	[tilespmem:s26+$0x3850] =	vst.add.f32.msk $0xffff, v2  }
0x74: {  	[tilespmem:s26+$0x660] =	vst.add.f32.msk $0xffff, v3  }
0x75: {  	[tilespmem:s26+$0x3860] =	vst.add.f32.msk $0xffff, v3  }
0x76: {  	[tilespmem:s26+$0x670] =	vst.add.f32.msk $0xffff, v4  }
0x77: {  	[tilespmem:s26+$0x3870] =	vst.add.f32.msk $0xffff, v4  }
0x78: {  	[tilespmem:s26+$0x680] =	vst.add.f32.msk $0xffff, v5  }
.Ltmp0:
0x79: {  	[tilespmem:s26+$0x3880] =	vst.add.f32.msk $0xffff, v5;
	(pc) =	sbr.rel @p0 .LBB2_3-.Ltmp0, $4  }
0x7a: {  	[tilespmem:s26+$0x690] =	vst.add.f32.msk $0xffff, v6  }
0x7b: {  	[tilespmem:s26+$0x3890] =	vst.add.f32.msk $0xffff, v6  }
0x7c: {  	[tilespmem:s26+$0x6A0] =	vst.add.f32.msk $0xffff, v7  }
0x7d: {  	s25 =	sadd.s32 $0x200, s25;
	[tilespmem:s26+$0x38A0] =	vst.add.f32.msk $0xffff, v7  }
0x7e: {  	s25 =	sor.u32 s3, s22  }
0x7f: {  	s7 =	smul.u32 $0xC80, s25  }
0x80: {  	s20 =	smul.u32 $0x6400, s25;
	_ =	sdelay $0x1  }
0x81: {  	[tilespmem:s26+$0x6B0] =	vst.add.f32.msk $0xffff, v0;
	s26 =	simm.s32 $0x640;
	s7 =	sadd.s32 s8, s7;
	s20 =	sshrl.u32 s20, $0x3  }
0x82: {  	[hbm4b:s7+s0] =	stream.strided.scatter [tilespmem:s26], [sflag:$0x5], $0x3200, s1, s0, $0x38;
	[tilespmem:$0x1C840] =	vst v63  }
0x83: {  	s7 =	sadd.s32 s8, s20  }
0x84: {  	p0 =	seq.s32 s29, $0x0;
	s26 =	simm.s32 $0x3840;
	s7 =	sadd.s32 $0xC80, s7  }
0x85: {  	[hbm4b:s7+s0] =	stream.strided.scatter [tilespmem:s26], [sflag:$0x5], $0x3200, s1, s0, $0x38;
	[tilespmem:$0x1C840] =	vst v63  }
0x86: {  	s7 =	simm.s32 @!p0 $0x8  }
0x87: {  	_ =	swait.ge @!p0 [sflag:s7], $0x3200  }
0x88: {  	[sflag:s7] =	ssyncset.done @!p0 $0x0  }
0x89: {  	s26 =	sadd.s32 s11, s22;
	[sflag:s7] =	ssyncadd.s32 @!p0 $0xFFFFCE00  }
0x8a: {  	s20 =	smul.u32 $0x19, s26;
	_ =	swait.ge @!p0 [sflag:s7], $0x3200  }
0x8b: {  	[sflag:s7] =	ssyncset.done @!p0 $0x0  }
0x8c: {  	[sflag:s7] =	ssyncadd.s32 @!p0 $0xFFFFCE00;
	s7 =	sadd.s32 s4, s20;
	s20 =	simm.s32 $0x0  }
0x8d: {  	[tilespmem:s6], [sflag:$0x9] =	stream.linear.gather [hbm4b:s7+s20], $0x190, $0x38;
	[tilespmem:$0x1C840] =	vst v63  }
0x8e: {  	_ =	swait.ge [sflag:s16], $0x190  }
0x8f: {  	[sflag:s16] =	ssyncset.done $0x0  }
0x90: {  	[sflag:s16] =	ssyncadd.s32 $0xFFFFFE70  }
0x91: {  	[tilespmem:s9], [sflag:$0x4] =	stream.indirect.gather [hbm4b:s5+s17], $0x40, s6, s17, $0xb8;
	[tilespmem:$0x1C840] =	vst v63  }
0x92: {  	s7 =	simm.s32 $0x510;
	s20 =	simm.s32 $0x14A40  }
0x93: {  	[tilespmem:s20], [sflag:$0x4] =	stream.indirect.gather [hbm4b:s5+s17], $0x40, s7, s17, $0xb8;
	[tilespmem:$0x1C840] =	vst v63  }
0x94: {  	s20 =	simm.s32 $0x578  }
0x95: {  	[tilespmem:s2], [sflag:$0x4] =	stream.indirect.gather [hbm4b:s5+s17], $0x40, s20, s17, $0xb8;
	[tilespmem:$0x1C840] =	vst v63  }
0x96: {  	s20 =	simm.s32 $0x5D8  }
0x97: {  	[tilespmem:s21], [sflag:$0x4] =	stream.indirect.gather [hbm4b:s5+s17], $0x40, s20, s17, $0xb8;
	[tilespmem:$0x1C840] =	vst v63  }
0x98: {  	_ =	swait.ge [sflag:s18], $0x1A00  }
0x99: {  	[sflag:s18] =	ssyncset.done $0x0  }
0x9a: {  	[sflag:s18] =	ssyncadd.s32 $0xFFFFE600  }
0x9b: {  	_ =	swait.ge [sflag:s18], $0x1A00  }
0x9c: {  	[sflag:s18] =	ssyncset.done $0x0  }
0x9d: {  	[sflag:s18] =	ssyncadd.s32 $0xFFFFE600  }
0x9e: {  	_ =	swait.ge [sflag:s18], $0x1A00  }
0x9f: {  	[sflag:s18] =	ssyncset.done $0x0  }
0xa0: {  	[sflag:s18] =	ssyncadd.s32 $0xFFFFE600  }
0xa1: {  	_ =	swait.ge [sflag:s18], $0x1A00  }
0xa2: {  	[sflag:s18] =	ssyncset.done $0x0  }
0xa3: {  	s7 =	simm.s32 $0x0;
	[sflag:s18] =	ssyncadd.s32 $0xFFFFE600  }
0xa4: {  	v0 =	vld [tilespmem:s7+$0x196B0]  }
0xa5: {  	v1 =	vld [tilespmem:s7+$0x19640]  }
0xa6: {  	v2 =	vld [tilespmem:s7+$0x19650]  }
0xa7: {  	v3 =	vld [tilespmem:s7+$0x19660]  }
0xa8: {  	v4 =	vld [tilespmem:s7+$0x19670]  }
0xa9: {  	v5 =	vld [tilespmem:s7+$0x19680]  }
0xaa: {  	v6 =	vld [tilespmem:s7+$0x19690]  }
0xab: {  	v7 =	vld [tilespmem:s7+$0x196A0]  }
0xac: {  	[tilespmem:s7+$0x9CB0] =	vst.add.f32.msk $0xffff, v0  }
0xad: {  	[tilespmem:s7+$0x6A40] =	vst.add.f32.msk $0xffff, v1  }
0xae: {  	[tilespmem:s7+$0x9C40] =	vst.add.f32.msk $0xffff, v1  }
0xaf: {  	[tilespmem:s7+$0x6A50] =	vst.add.f32.msk $0xffff, v2  }
0xb0: {  	[tilespmem:s7+$0x9C50] =	vst.add.f32.msk $0xffff, v2  }
0xb1: {  	[tilespmem:s7+$0x6A60] =	vst.add.f32.msk $0xffff, v3  }
0xb2: {  	[tilespmem:s7+$0x9C60] =	vst.add.f32.msk $0xffff, v3  }
0xb3: {  	[tilespmem:s7+$0x6A70] =	vst.add.f32.msk $0xffff, v4  }
0xb4: {  	[tilespmem:s7+$0x9C70] =	vst.add.f32.msk $0xffff, v4  }
0xb5: {  	[tilespmem:s7+$0x6A80] =	vst.add.f32.msk $0xffff, v5  }
0xb6: {  	[tilespmem:s7+$0x9C80] =	vst.add.f32.msk $0xffff, v5  }
0xb7: {  	[tilespmem:s7+$0x6A90] =	vst.add.f32.msk $0xffff, v6  }
0xb8: {  	[tilespmem:s7+$0x9C90] =	vst.add.f32.msk $0xffff, v6  }
0xb9: {  	[tilespmem:s7+$0x6AA0] =	vst.add.f32.msk $0xffff, v7  }
0xba: {  	s31 =	simm.s32 $0x0;
	s20 =	simm.s32 $0x200;
	[tilespmem:s7+$0x9CA0] =	vst.add.f32.msk $0xffff, v7  }
.LBB2_5:
0xbb: {  	s31 =	sadd.s32 $0x2, s31;
	[tilespmem:s7+$0x6AB0] =	vst.add.f32.msk $0xffff, v0;
	s7 =	sshra.s32 s20, $0x2  }
0xbc: {  	v0 =	vld [tilespmem:s7+$0x196B0];
	p0 =	slt.u32 s31, $0xC6  }
0xbd: {  	v1 =	vld [tilespmem:s7+$0x19640]  }
0xbe: {  	v2 =	vld [tilespmem:s7+$0x19650]  }
0xbf: {  	v3 =	vld [tilespmem:s7+$0x19660]  }
0xc0: {  	v4 =	vld [tilespmem:s7+$0x19670]  }
0xc1: {  	[tilespmem:s7+$0x9CB0] =	vst.add.f32.msk $0xffff, v0  }
0xc2: {  	v5 =	vld [tilespmem:s7+$0x19680]  }
0xc3: {  	v6 =	vld [tilespmem:s7+$0x19690]  }
0xc4: {  	v7 =	vld [tilespmem:s7+$0x196A0]  }
0xc5: {  	[tilespmem:s7+$0x6A40] =	vst.add.f32.msk $0xffff, v1  }
0xc6: {  	[tilespmem:s7+$0x9C40] =	vst.add.f32.msk $0xffff, v1  }
0xc7: {  	[tilespmem:s7+$0x6A50] =	vst.add.f32.msk $0xffff, v2  }
0xc8: {  	[tilespmem:s7+$0x9C50] =	vst.add.f32.msk $0xffff, v2  }
0xc9: {  	[tilespmem:s7+$0x6A60] =	vst.add.f32.msk $0xffff, v3  }
0xca: {  	[tilespmem:s7+$0x9C60] =	vst.add.f32.msk $0xffff, v3  }
0xcb: {  	[tilespmem:s7+$0x6A70] =	vst.add.f32.msk $0xffff, v4  }
0xcc: {  	[tilespmem:s7+$0x9C70] =	vst.add.f32.msk $0xffff, v4  }
0xcd: {  	[tilespmem:s7+$0x6A80] =	vst.add.f32.msk $0xffff, v5  }
.Ltmp1:
0xce: {  	[tilespmem:s7+$0x9C80] =	vst.add.f32.msk $0xffff, v5;
	(pc) =	sbr.rel @p0 .LBB2_5-.Ltmp1, $4  }
0xcf: {  	[tilespmem:s7+$0x6A90] =	vst.add.f32.msk $0xffff, v6  }
0xd0: {  	[tilespmem:s7+$0x9C90] =	vst.add.f32.msk $0xffff, v6  }
0xd1: {  	[tilespmem:s7+$0x6AA0] =	vst.add.f32.msk $0xffff, v7  }
0xd2: {  	s20 =	sadd.s32 $0x200, s20;
	[tilespmem:s7+$0x9CA0] =	vst.add.f32.msk $0xffff, v7  }
0xd3: {  	s20 =	sor.u32 $0x2, s25  }
0xd4: {  	s25 =	smul.u32 $0xC80, s20;
	_ =	sdelay $0x1  }
0xd5: {  	[tilespmem:s7+$0x6AB0] =	vst.add.f32.msk $0xffff, v0;
	s31 =	simm.s32 $0x6A40;
	s20 =	smul.u32 $0x6400, s20;
	s25 =	sadd.s32 s8, s25  }
0xd6: {  	[hbm4b:s25+s0] =	stream.strided.scatter [tilespmem:s31], [sflag:$0x6], $0x3200, s1, s0, $0x38;
	[tilespmem:$0x1C840] =	vst v63  }
0xd7: {  	s25 =	sshrl.u32 s20, $0x3  }
0xd8: {  	s7 =	sadd.s32 s8, s25  }
0xd9: {  	p0 =	seq.s32 s29, $0x3F;
	s31 =	simm.s32 $0x9C40;
	s7 =	sadd.s32 $0xC80, s7  }
0xda: {  	[hbm4b:s7+s0] =	stream.strided.scatter [tilespmem:s31], [sflag:$0x6], $0x3200, s1, s0, $0x38;
	[tilespmem:$0x1C840] =	vst v63  }
0xdb: {  	s7 =	simm.s32 @!p0 $0x5  }
0xdc: {  	_ =	swait.ge @!p0 [sflag:s7], $0x3200  }
0xdd: {  	[sflag:s7] =	ssyncset.done @!p0 $0x0  }
0xde: {  	s20 =	sadd.s32 @!p0 s22, s12;
	[sflag:s7] =	ssyncadd.s32 @!p0 $0xFFFFCE00  }
0xdf: {  	s20 =	smul.u32 @!p0 $0x19, s20;
	_ =	swait.ge @!p0 [sflag:s7], $0x3200  }
0xe0: {  	[sflag:s7] =	ssyncset.done @!p0 $0x0  }
0xe1: {  	[sflag:s7] =	ssyncadd.s32 @!p0 $0xFFFFCE00;
	s7 =	sadd.s32 @!p0 s4, s20;
	s20 =	simm.s32 @!p0 $0x0  }
0xe2: {  	[tilespmem:s20], [sflag:$0x9] =	stream.linear.gather @!p0 [hbm4b:s7+s20], $0x190, $0x38;
	[tilespmem:$0x1C840] =	vst v63  }
0xe3: {  	s7 =	simm.s32 @!p0 $0x9  }
0xe4: {  	_ =	swait.ge @!p0 [sflag:s7], $0x190  }
0xe5: {  	[sflag:s7] =	ssyncset.done @!p0 $0x0  }
0xe6: {  	s25 =	simm.s32 @!p0 $0x640;
	[sflag:s7] =	ssyncadd.s32 @!p0 $0xFFFFFE70;
	s7 =	simm.s32 @!p0 $0x68  }
0xe7: {  	[tilespmem:s25], [sflag:$0x1] =	stream.indirect.gather @!p0 [hbm4b:s5+s7], $0x40, s20, s7, $0xb8;
	[tilespmem:$0x1C840] =	vst v63  }
0xe8: {  	s20 =	simm.s32 @!p0 $0x60;
	s25 =	simm.s32 @!p0 $0x1E40  }
0xe9: {  	[tilespmem:s25], [sflag:$0x1] =	stream.indirect.gather @!p0 [hbm4b:s5+s7], $0x40, s20, s7, $0xb8;
	[tilespmem:$0x1C840] =	vst v63  }
0xea: {  	s20 =	simm.s32 @!p0 $0xC8;
	s25 =	simm.s32 @!p0 $0x3840  }
0xeb: {  	[tilespmem:s25], [sflag:$0x1] =	stream.indirect.gather @!p0 [hbm4b:s5+s7], $0x40, s20, s7, $0xb8;
	[tilespmem:$0x1C840] =	vst v63  }
0xec: {  	s20 =	simm.s32 @!p0 $0x128;
	s25 =	simm.s32 @!p0 $0x5040  }
0xed: {  	[tilespmem:s25], [sflag:$0x1] =	stream.indirect.gather @!p0 [hbm4b:s5+s7], $0x40, s20, s7, $0xb8;
	[tilespmem:$0x1C840] =	vst v63  }
0xee: {  	_ =	swait.ge [sflag:s23], $0x1A00  }
0xef: {  	[sflag:s23] =	ssyncset.done $0x0  }
0xf0: {  	[sflag:s23] =	ssyncadd.s32 $0xFFFFE600  }
0xf1: {  	_ =	swait.ge [sflag:s23], $0x1A00  }
0xf2: {  	[sflag:s23] =	ssyncset.done $0x0  }
0xf3: {  	[sflag:s23] =	ssyncadd.s32 $0xFFFFE600  }
0xf4: {  	_ =	swait.ge [sflag:s23], $0x1A00  }
0xf5: {  	[sflag:s23] =	ssyncset.done $0x0  }
0xf6: {  	[sflag:s23] =	ssyncadd.s32 $0xFFFFE600  }
0xf7: {  	_ =	swait.ge [sflag:s23], $0x1A00  }
0xf8: {  	[sflag:s23] =	ssyncset.done $0x0  }
0xf9: {  	s7 =	simm.s32 $0x0;
	[sflag:s23] =	ssyncadd.s32 $0xFFFFE600  }
0xfa: {  	v0 =	vld [tilespmem:s7+$0x196B0]  }
0xfb: {  	v1 =	vld [tilespmem:s7+$0x19640]  }
0xfc: {  	v2 =	vld [tilespmem:s7+$0x19650]  }
0xfd: {  	v3 =	vld [tilespmem:s7+$0x19660]  }
0xfe: {  	v4 =	vld [tilespmem:s7+$0x19670]  }
0xff: {  	v5 =	vld [tilespmem:s7+$0x19680]  }
0x100: {  	v6 =	vld [tilespmem:s7+$0x19690]  }
0x101: {  	v7 =	vld [tilespmem:s7+$0x196A0]  }
0x102: {  	[tilespmem:s7+$0x100B0] =	vst.add.f32.msk $0xffff, v0  }
0x103: {  	[tilespmem:s7+$0xCE40] =	vst.add.f32.msk $0xffff, v1  }
0x104: {  	[tilespmem:s7+$0x10040] =	vst.add.f32.msk $0xffff, v1  }
0x105: {  	[tilespmem:s7+$0xCE50] =	vst.add.f32.msk $0xffff, v2  }
0x106: {  	[tilespmem:s7+$0x10050] =	vst.add.f32.msk $0xffff, v2  }
0x107: {  	[tilespmem:s7+$0xCE60] =	vst.add.f32.msk $0xffff, v3  }
0x108: {  	[tilespmem:s7+$0x10060] =	vst.add.f32.msk $0xffff, v3  }
0x109: {  	[tilespmem:s7+$0xCE70] =	vst.add.f32.msk $0xffff, v4  }
0x10a: {  	[tilespmem:s7+$0x10070] =	vst.add.f32.msk $0xffff, v4  }
0x10b: {  	[tilespmem:s7+$0xCE80] =	vst.add.f32.msk $0xffff, v5  }
0x10c: {  	[tilespmem:s7+$0x10080] =	vst.add.f32.msk $0xffff, v5  }
0x10d: {  	[tilespmem:s7+$0xCE90] =	vst.add.f32.msk $0xffff, v6  }
0x10e: {  	[tilespmem:s7+$0x10090] =	vst.add.f32.msk $0xffff, v6  }
0x10f: {  	[tilespmem:s7+$0xCEA0] =	vst.add.f32.msk $0xffff, v7  }
0x110: {  	s25 =	simm.s32 $0x0;
	s20 =	simm.s32 $0x200;
	[tilespmem:s7+$0x100A0] =	vst.add.f32.msk $0xffff, v7  }
.LBB2_7:
0x111: {  	s25 =	sadd.s32 $0x2, s25;
	[tilespmem:s7+$0xCEB0] =	vst.add.f32.msk $0xffff, v0;
	s7 =	sshra.s32 s20, $0x2  }
0x112: {  	v0 =	vld [tilespmem:s7+$0x196B0];
	p1 =	slt.u32 s25, $0xC6  }
0x113: {  	v1 =	vld [tilespmem:s7+$0x19640]  }
0x114: {  	v2 =	vld [tilespmem:s7+$0x19650]  }
0x115: {  	v3 =	vld [tilespmem:s7+$0x19660]  }
0x116: {  	v4 =	vld [tilespmem:s7+$0x19670]  }
0x117: {  	[tilespmem:s7+$0x100B0] =	vst.add.f32.msk $0xffff, v0  }
0x118: {  	v5 =	vld [tilespmem:s7+$0x19680]  }
0x119: {  	v6 =	vld [tilespmem:s7+$0x19690]  }
0x11a: {  	v7 =	vld [tilespmem:s7+$0x196A0]  }
0x11b: {  	[tilespmem:s7+$0xCE40] =	vst.add.f32.msk $0xffff, v1  }
0x11c: {  	[tilespmem:s7+$0x10040] =	vst.add.f32.msk $0xffff, v1  }
0x11d: {  	[tilespmem:s7+$0xCE50] =	vst.add.f32.msk $0xffff, v2  }
0x11e: {  	[tilespmem:s7+$0x10050] =	vst.add.f32.msk $0xffff, v2  }
0x11f: {  	[tilespmem:s7+$0xCE60] =	vst.add.f32.msk $0xffff, v3  }
0x120: {  	[tilespmem:s7+$0x10060] =	vst.add.f32.msk $0xffff, v3  }
0x121: {  	[tilespmem:s7+$0xCE70] =	vst.add.f32.msk $0xffff, v4  }
0x122: {  	[tilespmem:s7+$0x10070] =	vst.add.f32.msk $0xffff, v4  }
0x123: {  	[tilespmem:s7+$0xCE80] =	vst.add.f32.msk $0xffff, v5  }
.Ltmp2:
0x124: {  	[tilespmem:s7+$0x10080] =	vst.add.f32.msk $0xffff, v5;
	(pc) =	sbr.rel @p1 .LBB2_7-.Ltmp2, $4  }
0x125: {  	[tilespmem:s7+$0xCE90] =	vst.add.f32.msk $0xffff, v6  }
0x126: {  	[tilespmem:s7+$0x10090] =	vst.add.f32.msk $0xffff, v6  }
0x127: {  	[tilespmem:s7+$0xCEA0] =	vst.add.f32.msk $0xffff, v7  }
0x128: {  	s20 =	sadd.s32 $0x200, s20;
	[tilespmem:s7+$0x100A0] =	vst.add.f32.msk $0xffff, v7  }
0x129: {  	s20 =	smul.u32 $0xC80, s14  }
0x12a: {  	s25 =	smul.u32 $0x6400, s14;
	_ =	sdelay $0x1  }
0x12b: {  	[tilespmem:s7+$0xCEB0] =	vst.add.f32.msk $0xffff, v0;
	s20 =	sadd.s32 s8, s20;
	s31 =	sshrl.u32 s25, $0x3  }
0x12c: {  	[hbm4b:s20+s0] =	stream.strided.scatter [tilespmem:s19], [sflag:$0x7], $0x3200, s1, s0, $0x38;
	[tilespmem:$0x1C840] =	vst v63  }
0x12d: {  	s7 =	sadd.s32 s8, s31  }
0x12e: {  	s7 =	sadd.s32 $0xC80, s7  }
0x12f: {  	[hbm4b:s7+s0] =	stream.strided.scatter [tilespmem:s24], [sflag:$0x7], $0x3200, s1, s0, $0x38;
	[tilespmem:$0x1C840] =	vst v63  }
0x130: {  	s7 =	simm.s32 @!p0 $0x6  }
0x131: {  	_ =	swait.ge @!p0 [sflag:s7], $0x3200  }
0x132: {  	[sflag:s7] =	ssyncset.done @!p0 $0x0  }
0x133: {  	s14 =	sadd.s32 @!p0 s22, s13;
	[sflag:s7] =	ssyncadd.s32 @!p0 $0xFFFFCE00  }
0x134: {  	s14 =	smul.u32 @!p0 $0x19, s14;
	_ =	swait.ge @!p0 [sflag:s7], $0x3200  }
0x135: {  	s20 =	simm.s32 @!p0 $0x190;
	[sflag:s7] =	ssyncset.done @!p0 $0x0  }
0x136: {  	[sflag:s7] =	ssyncadd.s32 @!p0 $0xFFFFCE00;
	s7 =	sadd.s32 @!p0 s4, s14;
	s14 =	simm.s32 @!p0 $0x0  }
0x137: {  	[tilespmem:s20], [sflag:$0x9] =	stream.linear.gather @!p0 [hbm4b:s7+s14], $0x190, $0x38;
	[tilespmem:$0x1C840] =	vst v63  }
0x138: {  	s7 =	simm.s32 @!p0 $0x9  }
0x139: {  	_ =	swait.ge @!p0 [sflag:s7], $0x190  }
0x13a: {  	[sflag:s7] =	ssyncset.done @!p0 $0x0  }
0x13b: {  	s14 =	simm.s32 @!p0 $0x6A40;
	[sflag:s7] =	ssyncadd.s32 @!p0 $0xFFFFFE70;
	s7 =	simm.s32 @!p0 $0x68  }
0x13c: {  	[tilespmem:s14], [sflag:$0x2] =	stream.indirect.gather @!p0 [hbm4b:s5+s7], $0x40, s20, s7, $0xb8;
	[tilespmem:$0x1C840] =	vst v63  }
0x13d: {  	s14 =	simm.s32 @!p0 $0x1F0;
	s20 =	simm.s32 @!p0 $0x8240  }
0x13e: {  	[tilespmem:s20], [sflag:$0x2] =	stream.indirect.gather @!p0 [hbm4b:s5+s7], $0x40, s14, s7, $0xb8;
	[tilespmem:$0x1C840] =	vst v63  }
0x13f: {  	s14 =	simm.s32 @!p0 $0x258;
	s20 =	simm.s32 @!p0 $0x9C40  }
0x140: {  	[tilespmem:s20], [sflag:$0x2] =	stream.indirect.gather @!p0 [hbm4b:s5+s7], $0x40, s14, s7, $0xb8;
	[tilespmem:$0x1C840] =	vst v63  }
0x141: {  	s14 =	simm.s32 @!p0 $0x2B8;
	s20 =	simm.s32 @!p0 $0xB440  }
0x142: {  	[tilespmem:s20], [sflag:$0x2] =	stream.indirect.gather @!p0 [hbm4b:s5+s7], $0x40, s14, s7, $0xb8;
	[tilespmem:$0x1C840] =	vst v63  }
0x143: {  	_ =	swait.ge [sflag:s28], $0x1A00  }
0x144: {  	[sflag:s28] =	ssyncset.done $0x0  }
0x145: {  	[sflag:s28] =	ssyncadd.s32 $0xFFFFE600  }
0x146: {  	_ =	swait.ge [sflag:s28], $0x1A00  }
0x147: {  	[sflag:s28] =	ssyncset.done $0x0  }
0x148: {  	[sflag:s28] =	ssyncadd.s32 $0xFFFFE600  }
0x149: {  	_ =	swait.ge [sflag:s28], $0x1A00  }
0x14a: {  	[sflag:s28] =	ssyncset.done $0x0  }
0x14b: {  	[sflag:s28] =	ssyncadd.s32 $0xFFFFE600  }
0x14c: {  	_ =	swait.ge [sflag:s28], $0x1A00  }
0x14d: {  	[sflag:s28] =	ssyncset.done $0x0  }
0x14e: {  	s7 =	simm.s32 $0x0;
	[sflag:s28] =	ssyncadd.s32 $0xFFFFE600  }
0x14f: {  	v0 =	vld [tilespmem:s7+$0x196B0]  }
0x150: {  	v1 =	vld [tilespmem:s7+$0x19640]  }
0x151: {  	v2 =	vld [tilespmem:s7+$0x19650]  }
0x152: {  	v3 =	vld [tilespmem:s7+$0x19660]  }
0x153: {  	v4 =	vld [tilespmem:s7+$0x19670]  }
0x154: {  	v5 =	vld [tilespmem:s7+$0x19680]  }
0x155: {  	v6 =	vld [tilespmem:s7+$0x19690]  }
0x156: {  	v7 =	vld [tilespmem:s7+$0x196A0]  }
0x157: {  	[tilespmem:s7+$0x164B0] =	vst.add.f32.msk $0xffff, v0  }
0x158: {  	[tilespmem:s7+$0x13240] =	vst.add.f32.msk $0xffff, v1  }
0x159: {  	[tilespmem:s7+$0x16440] =	vst.add.f32.msk $0xffff, v1  }
0x15a: {  	[tilespmem:s7+$0x13250] =	vst.add.f32.msk $0xffff, v2  }
0x15b: {  	[tilespmem:s7+$0x16450] =	vst.add.f32.msk $0xffff, v2  }
0x15c: {  	[tilespmem:s7+$0x13260] =	vst.add.f32.msk $0xffff, v3  }
0x15d: {  	[tilespmem:s7+$0x16460] =	vst.add.f32.msk $0xffff, v3  }
0x15e: {  	[tilespmem:s7+$0x13270] =	vst.add.f32.msk $0xffff, v4  }
0x15f: {  	[tilespmem:s7+$0x16470] =	vst.add.f32.msk $0xffff, v4  }
0x160: {  	[tilespmem:s7+$0x13280] =	vst.add.f32.msk $0xffff, v5  }
0x161: {  	[tilespmem:s7+$0x16480] =	vst.add.f32.msk $0xffff, v5  }
0x162: {  	[tilespmem:s7+$0x13290] =	vst.add.f32.msk $0xffff, v6  }
0x163: {  	[tilespmem:s7+$0x16490] =	vst.add.f32.msk $0xffff, v6  }
0x164: {  	[tilespmem:s7+$0x132A0] =	vst.add.f32.msk $0xffff, v7  }
0x165: {  	s14 =	simm.s32 $0x0;
	s20 =	simm.s32 $0x200;
	[tilespmem:s7+$0x164A0] =	vst.add.f32.msk $0xffff, v7  }
.LBB2_9:
0x166: {  	s14 =	sadd.s32 $0x2, s14;
	[tilespmem:s7+$0x132B0] =	vst.add.f32.msk $0xffff, v0;
	s7 =	sshra.s32 s20, $0x2  }
0x167: {  	v0 =	vld [tilespmem:s7+$0x196B0];
	p0 =	slt.u32 s14, $0xC6  }
0x168: {  	v1 =	vld [tilespmem:s7+$0x19640]  }
0x169: {  	v2 =	vld [tilespmem:s7+$0x19650]  }
0x16a: {  	v3 =	vld [tilespmem:s7+$0x19660]  }
0x16b: {  	v4 =	vld [tilespmem:s7+$0x19670]  }
0x16c: {  	[tilespmem:s7+$0x164B0] =	vst.add.f32.msk $0xffff, v0  }
0x16d: {  	v5 =	vld [tilespmem:s7+$0x19680]  }
0x16e: {  	v6 =	vld [tilespmem:s7+$0x19690]  }
0x16f: {  	v7 =	vld [tilespmem:s7+$0x196A0]  }
0x170: {  	[tilespmem:s7+$0x13240] =	vst.add.f32.msk $0xffff, v1  }
0x171: {  	[tilespmem:s7+$0x16440] =	vst.add.f32.msk $0xffff, v1  }
0x172: {  	[tilespmem:s7+$0x13250] =	vst.add.f32.msk $0xffff, v2  }
0x173: {  	[tilespmem:s7+$0x16450] =	vst.add.f32.msk $0xffff, v2  }
0x174: {  	[tilespmem:s7+$0x13260] =	vst.add.f32.msk $0xffff, v3  }
0x175: {  	[tilespmem:s7+$0x16460] =	vst.add.f32.msk $0xffff, v3  }
0x176: {  	[tilespmem:s7+$0x13270] =	vst.add.f32.msk $0xffff, v4  }
0x177: {  	[tilespmem:s7+$0x16470] =	vst.add.f32.msk $0xffff, v4  }
0x178: {  	[tilespmem:s7+$0x13280] =	vst.add.f32.msk $0xffff, v5  }
.Ltmp3:
0x179: {  	[tilespmem:s7+$0x16480] =	vst.add.f32.msk $0xffff, v5;
	(pc) =	sbr.rel @p0 .LBB2_9-.Ltmp3, $4  }
0x17a: {  	[tilespmem:s7+$0x13290] =	vst.add.f32.msk $0xffff, v6  }
0x17b: {  	[tilespmem:s7+$0x16490] =	vst.add.f32.msk $0xffff, v6  }
0x17c: {  	[tilespmem:s7+$0x132A0] =	vst.add.f32.msk $0xffff, v7  }
0x17d: {  	s20 =	sadd.s32 $0x200, s20;
	[tilespmem:s7+$0x164A0] =	vst.add.f32.msk $0xffff, v7  }
0x17e: {  	s14 =	smul.u32 $0xC80, s26  }
0x17f: {  	s26 =	smul.u32 $0x6400, s26;
	s29 =	sadd.s32 $0x1, s29  }
0x180: {  	p0 =	sne.s32 s29, $0x40  }
.Ltmp4:
0x181: {  	[tilespmem:s7+$0x132B0] =	vst.add.f32.msk $0xffff, v0;
	s25 =	sadd.s32 s8, s14;
	s31 =	sshrl.u32 s26, $0x3;
	(pc) =	sbr.rel @p0 .LBB2_2-.Ltmp4, $4  }
0x182: {  	[hbm4b:s25+s0] =	stream.strided.scatter [tilespmem:s9], [sflag:$0x8], $0x3200, s1, s0, $0x38;
	[tilespmem:$0x1C840] =	vst v63  }
0x183: {  	s7 =	sadd.s32 s8, s31  }
0x184: {  	s7 =	sadd.s32 $0xC80, s7  }
0x185: {  	[hbm4b:s7+s0] =	stream.strided.scatter [tilespmem:s2], [sflag:$0x8], $0x3200, s1, s0, $0x38;
	[tilespmem:$0x1C840] =	vst v63  }
0x186: {  	s7 =	simm.s32 $0x7  }
0x187: {  	_ =	swait.ge [sflag:s7], $0x3200  }
0x188: {  	[sflag:s7] =	ssyncset.done $0x0  }
0x189: {  	[sflag:s7] =	ssyncadd.s32 $0xFFFFCE00  }
0x18a: {  	_ =	swait.ge [sflag:s7], $0x3200  }
0x18b: {  	[sflag:s7] =	ssyncset.done $0x0  }
0x18c: {  	s14 =	simm.s32 $0x8;
	[sflag:s7] =	ssyncadd.s32 $0xFFFFCE00  }
0x18d: {  	_ =	swait.ge [sflag:s14], $0x3200  }
0x18e: {  	[sflag:s14] =	ssyncset.done $0x0  }
0x18f: {  	[sflag:s14] =	ssyncadd.s32 $0xFFFFCE00  }
0x190: {  	_ =	swait.ge [sflag:s14], $0x3200  }
0x191: {  	s20 =	rddreg [dreg:$0x6]  }
0x192: {  	s31 =	rddreg [dreg:$0x5];
	s20 =	sadd.s32 $0x1, s20  }
0x193: {  	p0 =	sne.s32 s20, s31  }
.Ltmp5:
0x194: {  	_ = 	snop;
	(pc) =	sbr.rel @p0 .LBB2_1-.Ltmp5, $3  }
0x195: {  	_ =	sdelay $0x1  }
0x196: {  	[sflag:s14] =	ssyncset.done $0x0  }
0x197: {  	[sflag:s14] =	ssyncadd.s32 $0xFFFFCE00  }
0x198: {  	_ =	sfence.sel $0x180000  }
0x199: {  	[bflag:$0x0] =	sbarrier.arrive $0xFFFF  }
0x19a: {  	_ =	strace $0x90000047  }
0x19b: {  	s0 =	stileid.u32;
	[bflag:$0x2] =	sbarrier.arrive $0xFFFF  }
0x19c: {  	p0 =	sne.s32 s0, $0x0;
	s0 =	rddreg [dreg:$0x1]  }
0x19d: {  	s0 =	sadd.s32 @!p0 $0x100000, s0  }
0x19e: {  	[sflag:s0] =	ssyncadd.tile.s32 @!p0 $0x1;
	_ =	shalt  }
.Lfunc_end2:
_tile_overlayer_lowered:
.L_overlay_start_2:
0x19f: {  	(tag) =	ssettag $0x2  }
0x1a0: {  	s0 =	rddreg [dreg:$0x0];
	s2 =	stileid.u32  }
0x1a1: {  	s1 =	rddreg [dreg:$0x1];
	p0 =	sne.s32 s2, $0x0  }
0x1a2: {  	s3 =	rddreg [dreg:$0x2];
	[bflag:$0x3] =	sbarrier.arrive $0xFFFF;
	s2 =	simm.s32 @!p0 $0x1C09  }
0x1a3: {  	[timem:s3], [sflag:s2] =	dma.local @!p0 [hbm:s0], s1  }
0x1a4: {  	s0 =	simm.s32 @!p0 $0x9  }
0x1a5: {  	_ =	swait.ge @!p0 [sflag:s0], s1  }
0x1a6: {  	s1 =	ssub.s32 @!p0 $0x0, s1;
	[sflag:s0] =	ssyncset.done @!p0 $0x0  }
0x1a7: {  	[sflag:s0] =	ssyncadd.s32 @!p0 s1  }
0x1a8: {  	[bflag:$0x3] =	sbarrier.arrive $0xFFFF  }
0x1a9: {  	_ =	shalt  }

// kernel: sparse-core-data-format-call.cloned.1.call-start
scs
called_computation_lowered:
.L_overlay_start_0:
0x0: {  	s2 =	sld [smem:$0x3FD9]  }
0x1: {  	s3 =	sld [smem:$0x3FFE];
	_ =	sdelay $0x1  }
0x2: {  	s1 =	srdreg.scid  }
0x3: {  	s0 =	sand.u32 $0x1, s1  }
0x4: {  	s18 =	sshll.u32 s0, $0xA;
	s2 =	sadd.s32 s3, s2  }
0x5: {  	s2 =	sadd.s32 s2, s18  }
0x6: {  	[smem:$0x3FC5] =	sst s2  }
0x7: {  	_ = 	snop  }
0x8: {  	s2 =	sld [smem:$0x3FD0];
	(tm) =	ssettm $0x1  }
0x9: {  	s19 =	sld [smem:$0x3FFB];
	_ =	sdelay $0x3  }
0xa: {  	_ =	strace s19  }
0xb: {  	s3 =	sld [smem:$0x3FFC];
	_ =	sdelay $0x3  }
0xc: {  	_ =	strace s3  }
0xd: {  	s3 =	sld [smem:$0x3FFD];
	_ =	sdelay $0x3  }
0xe: {  	_ =	strace s3  }
0xf: {  	_ =	strace $0x8FFFFFFF  }
0x10: {  	s20 =	sld [smem:$0x3FDB];
	_ =	sdelay $0x1  }
0x11: {  	s4 =	simm.s32 $_scs_section_size  }
0x12: {  	s5 =	simm.s32 $_size__tile_overlayer_lowered;
	s6 =	simm.s32 $_tile_overlayer_lowered  }
0x13: {  	s23 =	simm.s32 $0x1BFF;
	s22 =	sshll.u32 s6, $0x1;
	s3 =	sadd.s32 s4, s20  }
0x14: {  	s7 =	simm.s32 $0x0;
	s21 =	sshll.u32 s5, $0x1;
	s5 =	sadd.s32 s22, s3  }
0x15: {  	[timem:s7], [sflag:s23] =	dma.local [hbm:s5], s21  }
0x16: {  	_ =	swait.ge [sflag:s23], s21  }
0x17: {  	s4 =	ssub.s32 $0x0, s21;
	[sflag:s23] =	ssyncset.done $0x0  }
0x18: {  	[sflag:s23] =	ssyncadd.s32 s4;
	_ =	sdelay $0x1  }
0x19: {  	s24 =	simm.s32 $0x1B8B  }
0x1a: {  	_ =	swait.ge [sflag:s24], $0x1  }
0x1b: {  	[sflag:s24] =	ssyncset.done $0x0  }
0x1c: {  	s26 =	simm.s32 $0x1B8E;
	s25 =	sld [smem:$0x3FFE];
	[sflag:s24] =	ssyncadd.s32 $0xFFFFFFFF  }
0x1d: {  	s27 =	simm.s32 $execute0_lowered;
	[smem:$0x3FD2] =	sst s26  }
0x1e: {  	s5 =	sshll.u32 s27, $0x1;
	_ =	strace $0x80000049;
	[dreg:$0x1] =	wrdreg $0xFFFFFFFF  }
0x1f: {  	s28 =	simm.s32 $_size_execute0_lowered;
	s3 =	sadd.s32 s3, s5;
	[dreg:$0x0] =	wrdreg $0x0  }
0x20: {  	s5 =	sshll.u32 s28, $0x1;
	[dreg:$0x2] =	wrdreg s3  }
0x21: {  	[dreg:$0x3] =	wrdreg s5  }
0x22: {  	[dreg:$0x4] =	wrdreg $0xC0  }
0x23: {  	_ =	task [dreg:s7], $0x5FFFF  }
0x24: {  	[dreg:$0x1] =	wrdreg $0xFFFFFFFF  }
0x25: {  	[dreg:$0x0] =	wrdreg $0x60  }
0x26: {  	[dreg:$0x2] =	wrdreg s25  }
0x27: {  	[dreg:$0x3] =	wrdreg s2  }
0x28: {  	[dreg:$0x4] =	wrdreg $0x9  }
0x29: {  	_ =	task.clear_ibuf [dreg:s7], $0x5FFFF;
	_ =	strace $0x90000049  }
0x2a: {  	s29 =	simm.s32 $0x9;
	_ =	strace $0x8000004B  }
0x2b: {  	_ =	swait.ge [sflag:s29], $0x1  }
0x2c: {  	[sflag:s29] =	ssyncadd.s32 $0xFFFFFFFF  }
0x2d: {  	_ =	strace $0x9000004B  }
0x2e: {  	_ =	sfence  }
0x2f: {  	s30 =	sld [smem:$0x0];
	_ =	sdelay $0x2  }
0x30: {  	s31 =	sshll.u32 s1, $0xD;
	s1 =	sshrl.u32 s1, $0x2  }
0x31: {  	s3 =	sand.u32 $0x4000, s31;
	s1 =	sadd.s32 s1, s30  }
0x32: {  	s0 =	sor.u32 s3, s0;
	s1 =	sshll.u32 s1, $0x11  }
0x33: {  	s0 =	sor.u32 s1, s0  }
0x34: {  	s0 =	sadd.s32 $0x8F2B, s0  }
0x35: {  	[sflag:s0] =	ssyncadd.remote.s32 $0x1  }
0x36: {  	_ =	sfence.sel $0xFFFF  }
0x37: {  	[dreg:$0x0] =	wrdreg $0xFFFFFFFF;
	(pc) =	sbr.abs _section_cstart, $3  }
0x38: {  	[dreg:$0x1] =	wrdreg $0xFFFFFFFF  }
0x39: {  	_ =	task.clear_ibuf [dreg:s7], $0x2FFFF;
	_ =	strace $0x9FFFFFFF  }
0x3a: {  	(tm) =	ssettm $0x7FFFFFFF  }
0x3b: {  	_ =	shalt  }
tec
execute0_lowered:
.L_overlay_start_1:
0x0: {  	(tag) =	ssettag $0x1  }
0x1: {  	s0 =	srdreg.scid  }
0x2: {  	s1 =	sshll.u32 s0, $0x4  }
0x3: {  	s0 =	stileid.u32;
	s1 =	sand.u32 $0x10, s1  }
0x4: {  	s1 =	sor.u32 s0, s1  }
0x5: {  	s6 =	rddreg [dreg:$0x0];
	s4 =	simm.s32 $0x1;
	s2 =	sshll.u32 s1, $0x7  }
0x6: {  	s7 =	simm.s32 $0x2;
	s12 =	simm.s32 $0x0;
	s1 =	ssub.s32 $0x4000, s2  }
0x7: {  	s8 =	simm.s32 $0x20000;
	s13 =	simm.s32 $0x0;
	s3 =	sand.u32 $0xF80, s1  }
0x8: {  	s9 =	simm.s32 $0x0;
	s5 =	sshrl.u32 s1, $0xC;
	p0 =	sne.s32 s3, $0x0  }
.Ltmp0:
0x9: {  	s1 =	rddreg [dreg:$0x2];
	s4 =	simm.s32 @!p0 $0x0;
	(pc) =	sbr.rel .LBB1_1-.Ltmp0, $4  }
0xa: {  	s11 =	simm.s32 $0x0;
	s3 =	rddreg [dreg:$0x1];
	s5 =	sadd.s32 s4, s5  }
0xb: {  	_ =	strace $0x8000004A;
	s4 =	simm.s32 $0x1;
	s5 =	smul.u32 $0xC8, s5  }
0xc: {  	s6 =	sadd.s32 $0x129E00, s6;
	s10 =	smov.u32 s2;
	[sflag:s4] =	ssyncpa.u1 $0x0  }
0xd: {  	p0 =	por $0x0, $0x0;
	[sflag:s7] =	ssyncpa.u1 $0x0;
	s7 =	sor.u32 $0x1, s5  }
.LBB1_4:
0xe: {  	s16 =	sshll.u32 s13, $0x3;
	s17 =	sand.u32 $0x78, s13  }
0xf: {  	s30 =	sand.u32 $0x1F800, s13;
	s12 =	sshll.u32 s12, $0x11;
	s16 =	sand.u32 $0x3C00, s16  }
0x10: {  	[tilespmem:s15+$0x810 ss:$0x81] =	vst.msk $0xffff, v2;
	s31 =	sand.u32 $0x7, s13;
	s16 =	sor.u32 s17, s16;
	s17 =	sadd.s32 s3, s30  }
0x11: {  	[tilespmem:s15+$0x1020 ss:$0x81] =	vst.msk $0xffff, v0;
	s13 =	sshll.u32 s31, $0x12;
	s12 =	sadd.s32 s12, s17;
	s16 =	sshrl.u32 s16, $0x3  }
0x12: {  	[tilespmem:s15+$0x0 ss:$0x81] =	vst.msk $0xffff, v1;
	s13 =	sor.u32 $0x400, s13;
	s12 =	sadd.s32 s16, s12  }
0x13: {  	[hbm4b:s12+s13] =	stream.strided.scatter [tilespmem:s14], [sflag:$0x2], $0x2000, s8, s13, $0x20;
	[tilespmem:$0x8080] =	vst v63  }
.LBB1_5:
0x14: {  	s14 =	sadd.s32 $0x1, s9  }
0x15: {  	s12 =	sadd.s32 $0x1000, s10;
	s16 =	smov.u32 s10;
	p2 =	sgt.s32 s14, $0xC7  }
0x16: {  	s16 =	smov.u32 @p2 s12  }
0x17: {  	s14 =	simm.s32 @p2 $0x0;
	p2 =	sgt.s32 s16, $0x3FFF  }
0x18: {  	s16 =	smov.u32 @p2 s2;
	p2 =	sne.s32 s11, s7  }
.Ltmp1:
0x19: {  	p1 =	slt.u32 s11, $0x2;
	(pc) =	sbr.rel @!p2 .LBB1_6-.Ltmp1, $4  }
0x1a: {  	s15 =	simm.s32 @!p1 $0x2  }
0x1b: {  	s13 =	smov.u32 s10;
	p0 =	por !p0, !p0;
	_ =	swait.ge @!p1 [sflag:s15], $0x2000  }
0x1c: {  	s12 =	smov.u32 s9;
	[sflag:s15] =	ssyncset.done @!p1 $0x0;
	s9 =	smov.u32 s14  }
0x1d: {  	s11 =	sadd.s32 $0x1, s11;
	[sflag:s15] =	ssyncadd.s32 @!p1 $0xFFFFE000;
	s10 =	smov.u32 s16  }
.LBB1_1:
0x1e: {  	p1 =	sge.u32 s11, s5  }
0x1f: {  	s14 =	sand.u32 @!p1 $0x1FFFFFF, s9  }
0x20: {  	s15 =	smulhi.u32 @!p1 $0x147AE15, s14;
	_ =	sdelay $0x1  }
0x21: {  	s15 =	smul.u32 @!p1 $0xC8, s15  }
0x22: {  	s16 =	sxor.u32 @!p1 $0xFFFFFFFF, s11;
	s17 =	smul.u32 @!p1 $0xC80, s10  }
0x23: {  	s31 =	sadd.s32 $0xFFFFFFFF, s11;
	s16 =	sshll.u32 @!p1 s16, $0xD;
	s14 =	ssub.s32 @!p1 s14, s15  }
0x24: {  	s15 =	sand.u32 @!p1 $0x2000, s16;
	s16 =	sadd.s32 @!p1 s6, s17;
	s14 =	sshll.u32 @!p1 s14, $0x4  }
0x25: {  	s17 =	simm.s32 @!p1 $0x6400;
	s14 =	sadd.s32 @!p1 s14, s16;
	s16 =	simm.s32 @!p1 $0x40  }
0x26: {  	[tilespmem:s15], [sflag:$0x1] =	stream.strided.gather @!p1 [hbm4b:s14+s16], $0x2000, s17, s16, $0x38;
	[tilespmem:$0x8080] =	vst v63  }
0x27: {  	p1 =	sge.u32 s31, s5  }
.Ltmp2:
0x28: {  	_ = 	snop;
	(pc) =	sbr.rel @p1 .LBB1_5-.Ltmp2, $1  }
0x29: {  	_ =	sdelay $0x3  }
0x2a: {  	s14 =	simm.s32 $0x1  }
0x2b: {  	_ =	swait.ge [sflag:s4], $0x2000;
	s14 =	simm.s32 @!p0 $0x0  }
0x2c: {  	[sflag:s4] =	ssyncset.done $0x0;
	s15 =	sshll.u32 s14, $0xD  }
0x2d: {  	[sflag:s4] =	ssyncadd.s32 $0xFFFFE000;
	s18 =	sor.u32 $0x20, s15  }
0x2e: {  	s14 =	smul.u32 $0x8100, s14;
	v3 =	vld [tilespmem:s18+$0x10]  }
0x2f: {  	s30 =	sand.u32 $0x1, s11;
	v2 =	vld [tilespmem:s18+$0xFFFFFFF0]  }
0x30: {  	s15 =	smul.u32 $0x8100, s30;
	s14 =	sshrl.u32 s14, $0x2;
	v0 =	vld [tilespmem:s18+$0x0]  }
0x31: {  	v1 =	vld [tilespmem:s18+$0xFFFFFFE0];
	s16 =	sor.u32 $0x4000, s14  }
0x32: {  	s31 =	sshrl.u32 s15, $0x2;
	s15 =	sadd.s32 $0x0, s16  }
0x33: {  	s17 =	simm.s32 $0x4;
	s18 =	sadd.s32 $0x40, s18;
	s14 =	sor.u32 $0x4000, s31;
	[tilespmem:s15+$0x1830 ss:$0x81] =	vst.msk $0xffff, v3  }
.LBB1_3:
0x34: {  	v3 =	vld [tilespmem:s18+$0x10];
	p1 =	sne.s32 s17, $0x1FC;
	[tilespmem:s15+$0x810 ss:$0x81] =	vst.msk $0xffff, v2;
	s19 =	smov.u32 s17;
	s17 =	sadd.s32 $0x4, s17  }
.Ltmp3:
0x35: {  	v2 =	vld [tilespmem:s18+$0xFFFFFFF0];
	[tilespmem:s15+$0x1020 ss:$0x81] =	vst.msk $0xffff, v0;
	(pc) =	sbr.rel @p1 .LBB1_3-.Ltmp3, $4  }
0x36: {  	v0 =	vld [tilespmem:s18+$0x0];
	[tilespmem:s15+$0x0 ss:$0x81] =	vst.msk $0xffff, v1  }
0x37: {  	s15 =	sshra.s32 s19, $0x2;
	v1 =	vld [tilespmem:s18+$0xFFFFFFE0]  }
0x38: {  	s15 =	sadd.s32 s15, s16  }
0x39: {  	s18 =	sadd.s32 $0x40, s18;
	[tilespmem:s15+$0x1830 ss:$0x81] =	vst.msk $0xffff, v3  }
.Ltmp4:
0x3a: {  	_ = 	snop;
	(pc) =	sbr.rel .LBB1_4-.Ltmp4, $1  }
0x3b: {  	_ =	sdelay $0x3  }
.LBB1_6:
0x3c: {  	_ =	sfence.sel $0x180000  }
0x3d: {  	s2 =	simm.s32 $0x1;
	[bflag:$0x0] =	sbarrier.arrive $0xFFFF  }
0x3e: {  	s31 =	simm.s32 $0x2;
	[sflag:s2] =	ssyncpa.u1 $0x1  }
0x3f: {  	[sflag:s31] =	ssyncpa.u1 $0x1  }
0x40: {  	p0 =	sne.s32 s0, $0x0;
	_ =	strace $0x9000004A  }
0x41: {  	s0 =	sadd.s32 @!p0 $0x100000, s1;
	[bflag:$0x2] =	sbarrier.arrive $0xFFFF  }
0x42: {  	[sflag:s0] =	ssyncadd.tile.s32 @!p0 $0x1;
	_ =	shalt  }
.Lfunc_end1:
_tile_overlayer_lowered:
.L_overlay_start_2:
0x43: {  	(tag) =	ssettag $0x2  }
0x44: {  	s0 =	rddreg [dreg:$0x0];
	s2 =	stileid.u32  }
0x45: {  	s1 =	rddreg [dreg:$0x1];
	p0 =	sne.s32 s2, $0x0  }
0x46: {  	s3 =	rddreg [dreg:$0x2];
	[bflag:$0x3] =	sbarrier.arrive $0xFFFF;
	s2 =	simm.s32 @!p0 $0x1C01  }
0x47: {  	[timem:s3], [sflag:s2] =	dma.local @!p0 [hbm:s0], s1  }
0x48: {  	s0 =	simm.s32 @!p0 $0x1  }
0x49: {  	_ =	swait.ge @!p0 [sflag:s0], s1  }
0x4a: {  	s1 =	ssub.s32 @!p0 $0x0, s1;
	[sflag:s0] =	ssyncset.done @!p0 $0x0  }
0x4b: {  	[sflag:s0] =	ssyncadd.s32 @!p0 s1  }
0x4c: {  	[bflag:$0x3] =	sbarrier.arrive $0xFFFF  }
0x4d: {  	_ =	shalt  }

</sc_bundles>
